<compile_context>
chip_gen: v7x
topology: tpu7x:2x2x1
jax: 0.10.2.dev20260603
libtpu: 0.0.44.dev20260713+nightly
codegen_flags: <defaults>
</compile_context>

<pallas_src>
import functools

import jax
import jax.numpy as jnp
from jax import lax
from jax.experimental import pallas as pl
from jax.experimental.pallas import tpu as pltpu
from jax.experimental.pallas import tpu_sc as plsc

B = 8
N_TOKEN = 512
N_CHAR = 8
FLAT = N_TOKEN * N_CHAR
SEQ = 2048
TEXT_D = 512
TOK_D = 768
EPS = 1e-6
ROWS = B * 32
BUFW = FLAT + 16
HALF_D = TEXT_D // 2

_info = plsc.get_sparse_core_info()
NC, NS = _info.num_cores, _info.num_subcores
NW = NC * NS

_MESH = plsc.VectorSubcoreMesh(core_axis_name="c", subcore_axis_name="s")
_HI = lax.Precision.HIGHEST


def _bf16_bits(x):
    u = jax.lax.bitcast_convert_type(x, jnp.int32)
    r = u + 0x7FFF + ((u >> 16) & 1)
    return (r >> 16) & 0xFFFF


def _tc_prep_body(mask_ref, cid_ref, text_ref, dest_ref, packed_ref, cnt_ref,
                  tbl_ref):
    f32 = jnp.float32
    i32 = jnp.int32
    mi = mask_ref[...]
    m2 = mi.astype(f32)
    a_ = lax.broadcasted_iota(i32, (ROWS, ROWS), 0)
    b_ = lax.broadcasted_iota(i32, (ROWS, ROWS), 1)
    lt_bd = ((b_ < a_) & (b_ // 32 == a_ // 32)).astype(f32)
    prev_rows = lax.dot_general(lt_bd, m2, (((1,), (0,)), ((), ())),
                                precision=_HI, preferred_element_type=f32)
    rowoff = jnp.sum(prev_rows, axis=-1, keepdims=True)
    cp = lax.broadcasted_iota(i32, (128, 128), 0)
    cc = lax.broadcasted_iota(i32, (128, 128), 1)
    lt_incl = (cp <= cc).astype(f32)
    incl = lax.dot_general(m2, lt_incl, (((1,), (0,)), ((), ())),
                           precision=_HI, preferred_element_type=f32) + rowoff
    row = lax.broadcasted_iota(i32, (ROWS, 128), 0)
    col = lax.broadcasted_iota(i32, (ROWS, 128), 1)
    base = lax.rem(row // 32, 4) * BUFW
    dest_ref[...] = base + jnp.where(mi != 0, incl.astype(i32) - 1,
                                     FLAT + lax.rem(col, 16))
    tok = (lax.rem(row, 32) * 128 + col) // N_CHAR
    packed_ref[...] = (cid_ref[...] + 1) + tok * 4096
    rowsum = jnp.sum(m2, axis=-1, keepdims=True)
    bb = lax.broadcasted_iota(i32, (B, ROWS), 0)
    rr = lax.broadcasted_iota(i32, (B, ROWS), 1)
    ind = (rr // 32 == bb).astype(f32)
    total = lax.dot_general(ind, rowsum, (((1,), (0,)), ((), ())),
                            precision=_HI, preferred_element_type=f32)
    cnt_ref[...] = jnp.broadcast_to(total.astype(i32), (B, 128))
    tx = text_ref[...]
    lo = _bf16_bits(tx[:, :HALF_D])
    hi = _bf16_bits(tx[:, HALF_D:])
    tbl_ref[...] = lo | (hi << 16)


def _tc_prep(mask2d, cid2d, text_embed):
    return pl.pallas_call(
        _tc_prep_body,
        out_shape=[
            jax.ShapeDtypeStruct((ROWS, 128), jnp.int32),
            jax.ShapeDtypeStruct((ROWS, 128), jnp.int32),
            jax.ShapeDtypeStruct((B, 128), jnp.int32),
            jax.ShapeDtypeStruct((SEQ + 1, HALF_D), jnp.int32),
        ],
    )(mask2d, cid2d, text_embed)


TOK_ROWS_PER_W = (B * N_TOKEN) // NW
TOK_CHUNK = 64
TOK_NCHUNK = TOK_ROWS_PER_W // TOK_CHUNK


@functools.partial(
    pl.kernel,
    mesh=_MESH,
    out_type=jax.ShapeDtypeStruct((B * N_TOKEN, TOK_D), jnp.float32),
    scratch_types=[
        pltpu.VMEM((TOK_CHUNK,), jnp.int32),
        pltpu.VMEM((TOK_CHUNK,), jnp.int32),
        pltpu.VMEM((TOK_CHUNK, TOK_D), jnp.float32),
        pltpu.VMEM((TOK_CHUNK, TOK_D), jnp.float32),
        pltpu.SemaphoreType.DMA,
        pltpu.SemaphoreType.DMA,
    ],
)
def _sc_token_gather(token_ids_hbm, token_embed_hbm, temb_out,
                     idx0_v, idx1_v, rows0_v, rows1_v, sem_g, sem_o):
    wid = lax.axis_index("s") * NC + lax.axis_index("c")
    idx = [idx0_v, idx1_v]
    rows = [rows0_v, rows1_v]
    gat = [None] * TOK_NCHUNK
    out = [None] * TOK_NCHUNK
    for k in range(TOK_NCHUNK):
        base = wid * TOK_ROWS_PER_W + k * TOK_CHUNK
        pltpu.sync_copy(token_ids_hbm.at[pl.ds(base, TOK_CHUNK)], idx[k % 2])
        gat[k] = pltpu.async_copy(token_embed_hbm.at[idx[k % 2]],
                                  rows[k % 2], sem_g)
    for k in range(TOK_NCHUNK):
        base = wid * TOK_ROWS_PER_W + k * TOK_CHUNK
        gat[k].wait()
        out[k] = pltpu.async_copy(rows[k % 2],
                                  temb_out.at[pl.ds(base, TOK_CHUNK)], sem_o)
    for k in range(TOK_NCHUNK):
        out[k].wait()


CHAR_CHUNK = 128
CHAR_NCHUNK = 512 // CHAR_CHUNK


@functools.partial(
    pl.kernel,
    mesh=_MESH,
    out_type=[
        jax.ShapeDtypeStruct((B * SEQ,), jnp.int32),
        jax.ShapeDtypeStruct((B * SEQ, HALF_D), jnp.int32),
    ],
    scratch_types=[
        pltpu.VMEM((32, 128), jnp.int32),
        pltpu.VMEM((32, 128), jnp.int32),
        pltpu.VMEM((CHAR_CHUNK,), jnp.int32),
        pltpu.VMEM((CHAR_CHUNK,), jnp.int32),
        pltpu.VMEM((CHAR_CHUNK, HALF_D), jnp.int32),
        pltpu.VMEM((CHAR_CHUNK, HALF_D), jnp.int32),
        pltpu.VMEM((SEQ,), jnp.int32),
        pltpu.VMEM_SHARED((4 * BUFW,), jnp.int32),
        pltpu.SemaphoreType.DMA,
        pltpu.SemaphoreType.DMA,
    ],
)
def _sc_compact_gather(packed_hbm, dest_hbm, tbl_hbm, ids_out, gath_out,
                       vals_v, dst_v, idx0_v, idx1_v, rows0_v, rows1_v,
                       bounce_v, shared_v, sem, sem_o):
    c = lax.axis_index("c")
    s = lax.axis_index("s")

    @pl.when(s < 4)
    def _():
        b = c * 4 + s
        pltpu.sync_copy(packed_hbm.at[b], vals_v)
        pltpu.sync_copy(dest_hbm.at[b], dst_v)

        def scat_body(j4, carry):
            ds = []
            for p in range(8):
                j = j4 * 8 + p
                ds.append(pltpu.async_copy(
                    vals_v.at[j], shared_v.at[dst_v.at[j]], sem))
            for d in ds:
                d.wait()
            return carry

        lax.fori_loop(0, 4, scat_body, 0)

    plsc.subcore_barrier()

    b_loc = s // 4
    off = lax.rem(s, 4) * 512
    idx = [idx0_v, idx1_v]
    rows = [rows0_v, rows1_v]
    gat = [None] * CHAR_NCHUNK
    out = [None] * CHAR_NCHUNK

    for k in range(CHAR_NCHUNK):
        if k >= 2:
            out[k - 2].wait()
        src = b_loc * BUFW + off + k * CHAR_CHUNK
        ib = idx[k % 2]
        pltpu.sync_copy(shared_v.at[pl.ds(src, CHAR_CHUNK)], ib)
        for p in range(CHAR_CHUNK // 16):
            v = ib[pl.ds(p * 16, 16)]
            ib[pl.ds(p * 16, 16)] = jnp.clip(jnp.bitwise_and(v, 4095), 0, SEQ)
        gat[k] = pltpu.async_copy(tbl_hbm.at[ib], rows[k % 2], sem)
        if k >= 1:
            gat[k - 1].wait()
            dstp = (c * 4 + b_loc) * SEQ + off + (k - 1) * CHAR_CHUNK
            out[k - 1] = pltpu.async_copy(
                rows[(k - 1) % 2], gath_out.at[pl.ds(dstp, CHAR_CHUNK)],
                sem_o)
    kl = CHAR_NCHUNK - 1
    gat[kl].wait()
    dstp = (c * 4 + b_loc) * SEQ + off + kl * CHAR_CHUNK
    out[kl] = pltpu.async_copy(rows[kl % 2],
                               gath_out.at[pl.ds(dstp, CHAR_CHUNK)], sem_o)
    out[kl - 1].wait()
    out[kl].wait()

    @pl.when(s < 4)
    def _():
        b = c * 4 + s
        pltpu.sync_copy(shared_v.at[pl.ds(s * BUFW, SEQ)], bounce_v)
        pltpu.sync_copy(bounce_v, ids_out.at[pl.ds(b * SEQ, SEQ)])


def _rmsnorm(x, w):
    var = jnp.mean(x * x, axis=-1, keepdims=True)
    return w * (x * lax.rsqrt(var + EPS))


def _sigmoid(x):
    return 1.0 / (1.0 + jnp.exp(-x))


def _tc_params_body(temb_ref, wpre_ref, wtok_ref, wdown_ref, wproj_ref,
                    params_ref):
    f32 = jnp.float32
    te = _rmsnorm(temb_ref[...], wpre_ref[0, :])
    tf = lax.dot_general(te, wdown_ref[...], (((1,), (1,)), ((), ())),
                         precision=None, preferred_element_type=f32)
    tf = _rmsnorm(tf, wtok_ref[0, :])
    sl = tf * _sigmoid(tf)
    params_ref[0] = lax.dot_general(sl, wproj_ref[...],
                                    (((1,), (1,)), ((), ())),
                                    precision=None,
                                    preferred_element_type=f32)


def _tc_params(temb, w_pre, w_token, W_down, W_proj):
    return pl.pallas_call(
        _tc_params_body,
        grid=(B,),
        in_specs=[
            pl.BlockSpec((N_TOKEN, TOK_D), lambda b: (b, 0)),
            pl.BlockSpec((1, TOK_D), lambda b: (0, 0)),
            pl.BlockSpec((1, TEXT_D), lambda b: (0, 0)),
            pl.BlockSpec((TEXT_D, TOK_D), lambda b: (0, 0)),
            pl.BlockSpec((3, TEXT_D), lambda b: (0, 0)),
        ],
        out_specs=pl.BlockSpec((1, N_TOKEN, 3), lambda b: (b, 0, 0)),
        out_shape=jax.ShapeDtypeStruct((B, N_TOKEN, 3), jnp.float32),
        compiler_params=pltpu.CompilerParams(
            dimension_semantics=("arbitrary",)),
    )(temb, w_pre, w_token, W_down, W_proj)


def _tc_body(cnt_ref, tok_ref, params_ref, gath_ref, filler_ref,
             wchar_ref, wfus_ref, out_ref):
    b = pl.program_id(0)
    f32 = jnp.float32

    params = params_ref[0]
    tok = tok_ref[0, 0, :] >> 12
    onehot = (tok[:, None] ==
              lax.broadcasted_iota(jnp.int32, (SEQ, N_TOKEN), 1)).astype(f32)
    p_slot = lax.dot_general(onehot, params, (((1,), (0,)), ((), ())),
                             precision=None, preferred_element_type=f32)
    scale = p_slot[:, 0:1]
    shift = p_slot[:, 1:2]
    gate = p_slot[:, 2:3]

    gw = gath_ref[...]
    lo = jax.lax.bitcast_convert_type(gw << 16, f32)
    hi = jax.lax.bitcast_convert_type(gw & jnp.int32(-65536), f32)
    gath = jnp.concatenate([lo, hi], axis=1)
    cn = _rmsnorm(gath, wchar_ref[0, :])
    h = cn * (1.0 + scale) + shift
    h = h * _sigmoid(h)
    h = lax.dot_general(h, wfus_ref[...], (((1,), (1,)), ((), ())),
                        precision=None, preferred_element_type=f32)
    g = _sigmoid(gate)
    mix = g * h + (1.0 - g) * cn

    cnt = cnt_ref[b, 0]
    valid = lax.broadcasted_iota(jnp.int32, (SEQ, 1), 0) < cnt
    out_ref[...] = jnp.where(valid, mix, filler_ref[...])


def _tc_fuse(cnt, tok, params, gath, filler, w_char, W_fus):
    return pl.pallas_call(
        _tc_body,
        grid=(B,),
        in_specs=[
            pl.BlockSpec(memory_space=pltpu.SMEM),
            pl.BlockSpec((1, 1, SEQ), lambda b: (b, 0, 0)),
            pl.BlockSpec((1, N_TOKEN, 3), lambda b: (b, 0, 0)),
            pl.BlockSpec((SEQ, HALF_D), lambda b: (b, 0)),
            pl.BlockSpec((1, TEXT_D), lambda b: (0, 0)),
            pl.BlockSpec((1, TEXT_D), lambda b: (0, 0)),
            pl.BlockSpec((TEXT_D, TEXT_D), lambda b: (0, 0)),
        ],
        out_specs=pl.BlockSpec((SEQ, TEXT_D), lambda b: (b, 0)),
        out_shape=jax.ShapeDtypeStruct((B * SEQ, TEXT_D), jnp.float32),
        compiler_params=pltpu.CompilerParams(
            dimension_semantics=("arbitrary",)),
    )(cnt, tok, params, gath, filler, w_char, W_fus)


def kernel(token_ids, token_ids_mask, char_ids, char_ids_mask, seq_len,
           text_embed, token_embed, w_pre, w_token, w_char, W_down, W_proj,
           W_fus):
    del token_ids_mask, seq_len
    token_flat = token_ids.reshape(-1).astype(jnp.int32)
    cid2d = char_ids.reshape(ROWS, 128).astype(jnp.int32)
    mask2d = char_ids_mask.reshape(ROWS, 128).astype(jnp.int32)

    temb = _sc_token_gather(token_flat, token_embed)
    params = _tc_params(temb, w_pre.reshape(1, TOK_D),
                        w_token.reshape(1, TEXT_D), W_down, W_proj)

    dest, packed, cnt, tbl = _tc_prep(mask2d, cid2d, text_embed)
    ids, gath = _sc_compact_gather(packed.reshape(B, 32, 128),
                                   dest.reshape(B, 32, 128), tbl)

    out = _tc_fuse(cnt, ids.reshape(B, 1, SEQ), params, gath,
                   text_embed[0:1], w_char.reshape(1, TEXT_D), W_fus)
    return out.reshape(B, SEQ, TEXT_D)

# --- scband reference (transcript-rebuilt; emitter-appended) ---
"""Pipeline reference for scband-text-embedding-30958124269957 (READ-ONLY COPY).

The authoritative reference and input builder live on the scoring server;
editing this copy changes nothing except your own understanding.
"""

import jax, jax.numpy as jnp
import numpy as np

TEXT_NUM_EMBEDS = 2048
TEXT_DIM = 512
TOKEN_NUM_EMBEDS = 100000
TOKEN_DIM = 768
B, N_TOKEN, N_CHAR = 8, 512, 8
SEQ_LEN = 2048
EPS = 1e-6


def _xavier(key, shape, gain=1.0):
    fan_out, fan_in = shape[0], shape[1]
    a = gain * np.sqrt(6.0 / (fan_in + fan_out))
    return jax.random.uniform(key, shape, jnp.float32, -a, a)


def setup_inputs(seed: int = 0) -> dict:
    key = jax.random.key(seed)
    ks = jax.random.split(key, 10)
    return {
        "token_ids": jax.random.randint(ks[0], (B, N_TOKEN), 0, TOKEN_NUM_EMBEDS),
        "token_ids_mask": jax.random.randint(ks[1], (B, N_TOKEN), 0, 2),
        "char_ids": jax.random.randint(ks[2], (B, N_TOKEN, N_CHAR), 0, TEXT_NUM_EMBEDS),
        "char_ids_mask": jax.random.randint(ks[3], (B, N_TOKEN, N_CHAR), 0, 2),
        "seq_len": SEQ_LEN,
        "text_embed": jax.random.normal(ks[4], (TEXT_NUM_EMBEDS + 1, TEXT_DIM), jnp.float32) * 0.02,
        "token_embed": jax.random.normal(ks[5], (TOKEN_NUM_EMBEDS, TOKEN_DIM), jnp.float32) * 0.02,
        "w_pre": jnp.ones((TOKEN_DIM,), jnp.float32),
        "w_token": jnp.ones((TEXT_DIM,), jnp.float32),
        "w_char": jnp.ones((TEXT_DIM,), jnp.float32),
        "W_down": _xavier(ks[6], (TEXT_DIM, TOKEN_DIM)),
        "W_proj": _xavier(ks[7], (3, TEXT_DIM), gain=0.2),
        "W_fus": _xavier(ks[8], (TEXT_DIM, TEXT_DIM)),
    }


def _rmsnorm(x, w):
    x = x.astype(jnp.float32)
    var = jnp.mean(x * x, axis=-1, keepdims=True)
    return w * (x * jax.lax.rsqrt(var + EPS))


def reference(token_ids, token_ids_mask, char_ids, char_ids_mask, seq_len,
              text_embed, token_embed, w_pre, w_token, w_char, W_down, W_proj, W_fus):
    char_ids = char_ids + 1
    filler_embed = text_embed[0:1]  # [1, d]
    char_embeds = jnp.take(text_embed, char_ids, axis=0)  # [B, T, C, d]
    token_embeds = jax.lax.stop_gradient(jnp.take(token_embed, token_ids, axis=0))  # no_grad
    # TokenCharFusion
    te = _rmsnorm(token_embeds, w_pre)
    tf = te @ W_down.T
    tf = _rmsnorm(tf, w_token)
    params = jax.nn.silu(tf) @ W_proj.T  # [B, T, 3]
    scale = params[..., 0:1][:, :, None, :]
    shift = params[..., 1:2][:, :, None, :]
    gate = params[..., 2:3][:, :, None, :]
    cn = _rmsnorm(char_embeds, w_char)
    fused = cn * (1.0 + scale) + shift
    fused = jax.nn.silu(fused)
    fused = fused @ W_fus.T
    g = jax.nn.sigmoid(gate)
    fused = g * fused + (1.0 - g) * cn
    Bsz, T, C, d = fused.shape
    # ragged compaction as a fixed-shape masked scatter
    mask = char_ids_mask.reshape(Bsz, T * C).astype(bool)
    cum = jnp.cumsum(mask.astype(jnp.int32), axis=1) - 1
    dest = jnp.where(mask, cum, seq_len)
    b_idx = jnp.arange(Bsz)[:, None]
    fused_flat = fused.reshape(Bsz, T * C, d)
    text = jnp.broadcast_to(filler_embed[None], (Bsz, SEQ_LEN, d))
    text = text.at[b_idx, dest].set(fused_flat, mode="drop")
    return text

if __name__ == "__main__":
    import jax
    _d = setup_inputs()
    print(jax.jit(kernel)(*tuple(_d.values())))

</pallas_src>

<mosaic_0001>
#map = affine_map<(d0, d1) -> (0)>
#map1 = affine_map<(d0, d1) -> (0, 0)>
module attributes {stable_mosaic.version = 14 : i64} {
  func.func @_sc_token_gather(%arg0: i32, %arg1: i32, %arg2: memref<4096xi32, #tpu.memory_space<hbm>>, %arg3: memref<100000x768xf32, #tpu.memory_space<hbm>>, %arg4: memref<4096x768xf32, #tpu.memory_space<hbm>>, %arg5: memref<64xi32, #tpu.memory_space<vmem>>, %arg6: memref<64xi32, #tpu.memory_space<vmem>>, %arg7: memref<64x768xf32, #tpu.memory_space<vmem>>, %arg8: memref<64x768xf32, #tpu.memory_space<vmem>>, %arg9: memref<!tpu.dma_semaphore, #tpu.memory_space<semaphore_mem>>, %arg10: memref<!tpu.dma_semaphore, #tpu.memory_space<semaphore_mem>>) attributes {dimension_semantics = [#tpu.dimension_semantics<core_parallel>, #tpu.dimension_semantics<subcore_parallel>], iteration_bounds = array<i64: 2, 16>, scalar_prefetch = 0 : i64, scratch_operands = 6 : i64, tpu.core_type = #tpu.core_type<sc_vector_subcore>, window_params = [{transform_indices = #map}, {transform_indices = #map1}, {transform_indices = #map1}]} {
    %mul3A = arith.constant 2 : i32
    %mul3A_0 = arith.muli %arg1, %mul3A : i32
    %add3A = arith.addi %mul3A_0, %arg0 : i32
    %mul3A_1 = arith.constant 128 : i32
    %mul3A_2 = arith.muli %add3A, %mul3A_1 : i32
    %add3A_3 = arith.constant 0 : i32
    %add3A_4 = arith.addi %mul3A_2, %add3A_3 : i32
    "tpu.region"() ({
      %run_scoped3A = tpu.sem_alloc : memref<!tpu.dma_semaphore, #tpu.memory_space<semaphore_mem>>
      %dma_start3A_43 = tpu.memref_slice %arg2[%add3A_4] : memref<4096xi32, #tpu.memory_space<hbm>> -> memref<64xi32, #tpu.memory_space<hbm>>
      %dma_start3A_44 = tpu.memref_slice %arg2[%add3A_4] : memref<4096xi32, #tpu.memory_space<hbm>> -> memref<64xi32, #tpu.memory_space<hbm>>
      tpu.enqueue_dma source(%dma_start3A_44 : memref<64xi32, #tpu.memory_space<hbm>>) target(%arg5 : memref<64xi32, #tpu.memory_space<vmem>>) target_semaphore(%run_scoped3A : memref<!tpu.dma_semaphore, #tpu.memory_space<semaphore_mem>>)
      %dma_wait3A_45 = tpu.memref_slice %arg2[%add3A_4] : memref<4096xi32, #tpu.memory_space<hbm>> -> memref<64xi32, #tpu.memory_space<hbm>>
      %dma_wait3A_46 = tpu.memref_slice %arg2[%add3A_4] : memref<4096xi32, #tpu.memory_space<hbm>> -> memref<64xi32, #tpu.memory_space<hbm>>
      tpu.wait_dma2 semaphore(%run_scoped3A : memref<!tpu.dma_semaphore, #tpu.memory_space<semaphore_mem>>) src(%dma_wait3A_46 : memref<64xi32, #tpu.memory_space<hbm>>) dst(%arg5 : memref<64xi32, #tpu.memory_space<vmem>>)
      tpu.yield
    }) : () -> ()
    %dma_start3A = arith.constant 0 : i32
    %dma_start3A_5 = arith.constant 0 : i32
    %dma_start3A_6 = tpu.memref_slice %arg3[%dma_start3A, %dma_start3A_5] : memref<100000x768xf32, #tpu.memory_space<hbm>> -> memref<100000x768xf32, #tpu.memory_space<hbm>>
    tpu.enqueue_indirect_dma source(%dma_start3A_6 : memref<100000x768xf32, #tpu.memory_space<hbm>>) target(%arg7 : memref<64x768xf32, #tpu.memory_space<vmem>>) offsets(%arg5 : memref<64xi32, #tpu.memory_space<vmem>>) semaphore(%arg9 : memref<!tpu.dma_semaphore, #tpu.memory_space<semaphore_mem>>)
    %mul3A_7 = arith.constant 128 : i32
    %mul3A_8 = arith.muli %add3A, %mul3A_7 : i32
    %add3A_9 = arith.constant 64 : i32
    %add3A_10 = arith.addi %mul3A_8, %add3A_9 : i32
    "tpu.region"() ({
      %run_scoped3A = tpu.sem_alloc : memref<!tpu.dma_semaphore, #tpu.memory_space<semaphore_mem>>
      %dma_start3A_43 = tpu.memref_slice %arg2[%add3A_10] : memref<4096xi32, #tpu.memory_space<hbm>> -> memref<64xi32, #tpu.memory_space<hbm>>
      %dma_start3A_44 = tpu.memref_slice %arg2[%add3A_10] : memref<4096xi32, #tpu.memory_space<hbm>> -> memref<64xi32, #tpu.memory_space<hbm>>
      tpu.enqueue_dma source(%dma_start3A_44 : memref<64xi32, #tpu.memory_space<hbm>>) target(%arg6 : memref<64xi32, #tpu.memory_space<vmem>>) target_semaphore(%run_scoped3A : memref<!tpu.dma_semaphore, #tpu.memory_space<semaphore_mem>>)
      %dma_wait3A_45 = tpu.memref_slice %arg2[%add3A_10] : memref<4096xi32, #tpu.memory_space<hbm>> -> memref<64xi32, #tpu.memory_space<hbm>>
      %dma_wait3A_46 = tpu.memref_slice %arg2[%add3A_10] : memref<4096xi32, #tpu.memory_space<hbm>> -> memref<64xi32, #tpu.memory_space<hbm>>
      tpu.wait_dma2 semaphore(%run_scoped3A : memref<!tpu.dma_semaphore, #tpu.memory_space<semaphore_mem>>) src(%dma_wait3A_46 : memref<64xi32, #tpu.memory_space<hbm>>) dst(%arg6 : memref<64xi32, #tpu.memory_space<vmem>>)
      tpu.yield
    }) : () -> ()
    %dma_start3A_11 = arith.constant 0 : i32
    %dma_start3A_12 = arith.constant 0 : i32
    %dma_start3A_13 = tpu.memref_slice %arg3[%dma_start3A_11, %dma_start3A_12] : memref<100000x768xf32, #tpu.memory_space<hbm>> -> memref<100000x768xf32, #tpu.memory_space<hbm>>
    tpu.enqueue_indirect_dma source(%dma_start3A_13 : memref<100000x768xf32, #tpu.memory_space<hbm>>) target(%arg8 : memref<64x768xf32, #tpu.memory_space<vmem>>) offsets(%arg6 : memref<64xi32, #tpu.memory_space<vmem>>) semaphore(%arg9 : memref<!tpu.dma_semaphore, #tpu.memory_space<semaphore_mem>>)
    %mul3A_14 = arith.constant 128 : i32
    %mul3A_15 = arith.muli %add3A, %mul3A_14 : i32
    %add3A_16 = arith.constant 0 : i32
    %add3A_17 = arith.addi %mul3A_15, %add3A_16 : i32
    %dma_wait3A = arith.constant 0 : i32
    %dma_wait3A_18 = arith.constant 0 : i32
    %dma_wait3A_19 = tpu.memref_slice %arg3[%dma_wait3A, %dma_wait3A_18] : memref<100000x768xf32, #tpu.memory_space<hbm>> -> memref<100000x768xf32, #tpu.memory_space<hbm>>
    tpu.wait_indirect_dma semaphore(%arg9 : memref<!tpu.dma_semaphore, #tpu.memory_space<semaphore_mem>>) src(%dma_wait3A_19 : memref<100000x768xf32, #tpu.memory_space<hbm>>) dst(%arg7 : memref<64x768xf32, #tpu.memory_space<vmem>>)
    %dma_start3A_20 = arith.constant 0 : i32
    %dma_start3A_21 = tpu.memref_slice %arg4[%add3A_17, %dma_start3A_20] : memref<4096x768xf32, #tpu.memory_space<hbm>> -> memref<64x768xf32, #tpu.memory_space<hbm>>
    %dma_start3A_22 = arith.constant 0 : i32
    %dma_start3A_23 = tpu.memref_slice %arg4[%add3A_17, %dma_start3A_22] : memref<4096x768xf32, #tpu.memory_space<hbm>> -> memref<64x768xf32, #tpu.memory_space<hbm>>
    tpu.enqueue_dma source(%arg7 : memref<64x768xf32, #tpu.memory_space<vmem>>) target(%dma_start3A_23 : memref<64x768xf32, #tpu.memory_space<hbm>>) target_semaphore(%arg10 : memref<!tpu.dma_semaphore, #tpu.memory_space<semaphore_mem>>)
    %mul3A_24 = arith.constant 128 : i32
    %mul3A_25 = arith.muli %add3A, %mul3A_24 : i32
    %add3A_26 = arith.constant 64 : i32
    %add3A_27 = arith.addi %mul3A_25, %add3A_26 : i32
    %dma_wait3A_28 = arith.constant 0 : i32
    %dma_wait3A_29 = arith.constant 0 : i32
    %dma_wait3A_30 = tpu.memref_slice %arg3[%dma_wait3A_28, %dma_wait3A_29] : memref<100000x768xf32, #tpu.memory_space<hbm>> -> memref<100000x768xf32, #tpu.memory_space<hbm>>
    tpu.wait_indirect_dma semaphore(%arg9 : memref<!tpu.dma_semaphore, #tpu.memory_space<semaphore_mem>>) src(%dma_wait3A_30 : memref<100000x768xf32, #tpu.memory_space<hbm>>) dst(%arg8 : memref<64x768xf32, #tpu.memory_space<vmem>>)
    %dma_start3A_31 = arith.constant 0 : i32
    %dma_start3A_32 = tpu.memref_slice %arg4[%add3A_27, %dma_start3A_31] : memref<4096x768xf32, #tpu.memory_space<hbm>> -> memref<64x768xf32, #tpu.memory_space<hbm>>
    %dma_start3A_33 = arith.constant 0 : i32
    %dma_start3A_34 = tpu.memref_slice %arg4[%add3A_27, %dma_start3A_33] : memref<4096x768xf32, #tpu.memory_space<hbm>> -> memref<64x768xf32, #tpu.memory_space<hbm>>
    tpu.enqueue_dma source(%arg8 : memref<64x768xf32, #tpu.memory_space<vmem>>) target(%dma_start3A_34 : memref<64x768xf32, #tpu.memory_space<hbm>>) target_semaphore(%arg10 : memref<!tpu.dma_semaphore, #tpu.memory_space<semaphore_mem>>)
    %dma_wait3A_35 = arith.constant 0 : i32
    %dma_wait3A_36 = tpu.memref_slice %arg4[%add3A_17, %dma_wait3A_35] : memref<4096x768xf32, #tpu.memory_space<hbm>> -> memref<64x768xf32, #tpu.memory_space<hbm>>
    %dma_wait3A_37 = arith.constant 0 : i32
    %dma_wait3A_38 = tpu.memref_slice %arg4[%add3A_17, %dma_wait3A_37] : memref<4096x768xf32, #tpu.memory_space<hbm>> -> memref<64x768xf32, #tpu.memory_space<hbm>>
    tpu.wait_dma2 semaphore(%arg10 : memref<!tpu.dma_semaphore, #tpu.memory_space<semaphore_mem>>) src(%arg7 : memref<64x768xf32, #tpu.memory_space<vmem>>) dst(%dma_wait3A_38 : memref<64x768xf32, #tpu.memory_space<hbm>>)
    %dma_wait3A_39 = arith.constant 0 : i32
    %dma_wait3A_40 = tpu.memref_slice %arg4[%add3A_27, %dma_wait3A_39] : memref<4096x768xf32, #tpu.memory_space<hbm>> -> memref<64x768xf32, #tpu.memory_space<hbm>>
    %dma_wait3A_41 = arith.constant 0 : i32
    %dma_wait3A_42 = tpu.memref_slice %arg4[%add3A_27, %dma_wait3A_41] : memref<4096x768xf32, #tpu.memory_space<hbm>> -> memref<64x768xf32, #tpu.memory_space<hbm>>
    tpu.wait_dma2 semaphore(%arg10 : memref<!tpu.dma_semaphore, #tpu.memory_space<semaphore_mem>>) src(%arg8 : memref<64x768xf32, #tpu.memory_space<vmem>>) dst(%dma_wait3A_42 : memref<64x768xf32, #tpu.memory_space<hbm>>)
    return
  }
}

#map = affine_map<(d0, d1) -> (0, 0, 0)>
#map1 = affine_map<(d0, d1) -> (0, 0)>
#map2 = affine_map<(d0, d1) -> (0)>
module attributes {stable_mosaic.version = 14 : i64} {
  func.func @_sc_compact_gather(%arg0: i32, %arg1: i32, %arg2: memref<8x32x128xi32, #tpu.memory_space<hbm>>, %arg3: memref<8x32x128xi32, #tpu.memory_space<hbm>>, %arg4: memref<2049x256xi32, #tpu.memory_space<hbm>>, %arg5: memref<16384xi32, #tpu.memory_space<hbm>>, %arg6: memref<16384x256xi32, #tpu.memory_space<hbm>>, %arg7: memref<32x128xi32, #tpu.memory_space<vmem>>, %arg8: memref<32x128xi32, #tpu.memory_space<vmem>>, %arg9: memref<128xi32, #tpu.memory_space<vmem>>, %arg10: memref<128xi32, #tpu.memory_space<vmem>>, %arg11: memref<128x256xi32, #tpu.memory_space<vmem>>, %arg12: memref<128x256xi32, #tpu.memory_space<vmem>>, %arg13: memref<2048xi32, #tpu.memory_space<vmem>>, %arg14: memref<16448xi32, #tpu.memory_space<vmem_shared>>, %arg15: memref<!tpu.dma_semaphore, #tpu.memory_space<semaphore_mem>>, %arg16: memref<!tpu.dma_semaphore, #tpu.memory_space<semaphore_mem>>) attributes {dimension_semantics = [#tpu.dimension_semantics<core_parallel>, #tpu.dimension_semantics<subcore_parallel>], iteration_bounds = array<i64: 2, 16>, scalar_prefetch = 0 : i64, scratch_operands = 10 : i64, tpu.core_type = #tpu.core_type<sc_vector_subcore>, window_params = [{transform_indices = #map}, {transform_indices = #map}, {transform_indices = #map1}, {transform_indices = #map2}, {transform_indices = #map1}]} {
    %lt3A = arith.constant 4 : i32
    %lt3A_0 = arith.cmpi slt, %arg1, %lt3A : i32
    %convert_element_type3A = arith.extui %lt3A_0 : i1 to i32
    %cond3A = arith.constant 0 : i32
    %cond3A_1 = arith.cmpi ne, %convert_element_type3A, %cond3A : i32
    scf.if %cond3A_1 {
      %mul3A_639 = arith.constant 4 : i32
      %mul3A_640 = arith.muli %arg0, %mul3A_639 : i32
      %add3A_641 = arith.addi %mul3A_640, %arg1 : i32
      "tpu.region"() ({
        %run_scoped3A = tpu.sem_alloc : memref<!tpu.dma_semaphore, #tpu.memory_space<semaphore_mem>>
        %dma_start3A_647 = arith.constant 0 : i32
        %dma_start3A_648 = arith.constant 0 : i32
        %dma_start3A_649 = tpu.memref_slice %arg2[%add3A_641, %dma_start3A_647, %dma_start3A_648] : memref<8x32x128xi32, #tpu.memory_space<hbm>> -> memref<1x32x128xi32, #tpu.memory_space<hbm>>
        %dma_start3A_650 = tpu.memref_squeeze %dma_start3A_649 : memref<1x32x128xi32, #tpu.memory_space<hbm>> -> memref<32x128xi32, #tpu.memory_space<hbm>>
        %dma_start3A_651 = arith.constant 0 : i32
        %dma_start3A_652 = arith.constant 0 : i32
        %dma_start3A_653 = tpu.memref_slice %arg2[%add3A_641, %dma_start3A_651, %dma_start3A_652] : memref<8x32x128xi32, #tpu.memory_space<hbm>> -> memref<1x32x128xi32, #tpu.memory_space<hbm>>
        %dma_start3A_654 = tpu.memref_squeeze %dma_start3A_653 : memref<1x32x128xi32, #tpu.memory_space<hbm>> -> memref<32x128xi32, #tpu.memory_space<hbm>>
        tpu.enqueue_dma source(%dma_start3A_654 : memref<32x128xi32, #tpu.memory_space<hbm>>) target(%arg7 : memref<32x128xi32, #tpu.memory_space<vmem>>) target_semaphore(%run_scoped3A : memref<!tpu.dma_semaphore, #tpu.memory_space<semaphore_mem>>)
        %dma_wait3A_655 = arith.constant 0 : i32
        %dma_wait3A_656 = arith.constant 0 : i32
        %dma_wait3A_657 = tpu.memref_slice %arg2[%add3A_641, %dma_wait3A_655, %dma_wait3A_656] : memref<8x32x128xi32, #tpu.memory_space<hbm>> -> memref<1x32x128xi32, #tpu.memory_space<hbm>>
        %dma_wait3A_658 = tpu.memref_squeeze %dma_wait3A_657 : memref<1x32x128xi32, #tpu.memory_space<hbm>> -> memref<32x128xi32, #tpu.memory_space<hbm>>
        %dma_wait3A_659 = arith.constant 0 : i32
        %dma_wait3A_660 = arith.constant 0 : i32
        %dma_wait3A_661 = tpu.memref_slice %arg2[%add3A_641, %dma_wait3A_659, %dma_wait3A_660] : memref<8x32x128xi32, #tpu.memory_space<hbm>> -> memref<1x32x128xi32, #tpu.memory_space<hbm>>
        %dma_wait3A_662 = tpu.memref_squeeze %dma_wait3A_661 : memref<1x32x128xi32, #tpu.memory_space<hbm>> -> memref<32x128xi32, #tpu.memory_space<hbm>>
        tpu.wait_dma2 semaphore(%run_scoped3A : memref<!tpu.dma_semaphore, #tpu.memory_space<semaphore_mem>>) src(%dma_wait3A_662 : memref<32x128xi32, #tpu.memory_space<hbm>>) dst(%arg7 : memref<32x128xi32, #tpu.memory_space<vmem>>)
        tpu.yield
      }) : () -> ()
      "tpu.region"() ({
        %run_scoped3A = tpu.sem_alloc : memref<!tpu.dma_semaphore, #tpu.memory_space<semaphore_mem>>
        %dma_start3A_647 = arith.constant 0 : i32
        %dma_start3A_648 = arith.constant 0 : i32
        %dma_start3A_649 = tpu.memref_slice %arg3[%add3A_641, %dma_start3A_647, %dma_start3A_648] : memref<8x32x128xi32, #tpu.memory_space<hbm>> -> memref<1x32x128xi32, #tpu.memory_space<hbm>>
        %dma_start3A_650 = tpu.memref_squeeze %dma_start3A_649 : memref<1x32x128xi32, #tpu.memory_space<hbm>> -> memref<32x128xi32, #tpu.memory_space<hbm>>
        %dma_start3A_651 = arith.constant 0 : i32
        %dma_start3A_652 = arith.constant 0 : i32
        %dma_start3A_653 = tpu.memref_slice %arg3[%add3A_641, %dma_start3A_651, %dma_start3A_652] : memref<8x32x128xi32, #tpu.memory_space<hbm>> -> memref<1x32x128xi32, #tpu.memory_space<hbm>>
        %dma_start3A_654 = tpu.memref_squeeze %dma_start3A_653 : memref<1x32x128xi32, #tpu.memory_space<hbm>> -> memref<32x128xi32, #tpu.memory_space<hbm>>
        tpu.enqueue_dma source(%dma_start3A_654 : memref<32x128xi32, #tpu.memory_space<hbm>>) target(%arg8 : memref<32x128xi32, #tpu.memory_space<vmem>>) target_semaphore(%run_scoped3A : memref<!tpu.dma_semaphore, #tpu.memory_space<semaphore_mem>>)
        %dma_wait3A_655 = arith.constant 0 : i32
        %dma_wait3A_656 = arith.constant 0 : i32
        %dma_wait3A_657 = tpu.memref_slice %arg3[%add3A_641, %dma_wait3A_655, %dma_wait3A_656] : memref<8x32x128xi32, #tpu.memory_space<hbm>> -> memref<1x32x128xi32, #tpu.memory_space<hbm>>
        %dma_wait3A_658 = tpu.memref_squeeze %dma_wait3A_657 : memref<1x32x128xi32, #tpu.memory_space<hbm>> -> memref<32x128xi32, #tpu.memory_space<hbm>>
        %dma_wait3A_659 = arith.constant 0 : i32
        %dma_wait3A_660 = arith.constant 0 : i32
        %dma_wait3A_661 = tpu.memref_slice %arg3[%add3A_641, %dma_wait3A_659, %dma_wait3A_660] : memref<8x32x128xi32, #tpu.memory_space<hbm>> -> memref<1x32x128xi32, #tpu.memory_space<hbm>>
        %dma_wait3A_662 = tpu.memref_squeeze %dma_wait3A_661 : memref<1x32x128xi32, #tpu.memory_space<hbm>> -> memref<32x128xi32, #tpu.memory_space<hbm>>
        tpu.wait_dma2 semaphore(%run_scoped3A : memref<!tpu.dma_semaphore, #tpu.memory_space<semaphore_mem>>) src(%dma_wait3A_662 : memref<32x128xi32, #tpu.memory_space<hbm>>) dst(%arg8 : memref<32x128xi32, #tpu.memory_space<vmem>>)
        tpu.yield
      }) : () -> ()
      %scan3A = arith.constant 0 : i32
      %scan3A_642 = arith.constant 0 : i32
      %scan3A_643 = arith.constant 4 : i32
      %scan3A_644 = arith.addi %scan3A_642, %scan3A_643 : i32
      %scan3A_645 = arith.constant 1 : i32
      scf.for %scan3A_647 = %scan3A_642 to %scan3A_644 step %scan3A_645  : i32 {
        %mul3A_648 = arith.constant 8 : i32
        %mul3A_649 = arith.muli %scan3A_647, %mul3A_648 : i32
        %add3A_650 = arith.constant 0 : i32
        %add3A_651 = arith.addi %mul3A_649, %add3A_650 : i32
        %dma_start3A_652 = arith.constant 0 : i32
        %dma_start3A_653 = tpu.memref_slice %arg7[%add3A_651, %dma_start3A_652] : memref<32x128xi32, #tpu.memory_space<vmem>> -> memref<1x128xi32, #tpu.memory_space<vmem>>
        %dma_start3A_654 = tpu.memref_squeeze %dma_start3A_653 : memref<1x128xi32, #tpu.memory_space<vmem>> -> memref<128xi32, #tpu.memory_space<vmem>>
        %dma_start3A_655 = arith.constant 0 : i32
        %dma_start3A_656 = tpu.memref_slice %arg8[%add3A_651, %dma_start3A_655] : memref<32x128xi32, #tpu.memory_space<vmem>> -> memref<1x128xi32, #tpu.memory_space<vmem>>
        %dma_start3A_657 = tpu.memref_squeeze %dma_start3A_656 : memref<1x128xi32, #tpu.memory_space<vmem>> -> memref<128xi32, #tpu.memory_space<vmem>>
        %dma_start3A_658 = arith.constant 0 : i32
        %dma_start3A_659 = tpu.memref_slice %arg14[%dma_start3A_658] : memref<16448xi32, #tpu.memory_space<vmem_shared>> -> memref<16448xi32, #tpu.memory_space<vmem_shared>>
        tpu.enqueue_indirect_dma source(%dma_start3A_654 : memref<128xi32, #tpu.memory_space<vmem>>) target(%dma_start3A_659 : memref<16448xi32, #tpu.memory_space<vmem_shared>>) offsets(%dma_start3A_657 : memref<128xi32, #tpu.memory_space<vmem>>) semaphore(%arg15 : memref<!tpu.dma_semaphore, #tpu.memory_space<semaphore_mem>>)
        %mul3A_660 = arith.constant 8 : i32
        %mul3A_661 = arith.muli %scan3A_647, %mul3A_660 : i32
        %add3A_662 = arith.constant 1 : i32
        %add3A_663 = arith.addi %mul3A_661, %add3A_662 : i32
        %dma_start3A_664 = arith.constant 0 : i32
        %dma_start3A_665 = tpu.memref_slice %arg7[%add3A_663, %dma_start3A_664] : memref<32x128xi32, #tpu.memory_space<vmem>> -> memref<1x128xi32, #tpu.memory_space<vmem>>
        %dma_start3A_666 = tpu.memref_squeeze %dma_start3A_665 : memref<1x128xi32, #tpu.memory_space<vmem>> -> memref<128xi32, #tpu.memory_space<vmem>>
        %dma_start3A_667 = arith.constant 0 : i32
        %dma_start3A_668 = tpu.memref_slice %arg8[%add3A_663, %dma_start3A_667] : memref<32x128xi32, #tpu.memory_space<vmem>> -> memref<1x128xi32, #tpu.memory_space<vmem>>
        %dma_start3A_669 = tpu.memref_squeeze %dma_start3A_668 : memref<1x128xi32, #tpu.memory_space<vmem>> -> memref<128xi32, #tpu.memory_space<vmem>>
        %dma_start3A_670 = arith.constant 0 : i32
        %dma_start3A_671 = tpu.memref_slice %arg14[%dma_start3A_670] : memref<16448xi32, #tpu.memory_space<vmem_shared>> -> memref<16448xi32, #tpu.memory_space<vmem_shared>>
        tpu.enqueue_indirect_dma source(%dma_start3A_666 : memref<128xi32, #tpu.memory_space<vmem>>) target(%dma_start3A_671 : memref<16448xi32, #tpu.memory_space<vmem_shared>>) offsets(%dma_start3A_669 : memref<128xi32, #tpu.memory_space<vmem>>) semaphore(%arg15 : memref<!tpu.dma_semaphore, #tpu.memory_space<semaphore_mem>>)
        %mul3A_672 = arith.constant 8 : i32
        %mul3A_673 = arith.muli %scan3A_647, %mul3A_672 : i32
        %add3A_674 = arith.constant 2 : i32
        %add3A_675 = arith.addi %mul3A_673, %add3A_674 : i32
        %dma_start3A_676 = arith.constant 0 : i32
        %dma_start3A_677 = tpu.memref_slice %arg7[%add3A_675, %dma_start3A_676] : memref<32x128xi32, #tpu.memory_space<vmem>> -> memref<1x128xi32, #tpu.memory_space<vmem>>
        %dma_start3A_678 = tpu.memref_squeeze %dma_start3A_677 : memref<1x128xi32, #tpu.memory_space<vmem>> -> memref<128xi32, #tpu.memory_space<vmem>>
        %dma_start3A_679 = arith.constant 0 : i32
        %dma_start3A_680 = tpu.memref_slice %arg8[%add3A_675, %dma_start3A_679] : memref<32x128xi32, #tpu.memory_space<vmem>> -> memref<1x128xi32, #tpu.memory_space<vmem>>
        %dma_start3A_681 = tpu.memref_squeeze %dma_start3A_680 : memref<1x128xi32, #tpu.memory_space<vmem>> -> memref<128xi32, #tpu.memory_space<vmem>>
        %dma_start3A_682 = arith.constant 0 : i32
        %dma_start3A_683 = tpu.memref_slice %arg14[%dma_start3A_682] : memref<16448xi32, #tpu.memory_space<vmem_shared>> -> memref<16448xi32, #tpu.memory_space<vmem_shared>>
        tpu.enqueue_indirect_dma source(%dma_start3A_678 : memref<128xi32, #tpu.memory_space<vmem>>) target(%dma_start3A_683 : memref<16448xi32, #tpu.memory_space<vmem_shared>>) offsets(%dma_start3A_681 : memref<128xi32, #tpu.memory_space<vmem>>) semaphore(%arg15 : memref<!tpu.dma_semaphore, #tpu.memory_space<semaphore_mem>>)
        %mul3A_684 = arith.constant 8 : i32
        %mul3A_685 = arith.muli %scan3A_647, %mul3A_684 : i32
        %add3A_686 = arith.constant 3 : i32
        %add3A_687 = arith.addi %mul3A_685, %add3A_686 : i32
        %dma_start3A_688 = arith.constant 0 : i32
        %dma_start3A_689 = tpu.memref_slice %arg7[%add3A_687, %dma_start3A_688] : memref<32x128xi32, #tpu.memory_space<vmem>> -> memref<1x128xi32, #tpu.memory_space<vmem>>
        %dma_start3A_690 = tpu.memref_squeeze %dma_start3A_689 : memref<1x128xi32, #tpu.memory_space<vmem>> -> memref<128xi32, #tpu.memory_space<vmem>>
        %dma_start3A_691 = arith.constant 0 : i32
        %dma_start3A_692 = tpu.memref_slice %arg8[%add3A_687, %dma_start3A_691] : memref<32x128xi32, #tpu.memory_space<vmem>> -> memref<1x128xi32, #tpu.memory_space<vmem>>
        %dma_start3A_693 = tpu.memref_squeeze %dma_start3A_692 : memref<1x128xi32, #tpu.memory_space<vmem>> -> memref<128xi32, #tpu.memory_space<vmem>>
        %dma_start3A_694 = arith.constant 0 : i32
        %dma_start3A_695 = tpu.memref_slice %arg14[%dma_start3A_694] : memref<16448xi32, #tpu.memory_space<vmem_shared>> -> memref<16448xi32, #tpu.memory_space<vmem_shared>>
        tpu.enqueue_indirect_dma source(%dma_start3A_690 : memref<128xi32, #tpu.memory_space<vmem>>) target(%dma_start3A_695 : memref<16448xi32, #tpu.memory_space<vmem_shared>>) offsets(%dma_start3A_693 : memref<128xi32, #tpu.memory_space<vmem>>) semaphore(%arg15 : memref<!tpu.dma_semaphore, #tpu.memory_space<semaphore_mem>>)
        %mul3A_696 = arith.constant 8 : i32
        %mul3A_697 = arith.muli %scan3A_647, %mul3A_696 : i32
        %add3A_698 = arith.constant 4 : i32
        %add3A_699 = arith.addi %mul3A_697, %add3A_698 : i32
        %dma_start3A_700 = arith.constant 0 : i32
        %dma_start3A_701 = tpu.memref_slice %arg7[%add3A_699, %dma_start3A_700] : memref<32x128xi32, #tpu.memory_space<vmem>> -> memref<1x128xi32, #tpu.memory_space<vmem>>
        %dma_start3A_702 = tpu.memref_squeeze %dma_start3A_701 : memref<1x128xi32, #tpu.memory_space<vmem>> -> memref<128xi32, #tpu.memory_space<vmem>>
        %dma_start3A_703 = arith.constant 0 : i32
        %dma_start3A_704 = tpu.memref_slice %arg8[%add3A_699, %dma_start3A_703] : memref<32x128xi32, #tpu.memory_space<vmem>> -> memref<1x128xi32, #tpu.memory_space<vmem>>
        %dma_start3A_705 = tpu.memref_squeeze %dma_start3A_704 : memref<1x128xi32, #tpu.memory_space<vmem>> -> memref<128xi32, #tpu.memory_space<vmem>>
        %dma_start3A_706 = arith.constant 0 : i32
        %dma_start3A_707 = tpu.memref_slice %arg14[%dma_start3A_706] : memref<16448xi32, #tpu.memory_space<vmem_shared>> -> memref<16448xi32, #tpu.memory_space<vmem_shared>>
        tpu.enqueue_indirect_dma source(%dma_start3A_702 : memref<128xi32, #tpu.memory_space<vmem>>) target(%dma_start3A_707 : memref<16448xi32, #tpu.memory_space<vmem_shared>>) offsets(%dma_start3A_705 : memref<128xi32, #tpu.memory_space<vmem>>) semaphore(%arg15 : memref<!tpu.dma_semaphore, #tpu.memory_space<semaphore_mem>>)
        %mul3A_708 = arith.constant 8 : i32
        %mul3A_709 = arith.muli %scan3A_647, %mul3A_708 : i32
        %add3A_710 = arith.constant 5 : i32
        %add3A_711 = arith.addi %mul3A_709, %add3A_710 : i32
        %dma_start3A_712 = arith.constant 0 : i32
        %dma_start3A_713 = tpu.memref_slice %arg7[%add3A_711, %dma_start3A_712] : memref<32x128xi32, #tpu.memory_space<vmem>> -> memref<1x128xi32, #tpu.memory_space<vmem>>
        %dma_start3A_714 = tpu.memref_squeeze %dma_start3A_713 : memref<1x128xi32, #tpu.memory_space<vmem>> -> memref<128xi32, #tpu.memory_space<vmem>>
        %dma_start3A_715 = arith.constant 0 : i32
        %dma_start3A_716 = tpu.memref_slice %arg8[%add3A_711, %dma_start3A_715] : memref<32x128xi32, #tpu.memory_space<vmem>> -> memref<1x128xi32, #tpu.memory_space<vmem>>
        %dma_start3A_717 = tpu.memref_squeeze %dma_start3A_716 : memref<1x128xi32, #tpu.memory_space<vmem>> -> memref<128xi32, #tpu.memory_space<vmem>>
        %dma_start3A_718 = arith.constant 0 : i32
        %dma_start3A_719 = tpu.memref_slice %arg14[%dma_start3A_718] : memref<16448xi32, #tpu.memory_space<vmem_shared>> -> memref<16448xi32, #tpu.memory_space<vmem_shared>>
        tpu.enqueue_indirect_dma source(%dma_start3A_714 : memref<128xi32, #tpu.memory_space<vmem>>) target(%dma_start3A_719 : memref<16448xi32, #tpu.memory_space<vmem_shared>>) offsets(%dma_start3A_717 : memref<128xi32, #tpu.memory_space<vmem>>) semaphore(%arg15 : memref<!tpu.dma_semaphore, #tpu.memory_space<semaphore_mem>>)
        %mul3A_720 = arith.constant 8 : i32
        %mul3A_721 = arith.muli %scan3A_647, %mul3A_720 : i32
        %add3A_722 = arith.constant 6 : i32
        %add3A_723 = arith.addi %mul3A_721, %add3A_722 : i32
        %dma_start3A_724 = arith.constant 0 : i32
        %dma_start3A_725 = tpu.memref_slice %arg7[%add3A_723, %dma_start3A_724] : memref<32x128xi32, #tpu.memory_space<vmem>> -> memref<1x128xi32, #tpu.memory_space<vmem>>
        %dma_start3A_726 = tpu.memref_squeeze %dma_start3A_725 : memref<1x128xi32, #tpu.memory_space<vmem>> -> memref<128xi32, #tpu.memory_space<vmem>>
        %dma_start3A_727 = arith.constant 0 : i32
        %dma_start3A_728 = tpu.memref_slice %arg8[%add3A_723, %dma_start3A_727] : memref<32x128xi32, #tpu.memory_space<vmem>> -> memref<1x128xi32, #tpu.memory_space<vmem>>
        %dma_start3A_729 = tpu.memref_squeeze %dma_start3A_728 : memref<1x128xi32, #tpu.memory_space<vmem>> -> memref<128xi32, #tpu.memory_space<vmem>>
        %dma_start3A_730 = arith.constant 0 : i32
        %dma_start3A_731 = tpu.memref_slice %arg14[%dma_start3A_730] : memref<16448xi32, #tpu.memory_space<vmem_shared>> -> memref<16448xi32, #tpu.memory_space<vmem_shared>>
        tpu.enqueue_indirect_dma source(%dma_start3A_726 : memref<128xi32, #tpu.memory_space<vmem>>) target(%dma_start3A_731 : memref<16448xi32, #tpu.memory_space<vmem_shared>>) offsets(%dma_start3A_729 : memref<128xi32, #tpu.memory_space<vmem>>) semaphore(%arg15 : memref<!tpu.dma_semaphore, #tpu.memory_space<semaphore_mem>>)
        %mul3A_732 = arith.constant 8 : i32
        %mul3A_733 = arith.muli %scan3A_647, %mul3A_732 : i32
        %add3A_734 = arith.constant 7 : i32
        %add3A_735 = arith.addi %mul3A_733, %add3A_734 : i32
        %dma_start3A_736 = arith.constant 0 : i32
        %dma_start3A_737 = tpu.memref_slice %arg7[%add3A_735, %dma_start3A_736] : memref<32x128xi32, #tpu.memory_space<vmem>> -> memref<1x128xi32, #tpu.memory_space<vmem>>
        %dma_start3A_738 = tpu.memref_squeeze %dma_start3A_737 : memref<1x128xi32, #tpu.memory_space<vmem>> -> memref<128xi32, #tpu.memory_space<vmem>>
        %dma_start3A_739 = arith.constant 0 : i32
        %dma_start3A_740 = tpu.memref_slice %arg8[%add3A_735, %dma_start3A_739] : memref<32x128xi32, #tpu.memory_space<vmem>> -> memref<1x128xi32, #tpu.memory_space<vmem>>
        %dma_start3A_741 = tpu.memref_squeeze %dma_start3A_740 : memref<1x128xi32, #tpu.memory_space<vmem>> -> memref<128xi32, #tpu.memory_space<vmem>>
        %dma_start3A_742 = arith.constant 0 : i32
        %dma_start3A_743 = tpu.memref_slice %arg14[%dma_start3A_742] : memref<16448xi32, #tpu.memory_space<vmem_shared>> -> memref<16448xi32, #tpu.memory_space<vmem_shared>>
        tpu.enqueue_indirect_dma source(%dma_start3A_738 : memref<128xi32, #tpu.memory_space<vmem>>) target(%dma_start3A_743 : memref<16448xi32, #tpu.memory_space<vmem_shared>>) offsets(%dma_start3A_741 : memref<128xi32, #tpu.memory_space<vmem>>) semaphore(%arg15 : memref<!tpu.dma_semaphore, #tpu.memory_space<semaphore_mem>>)
        %dma_wait3A_744 = arith.constant 0 : i32
        %dma_wait3A_745 = tpu.memref_slice %arg7[%add3A_651, %dma_wait3A_744] : memref<32x128xi32, #tpu.memory_space<vmem>> -> memref<1x128xi32, #tpu.memory_space<vmem>>
        %dma_wait3A_746 = tpu.memref_squeeze %dma_wait3A_745 : memref<1x128xi32, #tpu.memory_space<vmem>> -> memref<128xi32, #tpu.memory_space<vmem>>
        %dma_wait3A_747 = arith.constant 0 : i32
        %dma_wait3A_748 = tpu.memref_slice %arg8[%add3A_651, %dma_wait3A_747] : memref<32x128xi32, #tpu.memory_space<vmem>> -> memref<1x128xi32, #tpu.memory_space<vmem>>
        %dma_wait3A_749 = tpu.memref_squeeze %dma_wait3A_748 : memref<1x128xi32, #tpu.memory_space<vmem>> -> memref<128xi32, #tpu.memory_space<vmem>>
        %dma_wait3A_750 = arith.constant 0 : i32
        %dma_wait3A_751 = tpu.memref_slice %arg14[%dma_wait3A_750] : memref<16448xi32, #tpu.memory_space<vmem_shared>> -> memref<16448xi32, #tpu.memory_space<vmem_shared>>
        tpu.wait_indirect_dma semaphore(%arg15 : memref<!tpu.dma_semaphore, #tpu.memory_space<semaphore_mem>>) src(%dma_wait3A_746 : memref<128xi32, #tpu.memory_space<vmem>>) dst(%dma_wait3A_751 : memref<16448xi32, #tpu.memory_space<vmem_shared>>)
        %dma_wait3A_752 = arith.constant 0 : i32
        %dma_wait3A_753 = tpu.memref_slice %arg7[%add3A_663, %dma_wait3A_752] : memref<32x128xi32, #tpu.memory_space<vmem>> -> memref<1x128xi32, #tpu.memory_space<vmem>>
        %dma_wait3A_754 = tpu.memref_squeeze %dma_wait3A_753 : memref<1x128xi32, #tpu.memory_space<vmem>> -> memref<128xi32, #tpu.memory_space<vmem>>
        %dma_wait3A_755 = arith.constant 0 : i32
        %dma_wait3A_756 = tpu.memref_slice %arg8[%add3A_663, %dma_wait3A_755] : memref<32x128xi32, #tpu.memory_space<vmem>> -> memref<1x128xi32, #tpu.memory_space<vmem>>
        %dma_wait3A_757 = tpu.memref_squeeze %dma_wait3A_756 : memref<1x128xi32, #tpu.memory_space<vmem>> -> memref<128xi32, #tpu.memory_space<vmem>>
        %dma_wait3A_758 = arith.constant 0 : i32
        %dma_wait3A_759 = tpu.memref_slice %arg14[%dma_wait3A_758] : memref<16448xi32, #tpu.memory_space<vmem_shared>> -> memref<16448xi32, #tpu.memory_space<vmem_shared>>
        tpu.wait_indirect_dma semaphore(%arg15 : memref<!tpu.dma_semaphore, #tpu.memory_space<semaphore_mem>>) src(%dma_wait3A_754 : memref<128xi32, #tpu.memory_space<vmem>>) dst(%dma_wait3A_759 : memref<16448xi32, #tpu.memory_space<vmem_shared>>)
        %dma_wait3A_760 = arith.constant 0 : i32
        %dma_wait3A_761 = tpu.memref_slice %arg7[%add3A_675, %dma_wait3A_760] : memref<32x128xi32, #tpu.memory_space<vmem>> -> memref<1x128xi32, #tpu.memory_space<vmem>>
        %dma_wait3A_762 = tpu.memref_squeeze %dma_wait3A_761 : memref<1x128xi32, #tpu.memory_space<vmem>> -> memref<128xi32, #tpu.memory_space<vmem>>
        %dma_wait3A_763 = arith.constant 0 : i32
        %dma_wait3A_764 = tpu.memref_slice %arg8[%add3A_675, %dma_wait3A_763] : memref<32x128xi32, #tpu.memory_space<vmem>> -> memref<1x128xi32, #tpu.memory_space<vmem>>
        %dma_wait3A_765 = tpu.memref_squeeze %dma_wait3A_764 : memref<1x128xi32, #tpu.memory_space<vmem>> -> memref<128xi32, #tpu.memory_space<vmem>>
        %dma_wait3A_766 = arith.constant 0 : i32
        %dma_wait3A_767 = tpu.memref_slice %arg14[%dma_wait3A_766] : memref<16448xi32, #tpu.memory_space<vmem_shared>> -> memref<16448xi32, #tpu.memory_space<vmem_shared>>
        tpu.wait_indirect_dma semaphore(%arg15 : memref<!tpu.dma_semaphore, #tpu.memory_space<semaphore_mem>>) src(%dma_wait3A_762 : memref<128xi32, #tpu.memory_space<vmem>>) dst(%dma_wait3A_767 : memref<16448xi32, #tpu.memory_space<vmem_shared>>)
        %dma_wait3A_768 = arith.constant 0 : i32
        %dma_wait3A_769 = tpu.memref_slice %arg7[%add3A_687, %dma_wait3A_768] : memref<32x128xi32, #tpu.memory_space<vmem>> -> memref<1x128xi32, #tpu.memory_space<vmem>>
        %dma_wait3A_770 = tpu.memref_squeeze %dma_wait3A_769 : memref<1x128xi32, #tpu.memory_space<vmem>> -> memref<128xi32, #tpu.memory_space<vmem>>
        %dma_wait3A_771 = arith.constant 0 : i32
        %dma_wait3A_772 = tpu.memref_slice %arg8[%add3A_687, %dma_wait3A_771] : memref<32x128xi32, #tpu.memory_space<vmem>> -> memref<1x128xi32, #tpu.memory_space<vmem>>
        %dma_wait3A_773 = tpu.memref_squeeze %dma_wait3A_772 : memref<1x128xi32, #tpu.memory_space<vmem>> -> memref<128xi32, #tpu.memory_space<vmem>>
        %dma_wait3A_774 = arith.constant 0 : i32
        %dma_wait3A_775 = tpu.memref_slice %arg14[%dma_wait3A_774] : memref<16448xi32, #tpu.memory_space<vmem_shared>> -> memref<16448xi32, #tpu.memory_space<vmem_shared>>
        tpu.wait_indirect_dma semaphore(%arg15 : memref<!tpu.dma_semaphore, #tpu.memory_space<semaphore_mem>>) src(%dma_wait3A_770 : memref<128xi32, #tpu.memory_space<vmem>>) dst(%dma_wait3A_775 : memref<16448xi32, #tpu.memory_space<vmem_shared>>)
        %dma_wait3A_776 = arith.constant 0 : i32
        %dma_wait3A_777 = tpu.memref_slice %arg7[%add3A_699, %dma_wait3A_776] : memref<32x128xi32, #tpu.memory_space<vmem>> -> memref<1x128xi32, #tpu.memory_space<vmem>>
        %dma_wait3A_778 = tpu.memref_squeeze %dma_wait3A_777 : memref<1x128xi32, #tpu.memory_space<vmem>> -> memref<128xi32, #tpu.memory_space<vmem>>
        %dma_wait3A_779 = arith.constant 0 : i32
        %dma_wait3A_780 = tpu.memref_slice %arg8[%add3A_699, %dma_wait3A_779] : memref<32x128xi32, #tpu.memory_space<vmem>> -> memref<1x128xi32, #tpu.memory_space<vmem>>
        %dma_wait3A_781 = tpu.memref_squeeze %dma_wait3A_780 : memref<1x128xi32, #tpu.memory_space<vmem>> -> memref<128xi32, #tpu.memory_space<vmem>>
        %dma_wait3A_782 = arith.constant 0 : i32
        %dma_wait3A_783 = tpu.memref_slice %arg14[%dma_wait3A_782] : memref<16448xi32, #tpu.memory_space<vmem_shared>> -> memref<16448xi32, #tpu.memory_space<vmem_shared>>
        tpu.wait_indirect_dma semaphore(%arg15 : memref<!tpu.dma_semaphore, #tpu.memory_space<semaphore_mem>>) src(%dma_wait3A_778 : memref<128xi32, #tpu.memory_space<vmem>>) dst(%dma_wait3A_783 : memref<16448xi32, #tpu.memory_space<vmem_shared>>)
        %dma_wait3A_784 = arith.constant 0 : i32
        %dma_wait3A_785 = tpu.memref_slice %arg7[%add3A_711, %dma_wait3A_784] : memref<32x128xi32, #tpu.memory_space<vmem>> -> memref<1x128xi32, #tpu.memory_space<vmem>>
        %dma_wait3A_786 = tpu.memref_squeeze %dma_wait3A_785 : memref<1x128xi32, #tpu.memory_space<vmem>> -> memref<128xi32, #tpu.memory_space<vmem>>
        %dma_wait3A_787 = arith.constant 0 : i32
        %dma_wait3A_788 = tpu.memref_slice %arg8[%add3A_711, %dma_wait3A_787] : memref<32x128xi32, #tpu.memory_space<vmem>> -> memref<1x128xi32, #tpu.memory_space<vmem>>
        %dma_wait3A_789 = tpu.memref_squeeze %dma_wait3A_788 : memref<1x128xi32, #tpu.memory_space<vmem>> -> memref<128xi32, #tpu.memory_space<vmem>>
        %dma_wait3A_790 = arith.constant 0 : i32
        %dma_wait3A_791 = tpu.memref_slice %arg14[%dma_wait3A_790] : memref<16448xi32, #tpu.memory_space<vmem_shared>> -> memref<16448xi32, #tpu.memory_space<vmem_shared>>
        tpu.wait_indirect_dma semaphore(%arg15 : memref<!tpu.dma_semaphore, #tpu.memory_space<semaphore_mem>>) src(%dma_wait3A_786 : memref<128xi32, #tpu.memory_space<vmem>>) dst(%dma_wait3A_791 : memref<16448xi32, #tpu.memory_space<vmem_shared>>)
        %dma_wait3A_792 = arith.constant 0 : i32
        %dma_wait3A_793 = tpu.memref_slice %arg7[%add3A_723, %dma_wait3A_792] : memref<32x128xi32, #tpu.memory_space<vmem>> -> memref<1x128xi32, #tpu.memory_space<vmem>>
        %dma_wait3A_794 = tpu.memref_squeeze %dma_wait3A_793 : memref<1x128xi32, #tpu.memory_space<vmem>> -> memref<128xi32, #tpu.memory_space<vmem>>
        %dma_wait3A_795 = arith.constant 0 : i32
        %dma_wait3A_796 = tpu.memref_slice %arg8[%add3A_723, %dma_wait3A_795] : memref<32x128xi32, #tpu.memory_space<vmem>> -> memref<1x128xi32, #tpu.memory_space<vmem>>
        %dma_wait3A_797 = tpu.memref_squeeze %dma_wait3A_796 : memref<1x128xi32, #tpu.memory_space<vmem>> -> memref<128xi32, #tpu.memory_space<vmem>>
        %dma_wait3A_798 = arith.constant 0 : i32
        %dma_wait3A_799 = tpu.memref_slice %arg14[%dma_wait3A_798] : memref<16448xi32, #tpu.memory_space<vmem_shared>> -> memref<16448xi32, #tpu.memory_space<vmem_shared>>
        tpu.wait_indirect_dma semaphore(%arg15 : memref<!tpu.dma_semaphore, #tpu.memory_space<semaphore_mem>>) src(%dma_wait3A_794 : memref<128xi32, #tpu.memory_space<vmem>>) dst(%dma_wait3A_799 : memref<16448xi32, #tpu.memory_space<vmem_shared>>)
        %dma_wait3A_800 = arith.constant 0 : i32
        %dma_wait3A_801 = tpu.memref_slice %arg7[%add3A_735, %dma_wait3A_800] : memref<32x128xi32, #tpu.memory_space<vmem>> -> memref<1x128xi32, #tpu.memory_space<vmem>>
        %dma_wait3A_802 = tpu.memref_squeeze %dma_wait3A_801 : memref<1x128xi32, #tpu.memory_space<vmem>> -> memref<128xi32, #tpu.memory_space<vmem>>
        %dma_wait3A_803 = arith.constant 0 : i32
        %dma_wait3A_804 = tpu.memref_slice %arg8[%add3A_735, %dma_wait3A_803] : memref<32x128xi32, #tpu.memory_space<vmem>> -> memref<1x128xi32, #tpu.memory_space<vmem>>
        %dma_wait3A_805 = tpu.memref_squeeze %dma_wait3A_804 : memref<1x128xi32, #tpu.memory_space<vmem>> -> memref<128xi32, #tpu.memory_space<vmem>>
        %dma_wait3A_806 = arith.constant 0 : i32
        %dma_wait3A_807 = tpu.memref_slice %arg14[%dma_wait3A_806] : memref<16448xi32, #tpu.memory_space<vmem_shared>> -> memref<16448xi32, #tpu.memory_space<vmem_shared>>
        tpu.wait_indirect_dma semaphore(%arg15 : memref<!tpu.dma_semaphore, #tpu.memory_space<semaphore_mem>>) src(%dma_wait3A_802 : memref<128xi32, #tpu.memory_space<vmem>>) dst(%dma_wait3A_807 : memref<16448xi32, #tpu.memory_space<vmem_shared>>)
      }
      %scan3A_646 = arith.constant 4 : i32
    } else {
    }
    %barrier3A = arith.constant 0 : index
    tpu.barrier barrier_id(%barrier3A)
    %jit3A = arith.constant 4 : i32
    %div3A = arith.divsi %arg1, %jit3A : i32
    %sign3A = arith.constant 0 : i32
    %sign3A_2 = arith.cmpi sgt, %arg1, %sign3A : i32
    %sign3A_3 = arith.extui %sign3A_2 : i1 to i32
    %sign3A_4 = arith.constant 0 : i32
    %sign3A_5 = arith.cmpi slt, %arg1, %sign3A_4 : i32
    %sign3A_6 = arith.extui %sign3A_5 : i1 to i32
    %sign3A_7 = arith.subi %sign3A_3, %sign3A_6 : i32
    %sign3A_8 = arith.constant 0 : i32
    %sign3A_9 = arith.cmpi sgt, %jit3A, %sign3A_8 : i32
    %sign3A_10 = arith.extui %sign3A_9 : i1 to i32
    %sign3A_11 = arith.constant 0 : i32
    %sign3A_12 = arith.cmpi slt, %jit3A, %sign3A_11 : i32
    %sign3A_13 = arith.extui %sign3A_12 : i1 to i32
    %sign3A_14 = arith.subi %sign3A_10, %sign3A_13 : i32
    %ne3A = arith.cmpi ne, %sign3A_7, %sign3A_14 : i32
    %rem3A = arith.remsi %arg1, %jit3A : i32
    %ne3A_15 = arith.constant 0 : i32
    %ne3A_16 = arith.cmpi ne, %rem3A, %ne3A_15 : i32
    %and3A = arith.andi %ne3A, %ne3A_16 : i1
    %sub3A = arith.constant 1 : i32
    %sub3A_17 = arith.subi %div3A, %sub3A : i32
    %select_n3A = arith.select %and3A, %sub3A_17, %div3A : i32
    %rem3A_18 = arith.constant 4 : i32
    %rem3A_19 = arith.remsi %arg1, %rem3A_18 : i32
    %mul3A = arith.constant 512 : i32
    %mul3A_20 = arith.muli %rem3A_19, %mul3A : i32
    %mul3A_21 = arith.constant 4112 : i32
    %mul3A_22 = arith.muli %select_n3A, %mul3A_21 : i32
    %add3A = arith.addi %mul3A_22, %mul3A_20 : i32
    %add3A_23 = arith.constant 0 : i32
    %add3A_24 = arith.addi %add3A, %add3A_23 : i32
    "tpu.region"() ({
      %run_scoped3A = tpu.sem_alloc : memref<!tpu.dma_semaphore, #tpu.memory_space<semaphore_mem>>
      %dma_start3A_639 = tpu.memref_slice %arg14[%add3A_24] : memref<16448xi32, #tpu.memory_space<vmem_shared>> -> memref<128xi32, #tpu.memory_space<vmem_shared>>
      %dma_start3A_640 = tpu.memref_slice %arg14[%add3A_24] : memref<16448xi32, #tpu.memory_space<vmem_shared>> -> memref<128xi32, #tpu.memory_space<vmem_shared>>
      tpu.enqueue_dma source(%dma_start3A_640 : memref<128xi32, #tpu.memory_space<vmem_shared>>) target(%arg9 : memref<128xi32, #tpu.memory_space<vmem>>) target_semaphore(%run_scoped3A : memref<!tpu.dma_semaphore, #tpu.memory_space<semaphore_mem>>)
      %dma_wait3A_641 = tpu.memref_slice %arg14[%add3A_24] : memref<16448xi32, #tpu.memory_space<vmem_shared>> -> memref<128xi32, #tpu.memory_space<vmem_shared>>
      %dma_wait3A_642 = tpu.memref_slice %arg14[%add3A_24] : memref<16448xi32, #tpu.memory_space<vmem_shared>> -> memref<128xi32, #tpu.memory_space<vmem_shared>>
      tpu.wait_dma2 semaphore(%run_scoped3A : memref<!tpu.dma_semaphore, #tpu.memory_space<semaphore_mem>>) src(%dma_wait3A_642 : memref<128xi32, #tpu.memory_space<vmem_shared>>) dst(%arg9 : memref<128xi32, #tpu.memory_space<vmem>>)
      tpu.yield
    }) : () -> ()
    %get3A = arith.constant 0 : index
    %get3A_25 = tpu.vector_load %arg9[%get3A] {strides = array<i32>} : memref<128xi32, #tpu.memory_space<vmem>>, vector<16xi32>,
    %get3A_26 = vector.shape_cast %get3A_25 : vector<16xi32> to vector<16xi32>
    %and3A_27 = arith.constant 4095 : i32
    %and3A_28 = vector.broadcast %and3A_27 : i32 to vector<16xi32>
    %and3A_29 = arith.andi %get3A_26, %and3A_28 : vector<16xi32>
    %jit3A_30 = arith.constant 0 : i32
    %jit3A_31 = arith.constant 2048 : i32
    %max3A = vector.broadcast %jit3A_30 : i32 to vector<16xi32>
    %max3A_32 = arith.maxsi %max3A, %and3A_29 : vector<16xi32>
    %min3A = vector.broadcast %jit3A_31 : i32 to vector<16xi32>
    %min3A_33 = arith.minsi %min3A, %max3A_32 : vector<16xi32>
    %swap3A = arith.constant 0 : index
    %swap3A_34 = tpu.vector_load %arg9[%swap3A] {strides = array<i32>} : memref<128xi32, #tpu.memory_space<vmem>>, vector<16xi32>,
    %swap3A_35 = vector.shape_cast %swap3A_34 : vector<16xi32> to vector<16xi32>
    %swap3A_36 = vector.shape_cast %min3A_33 : vector<16xi32> to vector<16xi32>
    tpu.vector_store %arg9[%swap3A], %swap3A_36 {strides = array<i32>} : memref<128xi32, #tpu.memory_space<vmem>>, vector<16xi32>,
    %get3A_37 = arith.constant 16 : index
    %get3A_38 = tpu.vector_load %arg9[%get3A_37] {strides = array<i32>} : memref<128xi32, #tpu.memory_space<vmem>>, vector<16xi32>,
    %get3A_39 = vector.shape_cast %get3A_38 : vector<16xi32> to vector<16xi32>
    %and3A_40 = arith.constant 4095 : i32
    %and3A_41 = vector.broadcast %and3A_40 : i32 to vector<16xi32>
    %and3A_42 = arith.andi %get3A_39, %and3A_41 : vector<16xi32>
    %jit3A_43 = arith.constant 0 : i32
    %jit3A_44 = arith.constant 2048 : i32
    %max3A_45 = vector.broadcast %jit3A_43 : i32 to vector<16xi32>
    %max3A_46 = arith.maxsi %max3A_45, %and3A_42 : vector<16xi32>
    %min3A_47 = vector.broadcast %jit3A_44 : i32 to vector<16xi32>
    %min3A_48 = arith.minsi %min3A_47, %max3A_46 : vector<16xi32>
    %swap3A_49 = arith.constant 16 : index
    %swap3A_50 = tpu.vector_load %arg9[%swap3A_49] {strides = array<i32>} : memref<128xi32, #tpu.memory_space<vmem>>, vector<16xi32>,
    %swap3A_51 = vector.shape_cast %swap3A_50 : vector<16xi32> to vector<16xi32>
    %swap3A_52 = vector.shape_cast %min3A_48 : vector<16xi32> to vector<16xi32>
    tpu.vector_store %arg9[%swap3A_49], %swap3A_52 {strides = array<i32>} : memref<128xi32, #tpu.memory_space<vmem>>, vector<16xi32>,
    %get3A_53 = arith.constant 32 : index
    %get3A_54 = tpu.vector_load %arg9[%get3A_53] {strides = array<i32>} : memref<128xi32, #tpu.memory_space<vmem>>, vector<16xi32>,
    %get3A_55 = vector.shape_cast %get3A_54 : vector<16xi32> to vector<16xi32>
    %and3A_56 = arith.constant 4095 : i32
    %and3A_57 = vector.broadcast %and3A_56 : i32 to vector<16xi32>
    %and3A_58 = arith.andi %get3A_55, %and3A_57 : vector<16xi32>
    %jit3A_59 = arith.constant 0 : i32
    %jit3A_60 = arith.constant 2048 : i32
    %max3A_61 = vector.broadcast %jit3A_59 : i32 to vector<16xi32>
    %max3A_62 = arith.maxsi %max3A_61, %and3A_58 : vector<16xi32>
    %min3A_63 = vector.broadcast %jit3A_60 : i32 to vector<16xi32>
    %min3A_64 = arith.minsi %min3A_63, %max3A_62 : vector<16xi32>
    %swap3A_65 = arith.constant 32 : index
    %swap3A_66 = tpu.vector_load %arg9[%swap3A_65] {strides = array<i32>} : memref<128xi32, #tpu.memory_space<vmem>>, vector<16xi32>,
    %swap3A_67 = vector.shape_cast %swap3A_66 : vector<16xi32> to vector<16xi32>
    %swap3A_68 = vector.shape_cast %min3A_64 : vector<16xi32> to vector<16xi32>
    tpu.vector_store %arg9[%swap3A_65], %swap3A_68 {strides = array<i32>} : memref<128xi32, #tpu.memory_space<vmem>>, vector<16xi32>,
    %get3A_69 = arith.constant 48 : index
    %get3A_70 = tpu.vector_load %arg9[%get3A_69] {strides = array<i32>} : memref<128xi32, #tpu.memory_space<vmem>>, vector<16xi32>,
    %get3A_71 = vector.shape_cast %get3A_70 : vector<16xi32> to vector<16xi32>
    %and3A_72 = arith.constant 4095 : i32
    %and3A_73 = vector.broadcast %and3A_72 : i32 to vector<16xi32>
    %and3A_74 = arith.andi %get3A_71, %and3A_73 : vector<16xi32>
    %jit3A_75 = arith.constant 0 : i32
    %jit3A_76 = arith.constant 2048 : i32
    %max3A_77 = vector.broadcast %jit3A_75 : i32 to vector<16xi32>
    %max3A_78 = arith.maxsi %max3A_77, %and3A_74 : vector<16xi32>
    %min3A_79 = vector.broadcast %jit3A_76 : i32 to vector<16xi32>
    %min3A_80 = arith.minsi %min3A_79, %max3A_78 : vector<16xi32>
    %swap3A_81 = arith.constant 48 : index
    %swap3A_82 = tpu.vector_load %arg9[%swap3A_81] {strides = array<i32>} : memref<128xi32, #tpu.memory_space<vmem>>, vector<16xi32>,
    %swap3A_83 = vector.shape_cast %swap3A_82 : vector<16xi32> to vector<16xi32>
    %swap3A_84 = vector.shape_cast %min3A_80 : vector<16xi32> to vector<16xi32>
    tpu.vector_store %arg9[%swap3A_81], %swap3A_84 {strides = array<i32>} : memref<128xi32, #tpu.memory_space<vmem>>, vector<16xi32>,
    %get3A_85 = arith.constant 64 : index
    %get3A_86 = tpu.vector_load %arg9[%get3A_85] {strides = array<i32>} : memref<128xi32, #tpu.memory_space<vmem>>, vector<16xi32>,
    %get3A_87 = vector.shape_cast %get3A_86 : vector<16xi32> to vector<16xi32>
    %and3A_88 = arith.constant 4095 : i32
    %and3A_89 = vector.broadcast %and3A_88 : i32 to vector<16xi32>
    %and3A_90 = arith.andi %get3A_87, %and3A_89 : vector<16xi32>
    %jit3A_91 = arith.constant 0 : i32
    %jit3A_92 = arith.constant 2048 : i32
    %max3A_93 = vector.broadcast %jit3A_91 : i32 to vector<16xi32>
    %max3A_94 = arith.maxsi %max3A_93, %and3A_90 : vector<16xi32>
    %min3A_95 = vector.broadcast %jit3A_92 : i32 to vector<16xi32>
    %min3A_96 = arith.minsi %min3A_95, %max3A_94 : vector<16xi32>
    %swap3A_97 = arith.constant 64 : index
    %swap3A_98 = tpu.vector_load %arg9[%swap3A_97] {strides = array<i32>} : memref<128xi32, #tpu.memory_space<vmem>>, vector<16xi32>,
    %swap3A_99 = vector.shape_cast %swap3A_98 : vector<16xi32> to vector<16xi32>
    %swap3A_100 = vector.shape_cast %min3A_96 : vector<16xi32> to vector<16xi32>
    tpu.vector_store %arg9[%swap3A_97], %swap3A_100 {strides = array<i32>} : memref<128xi32, #tpu.memory_space<vmem>>, vector<16xi32>,
    %get3A_101 = arith.constant 80 : index
    %get3A_102 = tpu.vector_load %arg9[%get3A_101] {strides = array<i32>} : memref<128xi32, #tpu.memory_space<vmem>>, vector<16xi32>,
    %get3A_103 = vector.shape_cast %get3A_102 : vector<16xi32> to vector<16xi32>
    %and3A_104 = arith.constant 4095 : i32
    %and3A_105 = vector.broadcast %and3A_104 : i32 to vector<16xi32>
    %and3A_106 = arith.andi %get3A_103, %and3A_105 : vector<16xi32>
    %jit3A_107 = arith.constant 0 : i32
    %jit3A_108 = arith.constant 2048 : i32
    %max3A_109 = vector.broadcast %jit3A_107 : i32 to vector<16xi32>
    %max3A_110 = arith.maxsi %max3A_109, %and3A_106 : vector<16xi32>
    %min3A_111 = vector.broadcast %jit3A_108 : i32 to vector<16xi32>
    %min3A_112 = arith.minsi %min3A_111, %max3A_110 : vector<16xi32>
    %swap3A_113 = arith.constant 80 : index
    %swap3A_114 = tpu.vector_load %arg9[%swap3A_113] {strides = array<i32>} : memref<128xi32, #tpu.memory_space<vmem>>, vector<16xi32>,
    %swap3A_115 = vector.shape_cast %swap3A_114 : vector<16xi32> to vector<16xi32>
    %swap3A_116 = vector.shape_cast %min3A_112 : vector<16xi32> to vector<16xi32>
    tpu.vector_store %arg9[%swap3A_113], %swap3A_116 {strides = array<i32>} : memref<128xi32, #tpu.memory_space<vmem>>, vector<16xi32>,
    %get3A_117 = arith.constant 96 : index
    %get3A_118 = tpu.vector_load %arg9[%get3A_117] {strides = array<i32>} : memref<128xi32, #tpu.memory_space<vmem>>, vector<16xi32>,
    %get3A_119 = vector.shape_cast %get3A_118 : vector<16xi32> to vector<16xi32>
    %and3A_120 = arith.constant 4095 : i32
    %and3A_121 = vector.broadcast %and3A_120 : i32 to vector<16xi32>
    %and3A_122 = arith.andi %get3A_119, %and3A_121 : vector<16xi32>
    %jit3A_123 = arith.constant 0 : i32
    %jit3A_124 = arith.constant 2048 : i32
    %max3A_125 = vector.broadcast %jit3A_123 : i32 to vector<16xi32>
    %max3A_126 = arith.maxsi %max3A_125, %and3A_122 : vector<16xi32>
    %min3A_127 = vector.broadcast %jit3A_124 : i32 to vector<16xi32>
    %min3A_128 = arith.minsi %min3A_127, %max3A_126 : vector<16xi32>
    %swap3A_129 = arith.constant 96 : index
    %swap3A_130 = tpu.vector_load %arg9[%swap3A_129] {strides = array<i32>} : memref<128xi32, #tpu.memory_space<vmem>>, vector<16xi32>,
    %swap3A_131 = vector.shape_cast %swap3A_130 : vector<16xi32> to vector<16xi32>
    %swap3A_132 = vector.shape_cast %min3A_128 : vector<16xi32> to vector<16xi32>
    tpu.vector_store %arg9[%swap3A_129], %swap3A_132 {strides = array<i32>} : memref<128xi32, #tpu.memory_space<vmem>>, vector<16xi32>,
    %get3A_133 = arith.constant 112 : index
    %get3A_134 = tpu.vector_load %arg9[%get3A_133] {strides = array<i32>} : memref<128xi32, #tpu.memory_space<vmem>>, vector<16xi32>,
    %get3A_135 = vector.shape_cast %get3A_134 : vector<16xi32> to vector<16xi32>
    %and3A_136 = arith.constant 4095 : i32
    %and3A_137 = vector.broadcast %and3A_136 : i32 to vector<16xi32>
    %and3A_138 = arith.andi %get3A_135, %and3A_137 : vector<16xi32>
    %jit3A_139 = arith.constant 0 : i32
    %jit3A_140 = arith.constant 2048 : i32
    %max3A_141 = vector.broadcast %jit3A_139 : i32 to vector<16xi32>
    %max3A_142 = arith.maxsi %max3A_141, %and3A_138 : vector<16xi32>
    %min3A_143 = vector.broadcast %jit3A_140 : i32 to vector<16xi32>
    %min3A_144 = arith.minsi %min3A_143, %max3A_142 : vector<16xi32>
    %swap3A_145 = arith.constant 112 : index
    %swap3A_146 = tpu.vector_load %arg9[%swap3A_145] {strides = array<i32>} : memref<128xi32, #tpu.memory_space<vmem>>, vector<16xi32>,
    %swap3A_147 = vector.shape_cast %swap3A_146 : vector<16xi32> to vector<16xi32>
    %swap3A_148 = vector.shape_cast %min3A_144 : vector<16xi32> to vector<16xi32>
    tpu.vector_store %arg9[%swap3A_145], %swap3A_148 {strides = array<i32>} : memref<128xi32, #tpu.memory_space<vmem>>, vector<16xi32>,
    %dma_start3A = arith.constant 0 : i32
    %dma_start3A_149 = arith.constant 0 : i32
    %dma_start3A_150 = tpu.memref_slice %arg4[%dma_start3A, %dma_start3A_149] : memref<2049x256xi32, #tpu.memory_space<hbm>> -> memref<2049x256xi32, #tpu.memory_space<hbm>>
    tpu.enqueue_indirect_dma source(%dma_start3A_150 : memref<2049x256xi32, #tpu.memory_space<hbm>>) target(%arg11 : memref<128x256xi32, #tpu.memory_space<vmem>>) offsets(%arg9 : memref<128xi32, #tpu.memory_space<vmem>>) semaphore(%arg15 : memref<!tpu.dma_semaphore, #tpu.memory_space<semaphore_mem>>)
    %mul3A_151 = arith.constant 4112 : i32
    %mul3A_152 = arith.muli %select_n3A, %mul3A_151 : i32
    %add3A_153 = arith.addi %mul3A_152, %mul3A_20 : i32
    %add3A_154 = arith.constant 128 : i32
    %add3A_155 = arith.addi %add3A_153, %add3A_154 : i32
    "tpu.region"() ({
      %run_scoped3A = tpu.sem_alloc : memref<!tpu.dma_semaphore, #tpu.memory_space<semaphore_mem>>
      %dma_start3A_639 = tpu.memref_slice %arg14[%add3A_155] : memref<16448xi32, #tpu.memory_space<vmem_shared>> -> memref<128xi32, #tpu.memory_space<vmem_shared>>
      %dma_start3A_640 = tpu.memref_slice %arg14[%add3A_155] : memref<16448xi32, #tpu.memory_space<vmem_shared>> -> memref<128xi32, #tpu.memory_space<vmem_shared>>
      tpu.enqueue_dma source(%dma_start3A_640 : memref<128xi32, #tpu.memory_space<vmem_shared>>) target(%arg10 : memref<128xi32, #tpu.memory_space<vmem>>) target_semaphore(%run_scoped3A : memref<!tpu.dma_semaphore, #tpu.memory_space<semaphore_mem>>)
      %dma_wait3A_641 = tpu.memref_slice %arg14[%add3A_155] : memref<16448xi32, #tpu.memory_space<vmem_shared>> -> memref<128xi32, #tpu.memory_space<vmem_shared>>
      %dma_wait3A_642 = tpu.memref_slice %arg14[%add3A_155] : memref<16448xi32, #tpu.memory_space<vmem_shared>> -> memref<128xi32, #tpu.memory_space<vmem_shared>>
      tpu.wait_dma2 semaphore(%run_scoped3A : memref<!tpu.dma_semaphore, #tpu.memory_space<semaphore_mem>>) src(%dma_wait3A_642 : memref<128xi32, #tpu.memory_space<vmem_shared>>) dst(%arg10 : memref<128xi32, #tpu.memory_space<vmem>>)
      tpu.yield
    }) : () -> ()
    %get3A_156 = arith.constant 0 : index
    %get3A_157 = tpu.vector_load %arg10[%get3A_156] {strides = array<i32>} : memref<128xi32, #tpu.memory_space<vmem>>, vector<16xi32>,
    %get3A_158 = vector.shape_cast %get3A_157 : vector<16xi32> to vector<16xi32>
    %and3A_159 = arith.constant 4095 : i32
    %and3A_160 = vector.broadcast %and3A_159 : i32 to vector<16xi32>
    %and3A_161 = arith.andi %get3A_158, %and3A_160 : vector<16xi32>
    %jit3A_162 = arith.constant 0 : i32
    %jit3A_163 = arith.constant 2048 : i32
    %max3A_164 = vector.broadcast %jit3A_162 : i32 to vector<16xi32>
    %max3A_165 = arith.maxsi %max3A_164, %and3A_161 : vector<16xi32>
    %min3A_166 = vector.broadcast %jit3A_163 : i32 to vector<16xi32>
    %min3A_167 = arith.minsi %min3A_166, %max3A_165 : vector<16xi32>
    %swap3A_168 = arith.constant 0 : index
    %swap3A_169 = tpu.vector_load %arg10[%swap3A_168] {strides = array<i32>} : memref<128xi32, #tpu.memory_space<vmem>>, vector<16xi32>,
    %swap3A_170 = vector.shape_cast %swap3A_169 : vector<16xi32> to vector<16xi32>
    %swap3A_171 = vector.shape_cast %min3A_167 : vector<16xi32> to vector<16xi32>
    tpu.vector_store %arg10[%swap3A_168], %swap3A_171 {strides = array<i32>} : memref<128xi32, #tpu.memory_space<vmem>>, vector<16xi32>,
    %get3A_172 = arith.constant 16 : index
    %get3A_173 = tpu.vector_load %arg10[%get3A_172] {strides = array<i32>} : memref<128xi32, #tpu.memory_space<vmem>>, vector<16xi32>,
    %get3A_174 = vector.shape_cast %get3A_173 : vector<16xi32> to vector<16xi32>
    %and3A_175 = arith.constant 4095 : i32
    %and3A_176 = vector.broadcast %and3A_175 : i32 to vector<16xi32>
    %and3A_177 = arith.andi %get3A_174, %and3A_176 : vector<16xi32>
    %jit3A_178 = arith.constant 0 : i32
    %jit3A_179 = arith.constant 2048 : i32
    %max3A_180 = vector.broadcast %jit3A_178 : i32 to vector<16xi32>
    %max3A_181 = arith.maxsi %max3A_180, %and3A_177 : vector<16xi32>
    %min3A_182 = vector.broadcast %jit3A_179 : i32 to vector<16xi32>
    %min3A_183 = arith.minsi %min3A_182, %max3A_181 : vector<16xi32>
    %swap3A_184 = arith.constant 16 : index
    %swap3A_185 = tpu.vector_load %arg10[%swap3A_184] {strides = array<i32>} : memref<128xi32, #tpu.memory_space<vmem>>, vector<16xi32>,
    %swap3A_186 = vector.shape_cast %swap3A_185 : vector<16xi32> to vector<16xi32>
    %swap3A_187 = vector.shape_cast %min3A_183 : vector<16xi32> to vector<16xi32>
    tpu.vector_store %arg10[%swap3A_184], %swap3A_187 {strides = array<i32>} : memref<128xi32, #tpu.memory_space<vmem>>, vector<16xi32>,
    %get3A_188 = arith.constant 32 : index
    %get3A_189 = tpu.vector_load %arg10[%get3A_188] {strides = array<i32>} : memref<128xi32, #tpu.memory_space<vmem>>, vector<16xi32>,
    %get3A_190 = vector.shape_cast %get3A_189 : vector<16xi32> to vector<16xi32>
    %and3A_191 = arith.constant 4095 : i32
    %and3A_192 = vector.broadcast %and3A_191 : i32 to vector<16xi32>
    %and3A_193 = arith.andi %get3A_190, %and3A_192 : vector<16xi32>
    %jit3A_194 = arith.constant 0 : i32
    %jit3A_195 = arith.constant 2048 : i32
    %max3A_196 = vector.broadcast %jit3A_194 : i32 to vector<16xi32>
    %max3A_197 = arith.maxsi %max3A_196, %and3A_193 : vector<16xi32>
    %min3A_198 = vector.broadcast %jit3A_195 : i32 to vector<16xi32>
    %min3A_199 = arith.minsi %min3A_198, %max3A_197 : vector<16xi32>
    %swap3A_200 = arith.constant 32 : index
    %swap3A_201 = tpu.vector_load %arg10[%swap3A_200] {strides = array<i32>} : memref<128xi32, #tpu.memory_space<vmem>>, vector<16xi32>,
    %swap3A_202 = vector.shape_cast %swap3A_201 : vector<16xi32> to vector<16xi32>
    %swap3A_203 = vector.shape_cast %min3A_199 : vector<16xi32> to vector<16xi32>
    tpu.vector_store %arg10[%swap3A_200], %swap3A_203 {strides = array<i32>} : memref<128xi32, #tpu.memory_space<vmem>>, vector<16xi32>,
    %get3A_204 = arith.constant 48 : index
    %get3A_205 = tpu.vector_load %arg10[%get3A_204] {strides = array<i32>} : memref<128xi32, #tpu.memory_space<vmem>>, vector<16xi32>,
    %get3A_206 = vector.shape_cast %get3A_205 : vector<16xi32> to vector<16xi32>
    %and3A_207 = arith.constant 4095 : i32
    %and3A_208 = vector.broadcast %and3A_207 : i32 to vector<16xi32>
    %and3A_209 = arith.andi %get3A_206, %and3A_208 : vector<16xi32>
    %jit3A_210 = arith.constant 0 : i32
    %jit3A_211 = arith.constant 2048 : i32
    %max3A_212 = vector.broadcast %jit3A_210 : i32 to vector<16xi32>
    %max3A_213 = arith.maxsi %max3A_212, %and3A_209 : vector<16xi32>
    %min3A_214 = vector.broadcast %jit3A_211 : i32 to vector<16xi32>
    %min3A_215 = arith.minsi %min3A_214, %max3A_213 : vector<16xi32>
    %swap3A_216 = arith.constant 48 : index
    %swap3A_217 = tpu.vector_load %arg10[%swap3A_216] {strides = array<i32>} : memref<128xi32, #tpu.memory_space<vmem>>, vector<16xi32>,
    %swap3A_218 = vector.shape_cast %swap3A_217 : vector<16xi32> to vector<16xi32>
    %swap3A_219 = vector.shape_cast %min3A_215 : vector<16xi32> to vector<16xi32>
    tpu.vector_store %arg10[%swap3A_216], %swap3A_219 {strides = array<i32>} : memref<128xi32, #tpu.memory_space<vmem>>, vector<16xi32>,
    %get3A_220 = arith.constant 64 : index
    %get3A_221 = tpu.vector_load %arg10[%get3A_220] {strides = array<i32>} : memref<128xi32, #tpu.memory_space<vmem>>, vector<16xi32>,
    %get3A_222 = vector.shape_cast %get3A_221 : vector<16xi32> to vector<16xi32>
    %and3A_223 = arith.constant 4095 : i32
    %and3A_224 = vector.broadcast %and3A_223 : i32 to vector<16xi32>
    %and3A_225 = arith.andi %get3A_222, %and3A_224 : vector<16xi32>
    %jit3A_226 = arith.constant 0 : i32
    %jit3A_227 = arith.constant 2048 : i32
    %max3A_228 = vector.broadcast %jit3A_226 : i32 to vector<16xi32>
    %max3A_229 = arith.maxsi %max3A_228, %and3A_225 : vector<16xi32>
    %min3A_230 = vector.broadcast %jit3A_227 : i32 to vector<16xi32>
    %min3A_231 = arith.minsi %min3A_230, %max3A_229 : vector<16xi32>
    %swap3A_232 = arith.constant 64 : index
    %swap3A_233 = tpu.vector_load %arg10[%swap3A_232] {strides = array<i32>} : memref<128xi32, #tpu.memory_space<vmem>>, vector<16xi32>,
    %swap3A_234 = vector.shape_cast %swap3A_233 : vector<16xi32> to vector<16xi32>
    %swap3A_235 = vector.shape_cast %min3A_231 : vector<16xi32> to vector<16xi32>
    tpu.vector_store %arg10[%swap3A_232], %swap3A_235 {strides = array<i32>} : memref<128xi32, #tpu.memory_space<vmem>>, vector<16xi32>,
    %get3A_236 = arith.constant 80 : index
    %get3A_237 = tpu.vector_load %arg10[%get3A_236] {strides = array<i32>} : memref<128xi32, #tpu.memory_space<vmem>>, vector<16xi32>,
    %get3A_238 = vector.shape_cast %get3A_237 : vector<16xi32> to vector<16xi32>
    %and3A_239 = arith.constant 4095 : i32
    %and3A_240 = vector.broadcast %and3A_239 : i32 to vector<16xi32>
    %and3A_241 = arith.andi %get3A_238, %and3A_240 : vector<16xi32>
    %jit3A_242 = arith.constant 0 : i32
    %jit3A_243 = arith.constant 2048 : i32
    %max3A_244 = vector.broadcast %jit3A_242 : i32 to vector<16xi32>
    %max3A_245 = arith.maxsi %max3A_244, %and3A_241 : vector<16xi32>
    %min3A_246 = vector.broadcast %jit3A_243 : i32 to vector<16xi32>
    %min3A_247 = arith.minsi %min3A_246, %max3A_245 : vector<16xi32>
    %swap3A_248 = arith.constant 80 : index
    %swap3A_249 = tpu.vector_load %arg10[%swap3A_248] {strides = array<i32>} : memref<128xi32, #tpu.memory_space<vmem>>, vector<16xi32>,
    %swap3A_250 = vector.shape_cast %swap3A_249 : vector<16xi32> to vector<16xi32>
    %swap3A_251 = vector.shape_cast %min3A_247 : vector<16xi32> to vector<16xi32>
    tpu.vector_store %arg10[%swap3A_248], %swap3A_251 {strides = array<i32>} : memref<128xi32, #tpu.memory_space<vmem>>, vector<16xi32>,
    %get3A_252 = arith.constant 96 : index
    %get3A_253 = tpu.vector_load %arg10[%get3A_252] {strides = array<i32>} : memref<128xi32, #tpu.memory_space<vmem>>, vector<16xi32>,
    %get3A_254 = vector.shape_cast %get3A_253 : vector<16xi32> to vector<16xi32>
    %and3A_255 = arith.constant 4095 : i32
    %and3A_256 = vector.broadcast %and3A_255 : i32 to vector<16xi32>
    %and3A_257 = arith.andi %get3A_254, %and3A_256 : vector<16xi32>
    %jit3A_258 = arith.constant 0 : i32
    %jit3A_259 = arith.constant 2048 : i32
    %max3A_260 = vector.broadcast %jit3A_258 : i32 to vector<16xi32>
    %max3A_261 = arith.maxsi %max3A_260, %and3A_257 : vector<16xi32>
    %min3A_262 = vector.broadcast %jit3A_259 : i32 to vector<16xi32>
    %min3A_263 = arith.minsi %min3A_262, %max3A_261 : vector<16xi32>
    %swap3A_264 = arith.constant 96 : index
    %swap3A_265 = tpu.vector_load %arg10[%swap3A_264] {strides = array<i32>} : memref<128xi32, #tpu.memory_space<vmem>>, vector<16xi32>,
    %swap3A_266 = vector.shape_cast %swap3A_265 : vector<16xi32> to vector<16xi32>
    %swap3A_267 = vector.shape_cast %min3A_263 : vector<16xi32> to vector<16xi32>
    tpu.vector_store %arg10[%swap3A_264], %swap3A_267 {strides = array<i32>} : memref<128xi32, #tpu.memory_space<vmem>>, vector<16xi32>,
    %get3A_268 = arith.constant 112 : index
    %get3A_269 = tpu.vector_load %arg10[%get3A_268] {strides = array<i32>} : memref<128xi32, #tpu.memory_space<vmem>>, vector<16xi32>,
    %get3A_270 = vector.shape_cast %get3A_269 : vector<16xi32> to vector<16xi32>
    %and3A_271 = arith.constant 4095 : i32
    %and3A_272 = vector.broadcast %and3A_271 : i32 to vector<16xi32>
    %and3A_273 = arith.andi %get3A_270, %and3A_272 : vector<16xi32>
    %jit3A_274 = arith.constant 0 : i32
    %jit3A_275 = arith.constant 2048 : i32
    %max3A_276 = vector.broadcast %jit3A_274 : i32 to vector<16xi32>
    %max3A_277 = arith.maxsi %max3A_276, %and3A_273 : vector<16xi32>
    %min3A_278 = vector.broadcast %jit3A_275 : i32 to vector<16xi32>
    %min3A_279 = arith.minsi %min3A_278, %max3A_277 : vector<16xi32>
    %swap3A_280 = arith.constant 112 : index
    %swap3A_281 = tpu.vector_load %arg10[%swap3A_280] {strides = array<i32>} : memref<128xi32, #tpu.memory_space<vmem>>, vector<16xi32>,
    %swap3A_282 = vector.shape_cast %swap3A_281 : vector<16xi32> to vector<16xi32>
    %swap3A_283 = vector.shape_cast %min3A_279 : vector<16xi32> to vector<16xi32>
    tpu.vector_store %arg10[%swap3A_280], %swap3A_283 {strides = array<i32>} : memref<128xi32, #tpu.memory_space<vmem>>, vector<16xi32>,
    %dma_start3A_284 = arith.constant 0 : i32
    %dma_start3A_285 = arith.constant 0 : i32
    %dma_start3A_286 = tpu.memref_slice %arg4[%dma_start3A_284, %dma_start3A_285] : memref<2049x256xi32, #tpu.memory_space<hbm>> -> memref<2049x256xi32, #tpu.memory_space<hbm>>
    tpu.enqueue_indirect_dma source(%dma_start3A_286 : memref<2049x256xi32, #tpu.memory_space<hbm>>) target(%arg12 : memref<128x256xi32, #tpu.memory_space<vmem>>) offsets(%arg10 : memref<128xi32, #tpu.memory_space<vmem>>) semaphore(%arg15 : memref<!tpu.dma_semaphore, #tpu.memory_space<semaphore_mem>>)
    %dma_wait3A = arith.constant 0 : i32
    %dma_wait3A_287 = arith.constant 0 : i32
    %dma_wait3A_288 = tpu.memref_slice %arg4[%dma_wait3A, %dma_wait3A_287] : memref<2049x256xi32, #tpu.memory_space<hbm>> -> memref<2049x256xi32, #tpu.memory_space<hbm>>
    tpu.wait_indirect_dma semaphore(%arg15 : memref<!tpu.dma_semaphore, #tpu.memory_space<semaphore_mem>>) src(%dma_wait3A_288 : memref<2049x256xi32, #tpu.memory_space<hbm>>) dst(%arg11 : memref<128x256xi32, #tpu.memory_space<vmem>>)
    %mul3A_289 = arith.constant 4 : i32
    %mul3A_290 = arith.muli %arg0, %mul3A_289 : i32
    %add3A_291 = arith.addi %mul3A_290, %select_n3A : i32
    %mul3A_292 = arith.constant 2048 : i32
    %mul3A_293 = arith.muli %add3A_291, %mul3A_292 : i32
    %add3A_294 = arith.addi %mul3A_293, %mul3A_20 : i32
    %add3A_295 = arith.constant 0 : i32
    %add3A_296 = arith.addi %add3A_294, %add3A_295 : i32
    %dma_start3A_297 = arith.constant 0 : i32
    %dma_start3A_298 = tpu.memref_slice %arg6[%add3A_296, %dma_start3A_297] : memref<16384x256xi32, #tpu.memory_space<hbm>> -> memref<128x256xi32, #tpu.memory_space<hbm>>
    %dma_start3A_299 = arith.constant 0 : i32
    %dma_start3A_300 = tpu.memref_slice %arg6[%add3A_296, %dma_start3A_299] : memref<16384x256xi32, #tpu.memory_space<hbm>> -> memref<128x256xi32, #tpu.memory_space<hbm>>
    tpu.enqueue_dma source(%arg11 : memref<128x256xi32, #tpu.memory_space<vmem>>) target(%dma_start3A_300 : memref<128x256xi32, #tpu.memory_space<hbm>>) target_semaphore(%arg16 : memref<!tpu.dma_semaphore, #tpu.memory_space<semaphore_mem>>)
    %dma_wait3A_301 = arith.constant 0 : i32
    %dma_wait3A_302 = tpu.memref_slice %arg6[%add3A_296, %dma_wait3A_301] : memref<16384x256xi32, #tpu.memory_space<hbm>> -> memref<128x256xi32, #tpu.memory_space<hbm>>
    %dma_wait3A_303 = arith.constant 0 : i32
    %dma_wait3A_304 = tpu.memref_slice %arg6[%add3A_296, %dma_wait3A_303] : memref<16384x256xi32, #tpu.memory_space<hbm>> -> memref<128x256xi32, #tpu.memory_space<hbm>>
    tpu.wait_dma2 semaphore(%arg16 : memref<!tpu.dma_semaphore, #tpu.memory_space<semaphore_mem>>) src(%arg11 : memref<128x256xi32, #tpu.memory_space<vmem>>) dst(%dma_wait3A_304 : memref<128x256xi32, #tpu.memory_space<hbm>>)
    %mul3A_305 = arith.constant 4112 : i32
    %mul3A_306 = arith.muli %select_n3A, %mul3A_305 : i32
    %add3A_307 = arith.addi %mul3A_306, %mul3A_20 : i32
    %add3A_308 = arith.constant 256 : i32
    %add3A_309 = arith.addi %add3A_307, %add3A_308 : i32
    "tpu.region"() ({
      %run_scoped3A = tpu.sem_alloc : memref<!tpu.dma_semaphore, #tpu.memory_space<semaphore_mem>>
      %dma_start3A_639 = tpu.memref_slice %arg14[%add3A_309] : memref<16448xi32, #tpu.memory_space<vmem_shared>> -> memref<128xi32, #tpu.memory_space<vmem_shared>>
      %dma_start3A_640 = tpu.memref_slice %arg14[%add3A_309] : memref<16448xi32, #tpu.memory_space<vmem_shared>> -> memref<128xi32, #tpu.memory_space<vmem_shared>>
      tpu.enqueue_dma source(%dma_start3A_640 : memref<128xi32, #tpu.memory_space<vmem_shared>>) target(%arg9 : memref<128xi32, #tpu.memory_space<vmem>>) target_semaphore(%run_scoped3A : memref<!tpu.dma_semaphore, #tpu.memory_space<semaphore_mem>>)
      %dma_wait3A_641 = tpu.memref_slice %arg14[%add3A_309] : memref<16448xi32, #tpu.memory_space<vmem_shared>> -> memref<128xi32, #tpu.memory_space<vmem_shared>>
      %dma_wait3A_642 = tpu.memref_slice %arg14[%add3A_309] : memref<16448xi32, #tpu.memory_space<vmem_shared>> -> memref<128xi32, #tpu.memory_space<vmem_shared>>
      tpu.wait_dma2 semaphore(%run_scoped3A : memref<!tpu.dma_semaphore, #tpu.memory_space<semaphore_mem>>) src(%dma_wait3A_642 : memref<128xi32, #tpu.memory_space<vmem_shared>>) dst(%arg9 : memref<128xi32, #tpu.memory_space<vmem>>)
      tpu.yield
    }) : () -> ()
    %get3A_310 = arith.constant 0 : index
    %get3A_311 = tpu.vector_load %arg9[%get3A_310] {strides = array<i32>} : memref<128xi32, #tpu.memory_space<vmem>>, vector<16xi32>,
    %get3A_312 = vector.shape_cast %get3A_311 : vector<16xi32> to vector<16xi32>
    %and3A_313 = arith.constant 4095 : i32
    %and3A_314 = vector.broadcast %and3A_313 : i32 to vector<16xi32>
    %and3A_315 = arith.andi %get3A_312, %and3A_314 : vector<16xi32>
    %jit3A_316 = arith.constant 0 : i32
    %jit3A_317 = arith.constant 2048 : i32
    %max3A_318 = vector.broadcast %jit3A_316 : i32 to vector<16xi32>
    %max3A_319 = arith.maxsi %max3A_318, %and3A_315 : vector<16xi32>
    %min3A_320 = vector.broadcast %jit3A_317 : i32 to vector<16xi32>
    %min3A_321 = arith.minsi %min3A_320, %max3A_319 : vector<16xi32>
    %swap3A_322 = arith.constant 0 : index
    %swap3A_323 = tpu.vector_load %arg9[%swap3A_322] {strides = array<i32>} : memref<128xi32, #tpu.memory_space<vmem>>, vector<16xi32>,
    %swap3A_324 = vector.shape_cast %swap3A_323 : vector<16xi32> to vector<16xi32>
    %swap3A_325 = vector.shape_cast %min3A_321 : vector<16xi32> to vector<16xi32>
    tpu.vector_store %arg9[%swap3A_322], %swap3A_325 {strides = array<i32>} : memref<128xi32, #tpu.memory_space<vmem>>, vector<16xi32>,
    %get3A_326 = arith.constant 16 : index
    %get3A_327 = tpu.vector_load %arg9[%get3A_326] {strides = array<i32>} : memref<128xi32, #tpu.memory_space<vmem>>, vector<16xi32>,
    %get3A_328 = vector.shape_cast %get3A_327 : vector<16xi32> to vector<16xi32>
    %and3A_329 = arith.constant 4095 : i32
    %and3A_330 = vector.broadcast %and3A_329 : i32 to vector<16xi32>
    %and3A_331 = arith.andi %get3A_328, %and3A_330 : vector<16xi32>
    %jit3A_332 = arith.constant 0 : i32
    %jit3A_333 = arith.constant 2048 : i32
    %max3A_334 = vector.broadcast %jit3A_332 : i32 to vector<16xi32>
    %max3A_335 = arith.maxsi %max3A_334, %and3A_331 : vector<16xi32>
    %min3A_336 = vector.broadcast %jit3A_333 : i32 to vector<16xi32>
    %min3A_337 = arith.minsi %min3A_336, %max3A_335 : vector<16xi32>
    %swap3A_338 = arith.constant 16 : index
    %swap3A_339 = tpu.vector_load %arg9[%swap3A_338] {strides = array<i32>} : memref<128xi32, #tpu.memory_space<vmem>>, vector<16xi32>,
    %swap3A_340 = vector.shape_cast %swap3A_339 : vector<16xi32> to vector<16xi32>
    %swap3A_341 = vector.shape_cast %min3A_337 : vector<16xi32> to vector<16xi32>
    tpu.vector_store %arg9[%swap3A_338], %swap3A_341 {strides = array<i32>} : memref<128xi32, #tpu.memory_space<vmem>>, vector<16xi32>,
    %get3A_342 = arith.constant 32 : index
    %get3A_343 = tpu.vector_load %arg9[%get3A_342] {strides = array<i32>} : memref<128xi32, #tpu.memory_space<vmem>>, vector<16xi32>,
    %get3A_344 = vector.shape_cast %get3A_343 : vector<16xi32> to vector<16xi32>
    %and3A_345 = arith.constant 4095 : i32
    %and3A_346 = vector.broadcast %and3A_345 : i32 to vector<16xi32>
    %and3A_347 = arith.andi %get3A_344, %and3A_346 : vector<16xi32>
    %jit3A_348 = arith.constant 0 : i32
    %jit3A_349 = arith.constant 2048 : i32
    %max3A_350 = vector.broadcast %jit3A_348 : i32 to vector<16xi32>
    %max3A_351 = arith.maxsi %max3A_350, %and3A_347 : vector<16xi32>
    %min3A_352 = vector.broadcast %jit3A_349 : i32 to vector<16xi32>
    %min3A_353 = arith.minsi %min3A_352, %max3A_351 : vector<16xi32>
    %swap3A_354 = arith.constant 32 : index
    %swap3A_355 = tpu.vector_load %arg9[%swap3A_354] {strides = array<i32>} : memref<128xi32, #tpu.memory_space<vmem>>, vector<16xi32>,
    %swap3A_356 = vector.shape_cast %swap3A_355 : vector<16xi32> to vector<16xi32>
    %swap3A_357 = vector.shape_cast %min3A_353 : vector<16xi32> to vector<16xi32>
    tpu.vector_store %arg9[%swap3A_354], %swap3A_357 {strides = array<i32>} : memref<128xi32, #tpu.memory_space<vmem>>, vector<16xi32>,
    %get3A_358 = arith.constant 48 : index
    %get3A_359 = tpu.vector_load %arg9[%get3A_358] {strides = array<i32>} : memref<128xi32, #tpu.memory_space<vmem>>, vector<16xi32>,
    %get3A_360 = vector.shape_cast %get3A_359 : vector<16xi32> to vector<16xi32>
    %and3A_361 = arith.constant 4095 : i32
    %and3A_362 = vector.broadcast %and3A_361 : i32 to vector<16xi32>
    %and3A_363 = arith.andi %get3A_360, %and3A_362 : vector<16xi32>
    %jit3A_364 = arith.constant 0 : i32
    %jit3A_365 = arith.constant 2048 : i32
    %max3A_366 = vector.broadcast %jit3A_364 : i32 to vector<16xi32>
    %max3A_367 = arith.maxsi %max3A_366, %and3A_363 : vector<16xi32>
    %min3A_368 = vector.broadcast %jit3A_365 : i32 to vector<16xi32>
    %min3A_369 = arith.minsi %min3A_368, %max3A_367 : vector<16xi32>
    %swap3A_370 = arith.constant 48 : index
    %swap3A_371 = tpu.vector_load %arg9[%swap3A_370] {strides = array<i32>} : memref<128xi32, #tpu.memory_space<vmem>>, vector<16xi32>,
    %swap3A_372 = vector.shape_cast %swap3A_371 : vector<16xi32> to vector<16xi32>
    %swap3A_373 = vector.shape_cast %min3A_369 : vector<16xi32> to vector<16xi32>
    tpu.vector_store %arg9[%swap3A_370], %swap3A_373 {strides = array<i32>} : memref<128xi32, #tpu.memory_space<vmem>>, vector<16xi32>,
    %get3A_374 = arith.constant 64 : index
    %get3A_375 = tpu.vector_load %arg9[%get3A_374] {strides = array<i32>} : memref<128xi32, #tpu.memory_space<vmem>>, vector<16xi32>,
    %get3A_376 = vector.shape_cast %get3A_375 : vector<16xi32> to vector<16xi32>
    %and3A_377 = arith.constant 4095 : i32
    %and3A_378 = vector.broadcast %and3A_377 : i32 to vector<16xi32>
    %and3A_379 = arith.andi %get3A_376, %and3A_378 : vector<16xi32>
    %jit3A_380 = arith.constant 0 : i32
    %jit3A_381 = arith.constant 2048 : i32
    %max3A_382 = vector.broadcast %jit3A_380 : i32 to vector<16xi32>
    %max3A_383 = arith.maxsi %max3A_382, %and3A_379 : vector<16xi32>
    %min3A_384 = vector.broadcast %jit3A_381 : i32 to vector<16xi32>
    %min3A_385 = arith.minsi %min3A_384, %max3A_383 : vector<16xi32>
    %swap3A_386 = arith.constant 64 : index
    %swap3A_387 = tpu.vector_load %arg9[%swap3A_386] {strides = array<i32>} : memref<128xi32, #tpu.memory_space<vmem>>, vector<16xi32>,
    %swap3A_388 = vector.shape_cast %swap3A_387 : vector<16xi32> to vector<16xi32>
    %swap3A_389 = vector.shape_cast %min3A_385 : vector<16xi32> to vector<16xi32>
    tpu.vector_store %arg9[%swap3A_386], %swap3A_389 {strides = array<i32>} : memref<128xi32, #tpu.memory_space<vmem>>, vector<16xi32>,
    %get3A_390 = arith.constant 80 : index
    %get3A_391 = tpu.vector_load %arg9[%get3A_390] {strides = array<i32>} : memref<128xi32, #tpu.memory_space<vmem>>, vector<16xi32>,
    %get3A_392 = vector.shape_cast %get3A_391 : vector<16xi32> to vector<16xi32>
    %and3A_393 = arith.constant 4095 : i32
    %and3A_394 = vector.broadcast %and3A_393 : i32 to vector<16xi32>
    %and3A_395 = arith.andi %get3A_392, %and3A_394 : vector<16xi32>
    %jit3A_396 = arith.constant 0 : i32
    %jit3A_397 = arith.constant 2048 : i32
    %max3A_398 = vector.broadcast %jit3A_396 : i32 to vector<16xi32>
    %max3A_399 = arith.maxsi %max3A_398, %and3A_395 : vector<16xi32>
    %min3A_400 = vector.broadcast %jit3A_397 : i32 to vector<16xi32>
    %min3A_401 = arith.minsi %min3A_400, %max3A_399 : vector<16xi32>
    %swap3A_402 = arith.constant 80 : index
    %swap3A_403 = tpu.vector_load %arg9[%swap3A_402] {strides = array<i32>} : memref<128xi32, #tpu.memory_space<vmem>>, vector<16xi32>,
    %swap3A_404 = vector.shape_cast %swap3A_403 : vector<16xi32> to vector<16xi32>
    %swap3A_405 = vector.shape_cast %min3A_401 : vector<16xi32> to vector<16xi32>
    tpu.vector_store %arg9[%swap3A_402], %swap3A_405 {strides = array<i32>} : memref<128xi32, #tpu.memory_space<vmem>>, vector<16xi32>,
    %get3A_406 = arith.constant 96 : index
    %get3A_407 = tpu.vector_load %arg9[%get3A_406] {strides = array<i32>} : memref<128xi32, #tpu.memory_space<vmem>>, vector<16xi32>,
    %get3A_408 = vector.shape_cast %get3A_407 : vector<16xi32> to vector<16xi32>
    %and3A_409 = arith.constant 4095 : i32
    %and3A_410 = vector.broadcast %and3A_409 : i32 to vector<16xi32>
    %and3A_411 = arith.andi %get3A_408, %and3A_410 : vector<16xi32>
    %jit3A_412 = arith.constant 0 : i32
    %jit3A_413 = arith.constant 2048 : i32
    %max3A_414 = vector.broadcast %jit3A_412 : i32 to vector<16xi32>
    %max3A_415 = arith.maxsi %max3A_414, %and3A_411 : vector<16xi32>
    %min3A_416 = vector.broadcast %jit3A_413 : i32 to vector<16xi32>
    %min3A_417 = arith.minsi %min3A_416, %max3A_415 : vector<16xi32>
    %swap3A_418 = arith.constant 96 : index
    %swap3A_419 = tpu.vector_load %arg9[%swap3A_418] {strides = array<i32>} : memref<128xi32, #tpu.memory_space<vmem>>, vector<16xi32>,
    %swap3A_420 = vector.shape_cast %swap3A_419 : vector<16xi32> to vector<16xi32>
    %swap3A_421 = vector.shape_cast %min3A_417 : vector<16xi32> to vector<16xi32>
    tpu.vector_store %arg9[%swap3A_418], %swap3A_421 {strides = array<i32>} : memref<128xi32, #tpu.memory_space<vmem>>, vector<16xi32>,
    %get3A_422 = arith.constant 112 : index
    %get3A_423 = tpu.vector_load %arg9[%get3A_422] {strides = array<i32>} : memref<128xi32, #tpu.memory_space<vmem>>, vector<16xi32>,
    %get3A_424 = vector.shape_cast %get3A_423 : vector<16xi32> to vector<16xi32>
    %and3A_425 = arith.constant 4095 : i32
    %and3A_426 = vector.broadcast %and3A_425 : i32 to vector<16xi32>
    %and3A_427 = arith.andi %get3A_424, %and3A_426 : vector<16xi32>
    %jit3A_428 = arith.constant 0 : i32
    %jit3A_429 = arith.constant 2048 : i32
    %max3A_430 = vector.broadcast %jit3A_428 : i32 to vector<16xi32>
    %max3A_431 = arith.maxsi %max3A_430, %and3A_427 : vector<16xi32>
    %min3A_432 = vector.broadcast %jit3A_429 : i32 to vector<16xi32>
    %min3A_433 = arith.minsi %min3A_432, %max3A_431 : vector<16xi32>
    %swap3A_434 = arith.constant 112 : index
    %swap3A_435 = tpu.vector_load %arg9[%swap3A_434] {strides = array<i32>} : memref<128xi32, #tpu.memory_space<vmem>>, vector<16xi32>,
    %swap3A_436 = vector.shape_cast %swap3A_435 : vector<16xi32> to vector<16xi32>
    %swap3A_437 = vector.shape_cast %min3A_433 : vector<16xi32> to vector<16xi32>
    tpu.vector_store %arg9[%swap3A_434], %swap3A_437 {strides = array<i32>} : memref<128xi32, #tpu.memory_space<vmem>>, vector<16xi32>,
    %dma_start3A_438 = arith.constant 0 : i32
    %dma_start3A_439 = arith.constant 0 : i32
    %dma_start3A_440 = tpu.memref_slice %arg4[%dma_start3A_438, %dma_start3A_439] : memref<2049x256xi32, #tpu.memory_space<hbm>> -> memref<2049x256xi32, #tpu.memory_space<hbm>>
    tpu.enqueue_indirect_dma source(%dma_start3A_440 : memref<2049x256xi32, #tpu.memory_space<hbm>>) target(%arg11 : memref<128x256xi32, #tpu.memory_space<vmem>>) offsets(%arg9 : memref<128xi32, #tpu.memory_space<vmem>>) semaphore(%arg15 : memref<!tpu.dma_semaphore, #tpu.memory_space<semaphore_mem>>)
    %dma_wait3A_441 = arith.constant 0 : i32
    %dma_wait3A_442 = arith.constant 0 : i32
    %dma_wait3A_443 = tpu.memref_slice %arg4[%dma_wait3A_441, %dma_wait3A_442] : memref<2049x256xi32, #tpu.memory_space<hbm>> -> memref<2049x256xi32, #tpu.memory_space<hbm>>
    tpu.wait_indirect_dma semaphore(%arg15 : memref<!tpu.dma_semaphore, #tpu.memory_space<semaphore_mem>>) src(%dma_wait3A_443 : memref<2049x256xi32, #tpu.memory_space<hbm>>) dst(%arg12 : memref<128x256xi32, #tpu.memory_space<vmem>>)
    %mul3A_444 = arith.constant 4 : i32
    %mul3A_445 = arith.muli %arg0, %mul3A_444 : i32
    %add3A_446 = arith.addi %mul3A_445, %select_n3A : i32
    %mul3A_447 = arith.constant 2048 : i32
    %mul3A_448 = arith.muli %add3A_446, %mul3A_447 : i32
    %add3A_449 = arith.addi %mul3A_448, %mul3A_20 : i32
    %add3A_450 = arith.constant 128 : i32
    %add3A_451 = arith.addi %add3A_449, %add3A_450 : i32
    %dma_start3A_452 = arith.constant 0 : i32
    %dma_start3A_453 = tpu.memref_slice %arg6[%add3A_451, %dma_start3A_452] : memref<16384x256xi32, #tpu.memory_space<hbm>> -> memref<128x256xi32, #tpu.memory_space<hbm>>
    %dma_start3A_454 = arith.constant 0 : i32
    %dma_start3A_455 = tpu.memref_slice %arg6[%add3A_451, %dma_start3A_454] : memref<16384x256xi32, #tpu.memory_space<hbm>> -> memref<128x256xi32, #tpu.memory_space<hbm>>
    tpu.enqueue_dma source(%arg12 : memref<128x256xi32, #tpu.memory_space<vmem>>) target(%dma_start3A_455 : memref<128x256xi32, #tpu.memory_space<hbm>>) target_semaphore(%arg16 : memref<!tpu.dma_semaphore, #tpu.memory_space<semaphore_mem>>)
    %dma_wait3A_456 = arith.constant 0 : i32
    %dma_wait3A_457 = tpu.memref_slice %arg6[%add3A_451, %dma_wait3A_456] : memref<16384x256xi32, #tpu.memory_space<hbm>> -> memref<128x256xi32, #tpu.memory_space<hbm>>
    %dma_wait3A_458 = arith.constant 0 : i32
    %dma_wait3A_459 = tpu.memref_slice %arg6[%add3A_451, %dma_wait3A_458] : memref<16384x256xi32, #tpu.memory_space<hbm>> -> memref<128x256xi32, #tpu.memory_space<hbm>>
    tpu.wait_dma2 semaphore(%arg16 : memref<!tpu.dma_semaphore, #tpu.memory_space<semaphore_mem>>) src(%arg12 : memref<128x256xi32, #tpu.memory_space<vmem>>) dst(%dma_wait3A_459 : memref<128x256xi32, #tpu.memory_space<hbm>>)
    %mul3A_460 = arith.constant 4112 : i32
    %mul3A_461 = arith.muli %select_n3A, %mul3A_460 : i32
    %add3A_462 = arith.addi %mul3A_461, %mul3A_20 : i32
    %add3A_463 = arith.constant 384 : i32
    %add3A_464 = arith.addi %add3A_462, %add3A_463 : i32
    "tpu.region"() ({
      %run_scoped3A = tpu.sem_alloc : memref<!tpu.dma_semaphore, #tpu.memory_space<semaphore_mem>>
      %dma_start3A_639 = tpu.memref_slice %arg14[%add3A_464] : memref<16448xi32, #tpu.memory_space<vmem_shared>> -> memref<128xi32, #tpu.memory_space<vmem_shared>>
      %dma_start3A_640 = tpu.memref_slice %arg14[%add3A_464] : memref<16448xi32, #tpu.memory_space<vmem_shared>> -> memref<128xi32, #tpu.memory_space<vmem_shared>>
      tpu.enqueue_dma source(%dma_start3A_640 : memref<128xi32, #tpu.memory_space<vmem_shared>>) target(%arg10 : memref<128xi32, #tpu.memory_space<vmem>>) target_semaphore(%run_scoped3A : memref<!tpu.dma_semaphore, #tpu.memory_space<semaphore_mem>>)
      %dma_wait3A_641 = tpu.memref_slice %arg14[%add3A_464] : memref<16448xi32, #tpu.memory_space<vmem_shared>> -> memref<128xi32, #tpu.memory_space<vmem_shared>>
      %dma_wait3A_642 = tpu.memref_slice %arg14[%add3A_464] : memref<16448xi32, #tpu.memory_space<vmem_shared>> -> memref<128xi32, #tpu.memory_space<vmem_shared>>
      tpu.wait_dma2 semaphore(%run_scoped3A : memref<!tpu.dma_semaphore, #tpu.memory_space<semaphore_mem>>) src(%dma_wait3A_642 : memref<128xi32, #tpu.memory_space<vmem_shared>>) dst(%arg10 : memref<128xi32, #tpu.memory_space<vmem>>)
      tpu.yield
    }) : () -> ()
    %get3A_465 = arith.constant 0 : index
    %get3A_466 = tpu.vector_load %arg10[%get3A_465] {strides = array<i32>} : memref<128xi32, #tpu.memory_space<vmem>>, vector<16xi32>,
    %get3A_467 = vector.shape_cast %get3A_466 : vector<16xi32> to vector<16xi32>
    %and3A_468 = arith.constant 4095 : i32
    %and3A_469 = vector.broadcast %and3A_468 : i32 to vector<16xi32>
    %and3A_470 = arith.andi %get3A_467, %and3A_469 : vector<16xi32>
    %jit3A_471 = arith.constant 0 : i32
    %jit3A_472 = arith.constant 2048 : i32
    %max3A_473 = vector.broadcast %jit3A_471 : i32 to vector<16xi32>
    %max3A_474 = arith.maxsi %max3A_473, %and3A_470 : vector<16xi32>
    %min3A_475 = vector.broadcast %jit3A_472 : i32 to vector<16xi32>
    %min3A_476 = arith.minsi %min3A_475, %max3A_474 : vector<16xi32>
    %swap3A_477 = arith.constant 0 : index
    %swap3A_478 = tpu.vector_load %arg10[%swap3A_477] {strides = array<i32>} : memref<128xi32, #tpu.memory_space<vmem>>, vector<16xi32>,
    %swap3A_479 = vector.shape_cast %swap3A_478 : vector<16xi32> to vector<16xi32>
    %swap3A_480 = vector.shape_cast %min3A_476 : vector<16xi32> to vector<16xi32>
    tpu.vector_store %arg10[%swap3A_477], %swap3A_480 {strides = array<i32>} : memref<128xi32, #tpu.memory_space<vmem>>, vector<16xi32>,
    %get3A_481 = arith.constant 16 : index
    %get3A_482 = tpu.vector_load %arg10[%get3A_481] {strides = array<i32>} : memref<128xi32, #tpu.memory_space<vmem>>, vector<16xi32>,
    %get3A_483 = vector.shape_cast %get3A_482 : vector<16xi32> to vector<16xi32>
    %and3A_484 = arith.constant 4095 : i32
    %and3A_485 = vector.broadcast %and3A_484 : i32 to vector<16xi32>
    %and3A_486 = arith.andi %get3A_483, %and3A_485 : vector<16xi32>
    %jit3A_487 = arith.constant 0 : i32
    %jit3A_488 = arith.constant 2048 : i32
    %max3A_489 = vector.broadcast %jit3A_487 : i32 to vector<16xi32>
    %max3A_490 = arith.maxsi %max3A_489, %and3A_486 : vector<16xi32>
    %min3A_491 = vector.broadcast %jit3A_488 : i32 to vector<16xi32>
    %min3A_492 = arith.minsi %min3A_491, %max3A_490 : vector<16xi32>
    %swap3A_493 = arith.constant 16 : index
    %swap3A_494 = tpu.vector_load %arg10[%swap3A_493] {strides = array<i32>} : memref<128xi32, #tpu.memory_space<vmem>>, vector<16xi32>,
    %swap3A_495 = vector.shape_cast %swap3A_494 : vector<16xi32> to vector<16xi32>
    %swap3A_496 = vector.shape_cast %min3A_492 : vector<16xi32> to vector<16xi32>
    tpu.vector_store %arg10[%swap3A_493], %swap3A_496 {strides = array<i32>} : memref<128xi32, #tpu.memory_space<vmem>>, vector<16xi32>,
    %get3A_497 = arith.constant 32 : index
    %get3A_498 = tpu.vector_load %arg10[%get3A_497] {strides = array<i32>} : memref<128xi32, #tpu.memory_space<vmem>>, vector<16xi32>,
    %get3A_499 = vector.shape_cast %get3A_498 : vector<16xi32> to vector<16xi32>
    %and3A_500 = arith.constant 4095 : i32
    %and3A_501 = vector.broadcast %and3A_500 : i32 to vector<16xi32>
    %and3A_502 = arith.andi %get3A_499, %and3A_501 : vector<16xi32>
    %jit3A_503 = arith.constant 0 : i32
    %jit3A_504 = arith.constant 2048 : i32
    %max3A_505 = vector.broadcast %jit3A_503 : i32 to vector<16xi32>
    %max3A_506 = arith.maxsi %max3A_505, %and3A_502 : vector<16xi32>
    %min3A_507 = vector.broadcast %jit3A_504 : i32 to vector<16xi32>
    %min3A_508 = arith.minsi %min3A_507, %max3A_506 : vector<16xi32>
    %swap3A_509 = arith.constant 32 : index
    %swap3A_510 = tpu.vector_load %arg10[%swap3A_509] {strides = array<i32>} : memref<128xi32, #tpu.memory_space<vmem>>, vector<16xi32>,
    %swap3A_511 = vector.shape_cast %swap3A_510 : vector<16xi32> to vector<16xi32>
    %swap3A_512 = vector.shape_cast %min3A_508 : vector<16xi32> to vector<16xi32>
    tpu.vector_store %arg10[%swap3A_509], %swap3A_512 {strides = array<i32>} : memref<128xi32, #tpu.memory_space<vmem>>, vector<16xi32>,
    %get3A_513 = arith.constant 48 : index
    %get3A_514 = tpu.vector_load %arg10[%get3A_513] {strides = array<i32>} : memref<128xi32, #tpu.memory_space<vmem>>, vector<16xi32>,
    %get3A_515 = vector.shape_cast %get3A_514 : vector<16xi32> to vector<16xi32>
    %and3A_516 = arith.constant 4095 : i32
    %and3A_517 = vector.broadcast %and3A_516 : i32 to vector<16xi32>
    %and3A_518 = arith.andi %get3A_515, %and3A_517 : vector<16xi32>
    %jit3A_519 = arith.constant 0 : i32
    %jit3A_520 = arith.constant 2048 : i32
    %max3A_521 = vector.broadcast %jit3A_519 : i32 to vector<16xi32>
    %max3A_522 = arith.maxsi %max3A_521, %and3A_518 : vector<16xi32>
    %min3A_523 = vector.broadcast %jit3A_520 : i32 to vector<16xi32>
    %min3A_524 = arith.minsi %min3A_523, %max3A_522 : vector<16xi32>
    %swap3A_525 = arith.constant 48 : index
    %swap3A_526 = tpu.vector_load %arg10[%swap3A_525] {strides = array<i32>} : memref<128xi32, #tpu.memory_space<vmem>>, vector<16xi32>,
    %swap3A_527 = vector.shape_cast %swap3A_526 : vector<16xi32> to vector<16xi32>
    %swap3A_528 = vector.shape_cast %min3A_524 : vector<16xi32> to vector<16xi32>
    tpu.vector_store %arg10[%swap3A_525], %swap3A_528 {strides = array<i32>} : memref<128xi32, #tpu.memory_space<vmem>>, vector<16xi32>,
    %get3A_529 = arith.constant 64 : index
    %get3A_530 = tpu.vector_load %arg10[%get3A_529] {strides = array<i32>} : memref<128xi32, #tpu.memory_space<vmem>>, vector<16xi32>,
    %get3A_531 = vector.shape_cast %get3A_530 : vector<16xi32> to vector<16xi32>
    %and3A_532 = arith.constant 4095 : i32
    %and3A_533 = vector.broadcast %and3A_532 : i32 to vector<16xi32>
    %and3A_534 = arith.andi %get3A_531, %and3A_533 : vector<16xi32>
    %jit3A_535 = arith.constant 0 : i32
    %jit3A_536 = arith.constant 2048 : i32
    %max3A_537 = vector.broadcast %jit3A_535 : i32 to vector<16xi32>
    %max3A_538 = arith.maxsi %max3A_537, %and3A_534 : vector<16xi32>
    %min3A_539 = vector.broadcast %jit3A_536 : i32 to vector<16xi32>
    %min3A_540 = arith.minsi %min3A_539, %max3A_538 : vector<16xi32>
    %swap3A_541 = arith.constant 64 : index
    %swap3A_542 = tpu.vector_load %arg10[%swap3A_541] {strides = array<i32>} : memref<128xi32, #tpu.memory_space<vmem>>, vector<16xi32>,
    %swap3A_543 = vector.shape_cast %swap3A_542 : vector<16xi32> to vector<16xi32>
    %swap3A_544 = vector.shape_cast %min3A_540 : vector<16xi32> to vector<16xi32>
    tpu.vector_store %arg10[%swap3A_541], %swap3A_544 {strides = array<i32>} : memref<128xi32, #tpu.memory_space<vmem>>, vector<16xi32>,
    %get3A_545 = arith.constant 80 : index
    %get3A_546 = tpu.vector_load %arg10[%get3A_545] {strides = array<i32>} : memref<128xi32, #tpu.memory_space<vmem>>, vector<16xi32>,
    %get3A_547 = vector.shape_cast %get3A_546 : vector<16xi32> to vector<16xi32>
    %and3A_548 = arith.constant 4095 : i32
    %and3A_549 = vector.broadcast %and3A_548 : i32 to vector<16xi32>
    %and3A_550 = arith.andi %get3A_547, %and3A_549 : vector<16xi32>
    %jit3A_551 = arith.constant 0 : i32
    %jit3A_552 = arith.constant 2048 : i32
    %max3A_553 = vector.broadcast %jit3A_551 : i32 to vector<16xi32>
    %max3A_554 = arith.maxsi %max3A_553, %and3A_550 : vector<16xi32>
    %min3A_555 = vector.broadcast %jit3A_552 : i32 to vector<16xi32>
    %min3A_556 = arith.minsi %min3A_555, %max3A_554 : vector<16xi32>
    %swap3A_557 = arith.constant 80 : index
    %swap3A_558 = tpu.vector_load %arg10[%swap3A_557] {strides = array<i32>} : memref<128xi32, #tpu.memory_space<vmem>>, vector<16xi32>,
    %swap3A_559 = vector.shape_cast %swap3A_558 : vector<16xi32> to vector<16xi32>
    %swap3A_560 = vector.shape_cast %min3A_556 : vector<16xi32> to vector<16xi32>
    tpu.vector_store %arg10[%swap3A_557], %swap3A_560 {strides = array<i32>} : memref<128xi32, #tpu.memory_space<vmem>>, vector<16xi32>,
    %get3A_561 = arith.constant 96 : index
    %get3A_562 = tpu.vector_load %arg10[%get3A_561] {strides = array<i32>} : memref<128xi32, #tpu.memory_space<vmem>>, vector<16xi32>,
    %get3A_563 = vector.shape_cast %get3A_562 : vector<16xi32> to vector<16xi32>
    %and3A_564 = arith.constant 4095 : i32
    %and3A_565 = vector.broadcast %and3A_564 : i32 to vector<16xi32>
    %and3A_566 = arith.andi %get3A_563, %and3A_565 : vector<16xi32>
    %jit3A_567 = arith.constant 0 : i32
    %jit3A_568 = arith.constant 2048 : i32
    %max3A_569 = vector.broadcast %jit3A_567 : i32 to vector<16xi32>
    %max3A_570 = arith.maxsi %max3A_569, %and3A_566 : vector<16xi32>
    %min3A_571 = vector.broadcast %jit3A_568 : i32 to vector<16xi32>
    %min3A_572 = arith.minsi %min3A_571, %max3A_570 : vector<16xi32>
    %swap3A_573 = arith.constant 96 : index
    %swap3A_574 = tpu.vector_load %arg10[%swap3A_573] {strides = array<i32>} : memref<128xi32, #tpu.memory_space<vmem>>, vector<16xi32>,
    %swap3A_575 = vector.shape_cast %swap3A_574 : vector<16xi32> to vector<16xi32>
    %swap3A_576 = vector.shape_cast %min3A_572 : vector<16xi32> to vector<16xi32>
    tpu.vector_store %arg10[%swap3A_573], %swap3A_576 {strides = array<i32>} : memref<128xi32, #tpu.memory_space<vmem>>, vector<16xi32>,
    %get3A_577 = arith.constant 112 : index
    %get3A_578 = tpu.vector_load %arg10[%get3A_577] {strides = array<i32>} : memref<128xi32, #tpu.memory_space<vmem>>, vector<16xi32>,
    %get3A_579 = vector.shape_cast %get3A_578 : vector<16xi32> to vector<16xi32>
    %and3A_580 = arith.constant 4095 : i32
    %and3A_581 = vector.broadcast %and3A_580 : i32 to vector<16xi32>
    %and3A_582 = arith.andi %get3A_579, %and3A_581 : vector<16xi32>
    %jit3A_583 = arith.constant 0 : i32
    %jit3A_584 = arith.constant 2048 : i32
    %max3A_585 = vector.broadcast %jit3A_583 : i32 to vector<16xi32>
    %max3A_586 = arith.maxsi %max3A_585, %and3A_582 : vector<16xi32>
    %min3A_587 = vector.broadcast %jit3A_584 : i32 to vector<16xi32>
    %min3A_588 = arith.minsi %min3A_587, %max3A_586 : vector<16xi32>
    %swap3A_589 = arith.constant 112 : index
    %swap3A_590 = tpu.vector_load %arg10[%swap3A_589] {strides = array<i32>} : memref<128xi32, #tpu.memory_space<vmem>>, vector<16xi32>,
    %swap3A_591 = vector.shape_cast %swap3A_590 : vector<16xi32> to vector<16xi32>
    %swap3A_592 = vector.shape_cast %min3A_588 : vector<16xi32> to vector<16xi32>
    tpu.vector_store %arg10[%swap3A_589], %swap3A_592 {strides = array<i32>} : memref<128xi32, #tpu.memory_space<vmem>>, vector<16xi32>,
    %dma_start3A_593 = arith.constant 0 : i32
    %dma_start3A_594 = arith.constant 0 : i32
    %dma_start3A_595 = tpu.memref_slice %arg4[%dma_start3A_593, %dma_start3A_594] : memref<2049x256xi32, #tpu.memory_space<hbm>> -> memref<2049x256xi32, #tpu.memory_space<hbm>>
    tpu.enqueue_indirect_dma source(%dma_start3A_595 : memref<2049x256xi32, #tpu.memory_space<hbm>>) target(%arg12 : memref<128x256xi32, #tpu.memory_space<vmem>>) offsets(%arg10 : memref<128xi32, #tpu.memory_space<vmem>>) semaphore(%arg15 : memref<!tpu.dma_semaphore, #tpu.memory_space<semaphore_mem>>)
    %dma_wait3A_596 = arith.constant 0 : i32
    %dma_wait3A_597 = arith.constant 0 : i32
    %dma_wait3A_598 = tpu.memref_slice %arg4[%dma_wait3A_596, %dma_wait3A_597] : memref<2049x256xi32, #tpu.memory_space<hbm>> -> memref<2049x256xi32, #tpu.memory_space<hbm>>
    tpu.wait_indirect_dma semaphore(%arg15 : memref<!tpu.dma_semaphore, #tpu.memory_space<semaphore_mem>>) src(%dma_wait3A_598 : memref<2049x256xi32, #tpu.memory_space<hbm>>) dst(%arg11 : memref<128x256xi32, #tpu.memory_space<vmem>>)
    %mul3A_599 = arith.constant 4 : i32
    %mul3A_600 = arith.muli %arg0, %mul3A_599 : i32
    %add3A_601 = arith.addi %mul3A_600, %select_n3A : i32
    %mul3A_602 = arith.constant 2048 : i32
    %mul3A_603 = arith.muli %add3A_601, %mul3A_602 : i32
    %add3A_604 = arith.addi %mul3A_603, %mul3A_20 : i32
    %add3A_605 = arith.constant 256 : i32
    %add3A_606 = arith.addi %add3A_604, %add3A_605 : i32
    %dma_start3A_607 = arith.constant 0 : i32
    %dma_start3A_608 = tpu.memref_slice %arg6[%add3A_606, %dma_start3A_607] : memref<16384x256xi32, #tpu.memory_space<hbm>> -> memref<128x256xi32, #tpu.memory_space<hbm>>
    %dma_start3A_609 = arith.constant 0 : i32
    %dma_start3A_610 = tpu.memref_slice %arg6[%add3A_606, %dma_start3A_609] : memref<16384x256xi32, #tpu.memory_space<hbm>> -> memref<128x256xi32, #tpu.memory_space<hbm>>
    tpu.enqueue_dma source(%arg11 : memref<128x256xi32, #tpu.memory_space<vmem>>) target(%dma_start3A_610 : memref<128x256xi32, #tpu.memory_space<hbm>>) target_semaphore(%arg16 : memref<!tpu.dma_semaphore, #tpu.memory_space<semaphore_mem>>)
    %dma_wait3A_611 = arith.constant 0 : i32
    %dma_wait3A_612 = arith.constant 0 : i32
    %dma_wait3A_613 = tpu.memref_slice %arg4[%dma_wait3A_611, %dma_wait3A_612] : memref<2049x256xi32, #tpu.memory_space<hbm>> -> memref<2049x256xi32, #tpu.memory_space<hbm>>
    tpu.wait_indirect_dma semaphore(%arg15 : memref<!tpu.dma_semaphore, #tpu.memory_space<semaphore_mem>>) src(%dma_wait3A_613 : memref<2049x256xi32, #tpu.memory_space<hbm>>) dst(%arg12 : memref<128x256xi32, #tpu.memory_space<vmem>>)
    %mul3A_614 = arith.constant 4 : i32
    %mul3A_615 = arith.muli %arg0, %mul3A_614 : i32
    %add3A_616 = arith.addi %mul3A_615, %select_n3A : i32
    %mul3A_617 = arith.constant 2048 : i32
    %mul3A_618 = arith.muli %add3A_616, %mul3A_617 : i32
    %add3A_619 = arith.addi %mul3A_618, %mul3A_20 : i32
    %add3A_620 = arith.constant 384 : i32
    %add3A_621 = arith.addi %add3A_619, %add3A_620 : i32
    %dma_start3A_622 = arith.constant 0 : i32
    %dma_start3A_623 = tpu.memref_slice %arg6[%add3A_621, %dma_start3A_622] : memref<16384x256xi32, #tpu.memory_space<hbm>> -> memref<128x256xi32, #tpu.memory_space<hbm>>
    %dma_start3A_624 = arith.constant 0 : i32
    %dma_start3A_625 = tpu.memref_slice %arg6[%add3A_621, %dma_start3A_624] : memref<16384x256xi32, #tpu.memory_space<hbm>> -> memref<128x256xi32, #tpu.memory_space<hbm>>
    tpu.enqueue_dma source(%arg12 : memref<128x256xi32, #tpu.memory_space<vmem>>) target(%dma_start3A_625 : memref<128x256xi32, #tpu.memory_space<hbm>>) target_semaphore(%arg16 : memref<!tpu.dma_semaphore, #tpu.memory_space<semaphore_mem>>)
    %dma_wait3A_626 = arith.constant 0 : i32
    %dma_wait3A_627 = tpu.memref_slice %arg6[%add3A_606, %dma_wait3A_626] : memref<16384x256xi32, #tpu.memory_space<hbm>> -> memref<128x256xi32, #tpu.memory_space<hbm>>
    %dma_wait3A_628 = arith.constant 0 : i32
    %dma_wait3A_629 = tpu.memref_slice %arg6[%add3A_606, %dma_wait3A_628] : memref<16384x256xi32, #tpu.memory_space<hbm>> -> memref<128x256xi32, #tpu.memory_space<hbm>>
    tpu.wait_dma2 semaphore(%arg16 : memref<!tpu.dma_semaphore, #tpu.memory_space<semaphore_mem>>) src(%arg11 : memref<128x256xi32, #tpu.memory_space<vmem>>) dst(%dma_wait3A_629 : memref<128x256xi32, #tpu.memory_space<hbm>>)
    %dma_wait3A_630 = arith.constant 0 : i32
    %dma_wait3A_631 = tpu.memref_slice %arg6[%add3A_621, %dma_wait3A_630] : memref<16384x256xi32, #tpu.memory_space<hbm>> -> memref<128x256xi32, #tpu.memory_space<hbm>>
    %dma_wait3A_632 = arith.constant 0 : i32
    %dma_wait3A_633 = tpu.memref_slice %arg6[%add3A_621, %dma_wait3A_632] : memref<16384x256xi32, #tpu.memory_space<hbm>> -> memref<128x256xi32, #tpu.memory_space<hbm>>
    tpu.wait_dma2 semaphore(%arg16 : memref<!tpu.dma_semaphore, #tpu.memory_space<semaphore_mem>>) src(%arg12 : memref<128x256xi32, #tpu.memory_space<vmem>>) dst(%dma_wait3A_633 : memref<128x256xi32, #tpu.memory_space<hbm>>)
    %lt3A_634 = arith.constant 4 : i32
    %lt3A_635 = arith.cmpi slt, %arg1, %lt3A_634 : i32
    %convert_element_type3A_636 = arith.extui %lt3A_635 : i1 to i32
    %cond3A_637 = arith.constant 0 : i32
    %cond3A_638 = arith.cmpi ne, %convert_element_type3A_636, %cond3A_637 : i32
    scf.if %cond3A_638 {
      %mul3A_639 = arith.constant 4 : i32
      %mul3A_640 = arith.muli %arg0, %mul3A_639 : i32
      %add3A_641 = arith.addi %mul3A_640, %arg1 : i32
      %mul3A_642 = arith.constant 4112 : i32
      %mul3A_643 = arith.muli %arg1, %mul3A_642 : i32
      "tpu.region"() ({
        %run_scoped3A = tpu.sem_alloc : memref<!tpu.dma_semaphore, #tpu.memory_space<semaphore_mem>>
        %dma_start3A_646 = tpu.memref_slice %arg14[%mul3A_643] : memref<16448xi32, #tpu.memory_space<vmem_shared>> -> memref<2048xi32, #tpu.memory_space<vmem_shared>>
        %dma_start3A_647 = tpu.memref_slice %arg14[%mul3A_643] : memref<16448xi32, #tpu.memory_space<vmem_shared>> -> memref<2048xi32, #tpu.memory_space<vmem_shared>>
        tpu.enqueue_dma source(%dma_start3A_647 : memref<2048xi32, #tpu.memory_space<vmem_shared>>) target(%arg13 : memref<2048xi32, #tpu.memory_space<vmem>>) target_semaphore(%run_scoped3A : memref<!tpu.dma_semaphore, #tpu.memory_space<semaphore_mem>>)
        %dma_wait3A_648 = tpu.memref_slice %arg14[%mul3A_643] : memref<16448xi32, #tpu.memory_space<vmem_shared>> -> memref<2048xi32, #tpu.memory_space<vmem_shared>>
        %dma_wait3A_649 = tpu.memref_slice %arg14[%mul3A_643] : memref<16448xi32, #tpu.memory_space<vmem_shared>> -> memref<2048xi32, #tpu.memory_space<vmem_shared>>
        tpu.wait_dma2 semaphore(%run_scoped3A : memref<!tpu.dma_semaphore, #tpu.memory_space<semaphore_mem>>) src(%dma_wait3A_649 : memref<2048xi32, #tpu.memory_space<vmem_shared>>) dst(%arg13 : memref<2048xi32, #tpu.memory_space<vmem>>)
        tpu.yield
      }) : () -> ()
      %mul3A_644 = arith.constant 2048 : i32
      %mul3A_645 = arith.muli %add3A_641, %mul3A_644 : i32
      "tpu.region"() ({
        %run_scoped3A = tpu.sem_alloc : memref<!tpu.dma_semaphore, #tpu.memory_space<semaphore_mem>>
        %dma_start3A_646 = tpu.memref_slice %arg5[%mul3A_645] : memref<16384xi32, #tpu.memory_space<hbm>> -> memref<2048xi32, #tpu.memory_space<hbm>>
        %dma_start3A_647 = tpu.memref_slice %arg5[%mul3A_645] : memref<16384xi32, #tpu.memory_space<hbm>> -> memref<2048xi32, #tpu.memory_space<hbm>>
        tpu.enqueue_dma source(%arg13 : memref<2048xi32, #tpu.memory_space<vmem>>) target(%dma_start3A_647 : memref<2048xi32, #tpu.memory_space<hbm>>) target_semaphore(%run_scoped3A : memref<!tpu.dma_semaphore, #tpu.memory_space<semaphore_mem>>)
        %dma_wait3A_648 = tpu.memref_slice %arg5[%mul3A_645] : memref<16384xi32, #tpu.memory_space<hbm>> -> memref<2048xi32, #tpu.memory_space<hbm>>
        %dma_wait3A_649 = tpu.memref_slice %arg5[%mul3A_645] : memref<16384xi32, #tpu.memory_space<hbm>> -> memref<2048xi32, #tpu.memory_space<hbm>>
        tpu.wait_dma2 semaphore(%run_scoped3A : memref<!tpu.dma_semaphore, #tpu.memory_space<semaphore_mem>>) src(%arg13 : memref<2048xi32, #tpu.memory_space<vmem>>) dst(%dma_wait3A_649 : memref<2048xi32, #tpu.memory_space<hbm>>)
        tpu.yield
      }) : () -> ()
    } else {
    }
    return
  }
}

module attributes {stable_mosaic.version = 14 : i64} {
  func.func @_tc_prep_body(%arg0: memref<256x128xi32, #tpu.memory_space<vmem>>, %arg1: memref<256x128xi32, #tpu.memory_space<vmem>>, %arg2: memref<2049x512xf32, #tpu.memory_space<vmem>>, %arg3: memref<256x128xi32, #tpu.memory_space<vmem>>, %arg4: memref<256x128xi32, #tpu.memory_space<vmem>>, %arg5: memref<8x128xi32, #tpu.memory_space<vmem>>, %arg6: memref<2049x256xi32, #tpu.memory_space<vmem>>) attributes {dimension_semantics = [], scalar_prefetch = 0 : i64, scratch_operands = 0 : i64, tpu.core_type = #tpu.core_type<tc>} {
    %get3A = arith.constant 0 : index
    %get3A_0 = arith.constant 0 : index
    %get3A_1 = vector.load %arg0[%get3A, %get3A_0] : memref<256x128xi32, #tpu.memory_space<vmem>>, vector<256x128xi32>
    %convert_element_type3A = arith.sitofp %get3A_1 : vector<256x128xi32> to vector<256x128xf32>
    %iota3A = tpu.iota {dimensions = array<i32: 0>} : vector<256x256xi32>
    %iota3A_2 = tpu.iota {dimensions = array<i32: 1>} : vector<256x256xi32>
    %lt3A = arith.cmpi slt, %iota3A_2, %iota3A : vector<256x256xi32>
    %jit3A = arith.constant 32 : i32
    %div3A = vector.broadcast %jit3A : i32 to vector<256x256xi32>
    %div3A_3 = arith.divsi %iota3A_2, %div3A : vector<256x256xi32>
    %sign3A = arith.constant 0 : i32
    %sign3A_4 = vector.broadcast %sign3A : i32 to vector<256x256xi32>
    %sign3A_5 = arith.cmpi sgt, %iota3A_2, %sign3A_4 : vector<256x256xi32>
    %sign3A_6 = arith.extui %sign3A_5 : vector<256x256xi1> to vector<256x256xi32>
    %sign3A_7 = arith.constant 0 : i32
    %sign3A_8 = vector.broadcast %sign3A_7 : i32 to vector<256x256xi32>
    %sign3A_9 = arith.cmpi slt, %iota3A_2, %sign3A_8 : vector<256x256xi32>
    %sign3A_10 = arith.extui %sign3A_9 : vector<256x256xi1> to vector<256x256xi32>
    %sign3A_11 = arith.subi %sign3A_6, %sign3A_10 : vector<256x256xi32>
    %sign3A_12 = arith.constant 0 : i32
    %sign3A_13 = arith.cmpi sgt, %jit3A, %sign3A_12 : i32
    %sign3A_14 = arith.extui %sign3A_13 : i1 to i32
    %sign3A_15 = arith.constant 0 : i32
    %sign3A_16 = arith.cmpi slt, %jit3A, %sign3A_15 : i32
    %sign3A_17 = arith.extui %sign3A_16 : i1 to i32
    %sign3A_18 = arith.subi %sign3A_14, %sign3A_17 : i32
    %ne3A = vector.broadcast %sign3A_18 : i32 to vector<256x256xi32>
    %ne3A_19 = arith.cmpi ne, %sign3A_11, %ne3A : vector<256x256xi32>
    %rem3A = vector.broadcast %jit3A : i32 to vector<256x256xi32>
    %rem3A_20 = arith.remsi %iota3A_2, %rem3A : vector<256x256xi32>
    %ne3A_21 = arith.constant 0 : i32
    %ne3A_22 = vector.broadcast %ne3A_21 : i32 to vector<256x256xi32>
    %ne3A_23 = arith.cmpi ne, %rem3A_20, %ne3A_22 : vector<256x256xi32>
    %and3A = arith.andi %ne3A_19, %ne3A_23 : vector<256x256xi1>
    %sub3A = arith.constant 1 : i32
    %sub3A_24 = vector.broadcast %sub3A : i32 to vector<256x256xi32>
    %sub3A_25 = arith.subi %div3A_3, %sub3A_24 : vector<256x256xi32>
    %select_n3A = arith.select %and3A, %sub3A_25, %div3A_3 : vector<256x256xi1>, vector<256x256xi32>
    %jit3A_26 = arith.constant 32 : i32
    %div3A_27 = vector.broadcast %jit3A_26 : i32 to vector<256x256xi32>
    %div3A_28 = arith.divsi %iota3A, %div3A_27 : vector<256x256xi32>
    %sign3A_29 = arith.constant 0 : i32
    %sign3A_30 = vector.broadcast %sign3A_29 : i32 to vector<256x256xi32>
    %sign3A_31 = arith.cmpi sgt, %iota3A, %sign3A_30 : vector<256x256xi32>
    %sign3A_32 = arith.extui %sign3A_31 : vector<256x256xi1> to vector<256x256xi32>
    %sign3A_33 = arith.constant 0 : i32
    %sign3A_34 = vector.broadcast %sign3A_33 : i32 to vector<256x256xi32>
    %sign3A_35 = arith.cmpi slt, %iota3A, %sign3A_34 : vector<256x256xi32>
    %sign3A_36 = arith.extui %sign3A_35 : vector<256x256xi1> to vector<256x256xi32>
    %sign3A_37 = arith.subi %sign3A_32, %sign3A_36 : vector<256x256xi32>
    %sign3A_38 = arith.constant 0 : i32
    %sign3A_39 = arith.cmpi sgt, %jit3A_26, %sign3A_38 : i32
    %sign3A_40 = arith.extui %sign3A_39 : i1 to i32
    %sign3A_41 = arith.constant 0 : i32
    %sign3A_42 = arith.cmpi slt, %jit3A_26, %sign3A_41 : i32
    %sign3A_43 = arith.extui %sign3A_42 : i1 to i32
    %sign3A_44 = arith.subi %sign3A_40, %sign3A_43 : i32
    %ne3A_45 = vector.broadcast %sign3A_44 : i32 to vector<256x256xi32>
    %ne3A_46 = arith.cmpi ne, %sign3A_37, %ne3A_45 : vector<256x256xi32>
    %rem3A_47 = vector.broadcast %jit3A_26 : i32 to vector<256x256xi32>
    %rem3A_48 = arith.remsi %iota3A, %rem3A_47 : vector<256x256xi32>
    %ne3A_49 = arith.constant 0 : i32
    %ne3A_50 = vector.broadcast %ne3A_49 : i32 to vector<256x256xi32>
    %ne3A_51 = arith.cmpi ne, %rem3A_48, %ne3A_50 : vector<256x256xi32>
    %and3A_52 = arith.andi %ne3A_46, %ne3A_51 : vector<256x256xi1>
    %sub3A_53 = arith.constant 1 : i32
    %sub3A_54 = vector.broadcast %sub3A_53 : i32 to vector<256x256xi32>
    %sub3A_55 = arith.subi %div3A_28, %sub3A_54 : vector<256x256xi32>
    %select_n3A_56 = arith.select %and3A_52, %sub3A_55, %div3A_28 : vector<256x256xi1>, vector<256x256xi32>
    %eq3A = arith.cmpi eq, %select_n3A, %select_n3A_56 : vector<256x256xi32>
    %and3A_57 = arith.andi %lt3A, %eq3A : vector<256x256xi1>
    %convert_element_type3A_58 = arith.extui %and3A_57 : vector<256x256xi1> to vector<256x256xi32>
    %convert_element_type3A_59 = arith.sitofp %convert_element_type3A_58 : vector<256x256xi32> to vector<256x256xf32>
    %dot_general3A = arith.constant dense<0.000000e+00> : vector<256x128xf32>
    %dot_general3A_60 = tpu.matmul %convert_element_type3A_59, %convert_element_type3A, %dot_general3A {dimension_numbers = #tpu.dot_dimension_numbers<[1], [0], [0], [1], [0, 0, 1, 1], [], []>, precision = #tpu.contract_precision<fp32>, transpose_lhs_hint = false} : vector<256x256xf32>, vector<256x128xf32>, vector<256x128xf32> -> vector<256x128xf32>
    %reduce_sum3A = arith.constant dense<0.000000e+00> : vector<256xf32>
    %reduce_sum3A_61 = vector.multi_reduction <add>, %dot_general3A_60, %reduce_sum3A [1] : vector<256x128xf32> to vector<256xf32>
    %broadcast_in_dim3A = vector.shape_cast %reduce_sum3A_61 : vector<256xf32> to vector<256x1xf32>
    %iota3A_62 = tpu.iota {dimensions = array<i32: 0>} : vector<128x128xi32>
    %iota3A_63 = tpu.iota {dimensions = array<i32: 1>} : vector<128x128xi32>
    %le3A = arith.cmpi sle, %iota3A_62, %iota3A_63 : vector<128x128xi32>
    %convert_element_type3A_64 = arith.extui %le3A : vector<128x128xi1> to vector<128x128xi32>
    %convert_element_type3A_65 = arith.sitofp %convert_element_type3A_64 : vector<128x128xi32> to vector<128x128xf32>
    %dot_general3A_66 = arith.constant dense<0.000000e+00> : vector<256x128xf32>
    %dot_general3A_67 = tpu.matmul %convert_element_type3A, %convert_element_type3A_65, %dot_general3A_66 {dimension_numbers = #tpu.dot_dimension_numbers<[1], [0], [0], [1], [0, 0, 1, 1], [], []>, precision = #tpu.contract_precision<fp32>, transpose_lhs_hint = false} : vector<256x128xf32>, vector<128x128xf32>, vector<256x128xf32> -> vector<256x128xf32>
    %add3A = vector.broadcast %broadcast_in_dim3A : vector<256x1xf32> to vector<256x128xf32>
    %add3A_68 = arith.addf %dot_general3A_67, %add3A : vector<256x128xf32>
    %iota3A_69 = tpu.iota {dimensions = array<i32: 0>} : vector<256x128xi32>
    %iota3A_70 = tpu.iota {dimensions = array<i32: 1>} : vector<256x128xi32>
    %jit3A_71 = arith.constant 32 : i32
    %div3A_72 = vector.broadcast %jit3A_71 : i32 to vector<256x128xi32>
    %div3A_73 = arith.divsi %iota3A_69, %div3A_72 : vector<256x128xi32>
    %sign3A_74 = arith.constant 0 : i32
    %sign3A_75 = vector.broadcast %sign3A_74 : i32 to vector<256x128xi32>
    %sign3A_76 = arith.cmpi sgt, %iota3A_69, %sign3A_75 : vector<256x128xi32>
    %sign3A_77 = arith.extui %sign3A_76 : vector<256x128xi1> to vector<256x128xi32>
    %sign3A_78 = arith.constant 0 : i32
    %sign3A_79 = vector.broadcast %sign3A_78 : i32 to vector<256x128xi32>
    %sign3A_80 = arith.cmpi slt, %iota3A_69, %sign3A_79 : vector<256x128xi32>
    %sign3A_81 = arith.extui %sign3A_80 : vector<256x128xi1> to vector<256x128xi32>
    %sign3A_82 = arith.subi %sign3A_77, %sign3A_81 : vector<256x128xi32>
    %sign3A_83 = arith.constant 0 : i32
    %sign3A_84 = arith.cmpi sgt, %jit3A_71, %sign3A_83 : i32
    %sign3A_85 = arith.extui %sign3A_84 : i1 to i32
    %sign3A_86 = arith.constant 0 : i32
    %sign3A_87 = arith.cmpi slt, %jit3A_71, %sign3A_86 : i32
    %sign3A_88 = arith.extui %sign3A_87 : i1 to i32
    %sign3A_89 = arith.subi %sign3A_85, %sign3A_88 : i32
    %ne3A_90 = vector.broadcast %sign3A_89 : i32 to vector<256x128xi32>
    %ne3A_91 = arith.cmpi ne, %sign3A_82, %ne3A_90 : vector<256x128xi32>
    %rem3A_92 = vector.broadcast %jit3A_71 : i32 to vector<256x128xi32>
    %rem3A_93 = arith.remsi %iota3A_69, %rem3A_92 : vector<256x128xi32>
    %ne3A_94 = arith.constant 0 : i32
    %ne3A_95 = vector.broadcast %ne3A_94 : i32 to vector<256x128xi32>
    %ne3A_96 = arith.cmpi ne, %rem3A_93, %ne3A_95 : vector<256x128xi32>
    %and3A_97 = arith.andi %ne3A_91, %ne3A_96 : vector<256x128xi1>
    %sub3A_98 = arith.constant 1 : i32
    %sub3A_99 = vector.broadcast %sub3A_98 : i32 to vector<256x128xi32>
    %sub3A_100 = arith.subi %div3A_73, %sub3A_99 : vector<256x128xi32>
    %select_n3A_101 = arith.select %and3A_97, %sub3A_100, %div3A_73 : vector<256x128xi1>, vector<256x128xi32>
    %rem3A_102 = arith.constant 4 : i32
    %rem3A_103 = vector.broadcast %rem3A_102 : i32 to vector<256x128xi32>
    %rem3A_104 = arith.remsi %select_n3A_101, %rem3A_103 : vector<256x128xi32>
    %mul3A = arith.constant 4112 : i32
    %mul3A_105 = vector.broadcast %mul3A : i32 to vector<256x128xi32>
    %mul3A_106 = arith.muli %rem3A_104, %mul3A_105 : vector<256x128xi32>
    %ne3A_107 = arith.constant 0 : i32
    %ne3A_108 = vector.broadcast %ne3A_107 : i32 to vector<256x128xi32>
    %ne3A_109 = arith.cmpi ne, %get3A_1, %ne3A_108 : vector<256x128xi32>
    %convert_element_type3A_110 = arith.fptosi %add3A_68 : vector<256x128xf32> to vector<256x128xi32>
    %sub3A_111 = arith.constant 1 : i32
    %sub3A_112 = vector.broadcast %sub3A_111 : i32 to vector<256x128xi32>
    %sub3A_113 = arith.subi %convert_element_type3A_110, %sub3A_112 : vector<256x128xi32>
    %rem3A_114 = arith.constant 16 : i32
    %rem3A_115 = vector.broadcast %rem3A_114 : i32 to vector<256x128xi32>
    %rem3A_116 = arith.remsi %iota3A_70, %rem3A_115 : vector<256x128xi32>
    %add3A_117 = arith.constant 4096 : i32
    %add3A_118 = vector.broadcast %add3A_117 : i32 to vector<256x128xi32>
    %add3A_119 = arith.addi %add3A_118, %rem3A_116 : vector<256x128xi32>
    %select_n3A_120 = arith.select %ne3A_109, %sub3A_113, %add3A_119 : vector<256x128xi1>, vector<256x128xi32>
    %add3A_121 = arith.addi %mul3A_106, %select_n3A_120 : vector<256x128xi32>
    %swap3A = arith.constant 0 : index
    %swap3A_122 = arith.constant 0 : index
    %swap3A_123 = vector.load %arg3[%swap3A, %swap3A_122] : memref<256x128xi32, #tpu.memory_space<vmem>>, vector<256x128xi32>
    tpu.vector_store %arg3[%swap3A, %swap3A_122], %add3A_121 {strides = array<i32>} : memref<256x128xi32, #tpu.memory_space<vmem>>, vector<256x128xi32>,
    %rem3A_124 = arith.constant 32 : i32
    %rem3A_125 = vector.broadcast %rem3A_124 : i32 to vector<256x128xi32>
    %rem3A_126 = arith.remsi %iota3A_69, %rem3A_125 : vector<256x128xi32>
    %mul3A_127 = arith.constant 128 : i32
    %mul3A_128 = vector.broadcast %mul3A_127 : i32 to vector<256x128xi32>
    %mul3A_129 = arith.muli %rem3A_126, %mul3A_128 : vector<256x128xi32>
    %add3A_130 = arith.addi %mul3A_129, %iota3A_70 : vector<256x128xi32>
    %jit3A_131 = arith.constant 8 : i32
    %div3A_132 = vector.broadcast %jit3A_131 : i32 to vector<256x128xi32>
    %div3A_133 = arith.divsi %add3A_130, %div3A_132 : vector<256x128xi32>
    %sign3A_134 = arith.constant 0 : i32
    %sign3A_135 = vector.broadcast %sign3A_134 : i32 to vector<256x128xi32>
    %sign3A_136 = arith.cmpi sgt, %add3A_130, %sign3A_135 : vector<256x128xi32>
    %sign3A_137 = arith.extui %sign3A_136 : vector<256x128xi1> to vector<256x128xi32>
    %sign3A_138 = arith.constant 0 : i32
    %sign3A_139 = vector.broadcast %sign3A_138 : i32 to vector<256x128xi32>
    %sign3A_140 = arith.cmpi slt, %add3A_130, %sign3A_139 : vector<256x128xi32>
    %sign3A_141 = arith.extui %sign3A_140 : vector<256x128xi1> to vector<256x128xi32>
    %sign3A_142 = arith.subi %sign3A_137, %sign3A_141 : vector<256x128xi32>
    %sign3A_143 = arith.constant 0 : i32
    %sign3A_144 = arith.cmpi sgt, %jit3A_131, %sign3A_143 : i32
    %sign3A_145 = arith.extui %sign3A_144 : i1 to i32
    %sign3A_146 = arith.constant 0 : i32
    %sign3A_147 = arith.cmpi slt, %jit3A_131, %sign3A_146 : i32
    %sign3A_148 = arith.extui %sign3A_147 : i1 to i32
    %sign3A_149 = arith.subi %sign3A_145, %sign3A_148 : i32
    %ne3A_150 = vector.broadcast %sign3A_149 : i32 to vector<256x128xi32>
    %ne3A_151 = arith.cmpi ne, %sign3A_142, %ne3A_150 : vector<256x128xi32>
    %rem3A_152 = vector.broadcast %jit3A_131 : i32 to vector<256x128xi32>
    %rem3A_153 = arith.remsi %add3A_130, %rem3A_152 : vector<256x128xi32>
    %ne3A_154 = arith.constant 0 : i32
    %ne3A_155 = vector.broadcast %ne3A_154 : i32 to vector<256x128xi32>
    %ne3A_156 = arith.cmpi ne, %rem3A_153, %ne3A_155 : vector<256x128xi32>
    %and3A_157 = arith.andi %ne3A_151, %ne3A_156 : vector<256x128xi1>
    %sub3A_158 = arith.constant 1 : i32
    %sub3A_159 = vector.broadcast %sub3A_158 : i32 to vector<256x128xi32>
    %sub3A_160 = arith.subi %div3A_133, %sub3A_159 : vector<256x128xi32>
    %select_n3A_161 = arith.select %and3A_157, %sub3A_160, %div3A_133 : vector<256x128xi1>, vector<256x128xi32>
    %get3A_162 = arith.constant 0 : index
    %get3A_163 = arith.constant 0 : index
    %get3A_164 = vector.load %arg1[%get3A_162, %get3A_163] : memref<256x128xi32, #tpu.memory_space<vmem>>, vector<256x128xi32>
    %add3A_165 = arith.constant 1 : i32
    %add3A_166 = vector.broadcast %add3A_165 : i32 to vector<256x128xi32>
    %add3A_167 = arith.addi %get3A_164, %add3A_166 : vector<256x128xi32>
    %mul3A_168 = arith.constant 4096 : i32
    %mul3A_169 = vector.broadcast %mul3A_168 : i32 to vector<256x128xi32>
    %mul3A_170 = arith.muli %select_n3A_161, %mul3A_169 : vector<256x128xi32>
    %add3A_171 = arith.addi %add3A_167, %mul3A_170 : vector<256x128xi32>
    %swap3A_172 = arith.constant 0 : index
    %swap3A_173 = arith.constant 0 : index
    %swap3A_174 = vector.load %arg4[%swap3A_172, %swap3A_173] : memref<256x128xi32, #tpu.memory_space<vmem>>, vector<256x128xi32>
    tpu.vector_store %arg4[%swap3A_172, %swap3A_173], %add3A_171 {strides = array<i32>} : memref<256x128xi32, #tpu.memory_space<vmem>>, vector<256x128xi32>,
    %reduce_sum3A_175 = arith.constant dense<0.000000e+00> : vector<256xf32>
    %reduce_sum3A_176 = vector.multi_reduction <add>, %convert_element_type3A, %reduce_sum3A_175 [1] : vector<256x128xf32> to vector<256xf32>
    %broadcast_in_dim3A_177 = vector.shape_cast %reduce_sum3A_176 : vector<256xf32> to vector<256x1xf32>
    %iota3A_178 = tpu.iota {dimensions = array<i32: 0>} : vector<8x256xi32>
    %iota3A_179 = tpu.iota {dimensions = array<i32: 1>} : vector<8x256xi32>
    %jit3A_180 = arith.constant 32 : i32
    %div3A_181 = vector.broadcast %jit3A_180 : i32 to vector<8x256xi32>
    %div3A_182 = arith.divsi %iota3A_179, %div3A_181 : vector<8x256xi32>
    %sign3A_183 = arith.constant 0 : i32
    %sign3A_184 = vector.broadcast %sign3A_183 : i32 to vector<8x256xi32>
    %sign3A_185 = arith.cmpi sgt, %iota3A_179, %sign3A_184 : vector<8x256xi32>
    %sign3A_186 = arith.extui %sign3A_185 : vector<8x256xi1> to vector<8x256xi32>
    %sign3A_187 = arith.constant 0 : i32
    %sign3A_188 = vector.broadcast %sign3A_187 : i32 to vector<8x256xi32>
    %sign3A_189 = arith.cmpi slt, %iota3A_179, %sign3A_188 : vector<8x256xi32>
    %sign3A_190 = arith.extui %sign3A_189 : vector<8x256xi1> to vector<8x256xi32>
    %sign3A_191 = arith.subi %sign3A_186, %sign3A_190 : vector<8x256xi32>
    %sign3A_192 = arith.constant 0 : i32
    %sign3A_193 = arith.cmpi sgt, %jit3A_180, %sign3A_192 : i32
    %sign3A_194 = arith.extui %sign3A_193 : i1 to i32
    %sign3A_195 = arith.constant 0 : i32
    %sign3A_196 = arith.cmpi slt, %jit3A_180, %sign3A_195 : i32
    %sign3A_197 = arith.extui %sign3A_196 : i1 to i32
    %sign3A_198 = arith.subi %sign3A_194, %sign3A_197 : i32
    %ne3A_199 = vector.broadcast %sign3A_198 : i32 to vector<8x256xi32>
    %ne3A_200 = arith.cmpi ne, %sign3A_191, %ne3A_199 : vector<8x256xi32>
    %rem3A_201 = vector.broadcast %jit3A_180 : i32 to vector<8x256xi32>
    %rem3A_202 = arith.remsi %iota3A_179, %rem3A_201 : vector<8x256xi32>
    %ne3A_203 = arith.constant 0 : i32
    %ne3A_204 = vector.broadcast %ne3A_203 : i32 to vector<8x256xi32>
    %ne3A_205 = arith.cmpi ne, %rem3A_202, %ne3A_204 : vector<8x256xi32>
    %and3A_206 = arith.andi %ne3A_200, %ne3A_205 : vector<8x256xi1>
    %sub3A_207 = arith.constant 1 : i32
    %sub3A_208 = vector.broadcast %sub3A_207 : i32 to vector<8x256xi32>
    %sub3A_209 = arith.subi %div3A_182, %sub3A_208 : vector<8x256xi32>
    %select_n3A_210 = arith.select %and3A_206, %sub3A_209, %div3A_182 : vector<8x256xi1>, vector<8x256xi32>
    %eq3A_211 = arith.cmpi eq, %select_n3A_210, %iota3A_178 : vector<8x256xi32>
    %convert_element_type3A_212 = arith.extui %eq3A_211 : vector<8x256xi1> to vector<8x256xi32>
    %convert_element_type3A_213 = arith.sitofp %convert_element_type3A_212 : vector<8x256xi32> to vector<8x256xf32>
    %dot_general3A_214 = arith.constant dense<0.000000e+00> : vector<8x1xf32>
    %dot_general3A_215 = tpu.matmul %convert_element_type3A_213, %broadcast_in_dim3A_177, %dot_general3A_214 {dimension_numbers = #tpu.dot_dimension_numbers<[1], [0], [0], [1], [0, 0, 1, 1], [], []>, precision = #tpu.contract_precision<fp32>, transpose_lhs_hint = false} : vector<8x256xf32>, vector<256x1xf32>, vector<8x1xf32> -> vector<8x1xf32>
    %convert_element_type3A_216 = arith.fptosi %dot_general3A_215 : vector<8x1xf32> to vector<8x1xi32>
    %broadcast_in_dim3A_217 = vector.shape_cast %convert_element_type3A_216 : vector<8x1xi32> to vector<8x1xi32>
    %broadcast_in_dim3A_218 = vector.broadcast %broadcast_in_dim3A_217 : vector<8x1xi32> to vector<8x128xi32>
    %swap3A_219 = arith.constant 0 : index
    %swap3A_220 = arith.constant 0 : index
    %swap3A_221 = vector.load %arg5[%swap3A_219, %swap3A_220] : memref<8x128xi32, #tpu.memory_space<vmem>>, vector<8x128xi32>
    tpu.vector_store %arg5[%swap3A_219, %swap3A_220], %broadcast_in_dim3A_218 {strides = array<i32>} : memref<8x128xi32, #tpu.memory_space<vmem>>, vector<8x128xi32>,
    %get3A_222 = arith.constant 0 : index
    %get3A_223 = arith.constant 0 : index
    %get3A_224 = vector.load %arg2[%get3A_222, %get3A_223] : memref<2049x512xf32, #tpu.memory_space<vmem>>, vector<2049x512xf32>
    %slice3A = vector.extract_strided_slice %get3A_224 {offsets = [0, 0], sizes = [2049, 256], strides = [1, 1]} : vector<2049x512xf32> to vector<2049x256xf32>
    %bitcast_convert_type3A = tpu.bitcast %slice3A : vector<2049x256xf32> -> vector<2049x256xi32>
    %add3A_225 = arith.constant 32767 : i32
    %add3A_226 = vector.broadcast %add3A_225 : i32 to vector<2049x256xi32>
    %add3A_227 = arith.addi %bitcast_convert_type3A, %add3A_226 : vector<2049x256xi32>
    %shift_right_arithmetic3A = arith.constant 16 : i32
    %shift_right_arithmetic3A_228 = vector.broadcast %shift_right_arithmetic3A : i32 to vector<2049x256xi32>
    %shift_right_arithmetic3A_229 = arith.shrsi %bitcast_convert_type3A, %shift_right_arithmetic3A_228 : vector<2049x256xi32>
    %and3A_230 = arith.constant 1 : i32
    %and3A_231 = vector.broadcast %and3A_230 : i32 to vector<2049x256xi32>
    %and3A_232 = arith.andi %shift_right_arithmetic3A_229, %and3A_231 : vector<2049x256xi32>
    %add3A_233 = arith.addi %add3A_227, %and3A_232 : vector<2049x256xi32>
    %shift_right_arithmetic3A_234 = arith.constant 16 : i32
    %shift_right_arithmetic3A_235 = vector.broadcast %shift_right_arithmetic3A_234 : i32 to vector<2049x256xi32>
    %shift_right_arithmetic3A_236 = arith.shrsi %add3A_233, %shift_right_arithmetic3A_235 : vector<2049x256xi32>
    %and3A_237 = arith.constant 65535 : i32
    %and3A_238 = vector.broadcast %and3A_237 : i32 to vector<2049x256xi32>
    %and3A_239 = arith.andi %shift_right_arithmetic3A_236, %and3A_238 : vector<2049x256xi32>
    %slice3A_240 = vector.extract_strided_slice %get3A_224 {offsets = [0, 256], sizes = [2049, 256], strides = [1, 1]} : vector<2049x512xf32> to vector<2049x256xf32>
    %bitcast_convert_type3A_241 = tpu.bitcast %slice3A_240 : vector<2049x256xf32> -> vector<2049x256xi32>
    %add3A_242 = arith.constant 32767 : i32
    %add3A_243 = vector.broadcast %add3A_242 : i32 to vector<2049x256xi32>
    %add3A_244 = arith.addi %bitcast_convert_type3A_241, %add3A_243 : vector<2049x256xi32>
    %shift_right_arithmetic3A_245 = arith.constant 16 : i32
    %shift_right_arithmetic3A_246 = vector.broadcast %shift_right_arithmetic3A_245 : i32 to vector<2049x256xi32>
    %shift_right_arithmetic3A_247 = arith.shrsi %bitcast_convert_type3A_241, %shift_right_arithmetic3A_246 : vector<2049x256xi32>
    %and3A_248 = arith.constant 1 : i32
    %and3A_249 = vector.broadcast %and3A_248 : i32 to vector<2049x256xi32>
    %and3A_250 = arith.andi %shift_right_arithmetic3A_247, %and3A_249 : vector<2049x256xi32>
    %add3A_251 = arith.addi %add3A_244, %and3A_250 : vector<2049x256xi32>
    %shift_right_arithmetic3A_252 = arith.constant 16 : i32
    %shift_right_arithmetic3A_253 = vector.broadcast %shift_right_arithmetic3A_252 : i32 to vector<2049x256xi32>
    %shift_right_arithmetic3A_254 = arith.shrsi %add3A_251, %shift_right_arithmetic3A_253 : vector<2049x256xi32>
    %and3A_255 = arith.constant 65535 : i32
    %and3A_256 = vector.broadcast %and3A_255 : i32 to vector<2049x256xi32>
    %and3A_257 = arith.andi %shift_right_arithmetic3A_254, %and3A_256 : vector<2049x256xi32>
    %shift_left3A = arith.constant 16 : i32
    %shift_left3A_258 = vector.broadcast %shift_left3A : i32 to vector<2049x256xi32>
    %shift_left3A_259 = arith.shli %and3A_257, %shift_left3A_258 : vector<2049x256xi32>
    %or3A = arith.ori %and3A_239, %shift_left3A_259 : vector<2049x256xi32>
    %swap3A_260 = arith.constant 0 : index
    %swap3A_261 = arith.constant 0 : index
    %swap3A_262 = vector.load %arg6[%swap3A_260, %swap3A_261] : memref<2049x256xi32, #tpu.memory_space<vmem>>, vector<2049x256xi32>
    tpu.vector_store %arg6[%swap3A_260, %swap3A_261], %or3A {strides = array<i32>} : memref<2049x256xi32, #tpu.memory_space<vmem>>, vector<2049x256xi32>,
    return
  }
}

module attributes {stable_mosaic.version = 14 : i64} {
  func.func @_tc_body(%arg0: i32, %arg1: memref<8x128xi32, #tpu.memory_space<smem>>, %arg2: memref<1x1x2048xi32, #tpu.memory_space<vmem>>, %arg3: memref<1x512x3xf32, #tpu.memory_space<vmem>>, %arg4: memref<2048x256xi32, #tpu.memory_space<vmem>>, %arg5: memref<1x512xf32, #tpu.memory_space<vmem>>, %arg6: memref<1x512xf32, #tpu.memory_space<vmem>>, %arg7: memref<512x512xf32, #tpu.memory_space<vmem>>, %arg8: memref<2048x512xf32, #tpu.memory_space<vmem>>) attributes {dimension_semantics = [#tpu.dimension_semantics<arbitrary>], iteration_bounds = array<i64: 8>, scalar_prefetch = 0 : i64, scratch_operands = 0 : i64, tpu.core_type = #tpu.core_type<tc>, window_params = [{transform_indices = @transform_0, window_bounds = array<i64: 8, 128>}, {transform_indices = @transform_1, window_bounds = array<i64: 1, 1, 2048>}, {transform_indices = @transform_2, window_bounds = array<i64: 1, 512, 3>}, {transform_indices = @transform_3, window_bounds = array<i64: 2048, 256>}, {pipeline_mode = #tpu.pipeline_mode<synchronous>, transform_indices = @transform_4, window_bounds = array<i64: 1, 512>}, {pipeline_mode = #tpu.pipeline_mode<synchronous>, transform_indices = @transform_5, window_bounds = array<i64: 1, 512>}, {pipeline_mode = #tpu.pipeline_mode<synchronous>, transform_indices = @transform_6, window_bounds = array<i64: 512, 512>}, {transform_indices = @transform_7, window_bounds = array<i64: 2048, 512>}]} {
    %get3A = arith.constant 0 : index
    %get3A_0 = arith.constant 0 : index
    %get3A_1 = arith.constant 0 : index
    %get3A_2 = vector.load %arg3[%get3A, %get3A_0, %get3A_1] : memref<1x512x3xf32, #tpu.memory_space<vmem>>, vector<1x512x3xf32>
    %get3A_3 = vector.shape_cast %get3A_2 : vector<1x512x3xf32> to vector<512x3xf32>
    %get3A_4 = arith.constant 0 : index
    %get3A_5 = arith.constant 0 : index
    %get3A_6 = arith.constant 0 : index
    %get3A_7 = vector.load %arg2[%get3A_4, %get3A_5, %get3A_6] : memref<1x1x2048xi32, #tpu.memory_space<vmem>>, vector<1x1x2048xi32>
    %get3A_8 = vector.shape_cast %get3A_7 : vector<1x1x2048xi32> to vector<2048xi32>
    %shift_right_arithmetic3A = arith.constant 12 : i32
    %shift_right_arithmetic3A_9 = vector.broadcast %shift_right_arithmetic3A : i32 to vector<2048xi32>
    %shift_right_arithmetic3A_10 = arith.shrsi %get3A_8, %shift_right_arithmetic3A_9 : vector<2048xi32>
    %broadcast_in_dim3A = vector.shape_cast %shift_right_arithmetic3A_10 : vector<2048xi32> to vector<2048x1xi32>
    %iota3A = tpu.iota {dimensions = array<i32: 1>} : vector<2048x512xi32>
    %eq3A = vector.broadcast %broadcast_in_dim3A : vector<2048x1xi32> to vector<2048x512xi32>
    %eq3A_11 = arith.cmpi eq, %eq3A, %iota3A : vector<2048x512xi32>
    %convert_element_type3A = arith.extui %eq3A_11 : vector<2048x512xi1> to vector<2048x512xi32>
    %convert_element_type3A_12 = arith.sitofp %convert_element_type3A : vector<2048x512xi32> to vector<2048x512xf32>
    %dot_general3A = arith.constant dense<0.000000e+00> : vector<2048x3xf32>
    %dot_general3A_13 = tpu.matmul %convert_element_type3A_12, %get3A_3, %dot_general3A {dimension_numbers = #tpu.dot_dimension_numbers<[1], [0], [0], [1], [0, 0, 1, 1], [], []>, transpose_lhs_hint = false} : vector<2048x512xf32>, vector<512x3xf32>, vector<2048x3xf32> -> vector<2048x3xf32>
    %slice3A = vector.extract_strided_slice %dot_general3A_13 {offsets = [0, 0], sizes = [2048, 1], strides = [1, 1]} : vector<2048x3xf32> to vector<2048x1xf32>
    %slice3A_14 = vector.extract_strided_slice %dot_general3A_13 {offsets = [0, 1], sizes = [2048, 1], strides = [1, 1]} : vector<2048x3xf32> to vector<2048x1xf32>
    %slice3A_15 = vector.extract_strided_slice %dot_general3A_13 {offsets = [0, 2], sizes = [2048, 1], strides = [1, 1]} : vector<2048x3xf32> to vector<2048x1xf32>
    %get3A_16 = arith.constant 0 : index
    %get3A_17 = arith.constant 0 : index
    %get3A_18 = vector.load %arg4[%get3A_16, %get3A_17] : memref<2048x256xi32, #tpu.memory_space<vmem>>, vector<2048x256xi32>
    %shift_left3A = arith.constant 16 : i32
    %shift_left3A_19 = vector.broadcast %shift_left3A : i32 to vector<2048x256xi32>
    %shift_left3A_20 = arith.shli %get3A_18, %shift_left3A_19 : vector<2048x256xi32>
    %bitcast_convert_type3A = tpu.bitcast %shift_left3A_20 : vector<2048x256xi32> -> vector<2048x256xf32>
    %and3A = arith.constant -65536 : i32
    %and3A_21 = vector.broadcast %and3A : i32 to vector<2048x256xi32>
    %and3A_22 = arith.andi %get3A_18, %and3A_21 : vector<2048x256xi32>
    %bitcast_convert_type3A_23 = tpu.bitcast %and3A_22 : vector<2048x256xi32> -> vector<2048x256xf32>
    %concatenate3A = tpu.concatenate %bitcast_convert_type3A, %bitcast_convert_type3A_23 in 1 : vector<2048x256xf32>, vector<2048x256xf32> -> vector<2048x512xf32>
    %get3A_24 = arith.constant 0 : index
    %get3A_25 = arith.constant 0 : index
    %get3A_26 = vector.load %arg6[%get3A_24, %get3A_25] : memref<1x512xf32, #tpu.memory_space<vmem>>, vector<1x512xf32>
    %get3A_27 = vector.shape_cast %get3A_26 : vector<1x512xf32> to vector<512xf32>
    %mul3A = arith.mulf %concatenate3A, %concatenate3A : vector<2048x512xf32>
    %reduce_sum3A = arith.constant dense<0.000000e+00> : vector<2048xf32>
    %reduce_sum3A_28 = vector.multi_reduction <add>, %mul3A, %reduce_sum3A [1] : vector<2048x512xf32> to vector<2048xf32>
    %broadcast_in_dim3A_29 = vector.shape_cast %reduce_sum3A_28 : vector<2048xf32> to vector<2048x1xf32>
    %div3A = arith.constant 5.120000e+02 : f32
    %div3A_30 = vector.broadcast %div3A : f32 to vector<2048x1xf32>
    %div3A_31 = arith.divf %broadcast_in_dim3A_29, %div3A_30 : vector<2048x1xf32>
    %add3A = arith.constant 9.99999997E-7 : f32
    %add3A_32 = vector.broadcast %add3A : f32 to vector<2048x1xf32>
    %add3A_33 = arith.addf %div3A_31, %add3A_32 : vector<2048x1xf32>
    %rsqrt3A = math.rsqrt %add3A_33 : vector<2048x1xf32>
    %mul3A_34 = vector.broadcast %rsqrt3A : vector<2048x1xf32> to vector<2048x512xf32>
    %mul3A_35 = arith.mulf %concatenate3A, %mul3A_34 : vector<2048x512xf32>
    %broadcast_in_dim3A_36 = vector.shape_cast %get3A_27 : vector<512xf32> to vector<1x512xf32>
    %mul3A_37 = vector.broadcast %broadcast_in_dim3A_36 : vector<1x512xf32> to vector<2048x512xf32>
    %mul3A_38 = arith.mulf %mul3A_37, %mul3A_35 : vector<2048x512xf32>
    %add3A_39 = arith.constant 1.000000e+00 : f32
    %add3A_40 = vector.broadcast %add3A_39 : f32 to vector<2048x1xf32>
    %add3A_41 = arith.addf %add3A_40, %slice3A : vector<2048x1xf32>
    %mul3A_42 = vector.broadcast %add3A_41 : vector<2048x1xf32> to vector<2048x512xf32>
    %mul3A_43 = arith.mulf %mul3A_38, %mul3A_42 : vector<2048x512xf32>
    %add3A_44 = vector.broadcast %slice3A_14 : vector<2048x1xf32> to vector<2048x512xf32>
    %add3A_45 = arith.addf %mul3A_43, %add3A_44 : vector<2048x512xf32>
    %neg3A = arith.constant 0.000000e+00 : f32
    %neg3A_46 = vector.broadcast %neg3A : f32 to vector<2048x512xf32>
    %neg3A_47 = arith.subf %neg3A_46, %add3A_45 : vector<2048x512xf32>
    %exp3A = math.exp %neg3A_47 : vector<2048x512xf32>
    %add3A_48 = arith.constant 1.000000e+00 : f32
    %add3A_49 = vector.broadcast %add3A_48 : f32 to vector<2048x512xf32>
    %add3A_50 = arith.addf %add3A_49, %exp3A : vector<2048x512xf32>
    %div3A_51 = arith.constant 1.000000e+00 : f32
    %div3A_52 = vector.broadcast %div3A_51 : f32 to vector<2048x512xf32>
    %div3A_53 = arith.divf %div3A_52, %add3A_50 : vector<2048x512xf32>
    %mul3A_54 = arith.mulf %add3A_45, %div3A_53 : vector<2048x512xf32>
    %get3A_55 = arith.constant 0 : index
    %get3A_56 = arith.constant 0 : index
    %get3A_57 = vector.load %arg7[%get3A_55, %get3A_56] : memref<512x512xf32, #tpu.memory_space<vmem>>, vector<512x512xf32>
    %dot_general3A_58 = arith.constant dense<0.000000e+00> : vector<2048x512xf32>
    %dot_general3A_59 = tpu.matmul %mul3A_54, %get3A_57, %dot_general3A_58 {dimension_numbers = #tpu.dot_dimension_numbers<[1], [1], [0], [0], [0, 0, 1, 0], [], []>, transpose_lhs_hint = false} : vector<2048x512xf32>, vector<512x512xf32>, vector<2048x512xf32> -> vector<2048x512xf32>
    %neg3A_60 = arith.constant 0.000000e+00 : f32
    %neg3A_61 = vector.broadcast %neg3A_60 : f32 to vector<2048x1xf32>
    %neg3A_62 = arith.subf %neg3A_61, %slice3A_15 : vector<2048x1xf32>
    %exp3A_63 = math.exp %neg3A_62 : vector<2048x1xf32>
    %add3A_64 = arith.constant 1.000000e+00 : f32
    %add3A_65 = vector.broadcast %add3A_64 : f32 to vector<2048x1xf32>
    %add3A_66 = arith.addf %add3A_65, %exp3A_63 : vector<2048x1xf32>
    %div3A_67 = arith.constant 1.000000e+00 : f32
    %div3A_68 = vector.broadcast %div3A_67 : f32 to vector<2048x1xf32>
    %div3A_69 = arith.divf %div3A_68, %add3A_66 : vector<2048x1xf32>
    %mul3A_70 = vector.broadcast %div3A_69 : vector<2048x1xf32> to vector<2048x512xf32>
    %mul3A_71 = arith.mulf %mul3A_70, %dot_general3A_59 : vector<2048x512xf32>
    %sub3A = arith.constant 1.000000e+00 : f32
    %sub3A_72 = vector.broadcast %sub3A : f32 to vector<2048x1xf32>
    %sub3A_73 = arith.subf %sub3A_72, %div3A_69 : vector<2048x1xf32>
    %mul3A_74 = vector.broadcast %sub3A_73 : vector<2048x1xf32> to vector<2048x512xf32>
    %mul3A_75 = arith.mulf %mul3A_74, %mul3A_38 : vector<2048x512xf32>
    %add3A_76 = arith.addf %mul3A_71, %mul3A_75 : vector<2048x512xf32>
    %get3A_77 = arith.index_cast %arg0 : i32 to index
    %get3A_78 = arith.constant 0 : index
    %get3A_79 = memref.load %arg1[%get3A_77, %get3A_78] : memref<8x128xi32, #tpu.memory_space<smem>>
    %iota3A_80 = tpu.iota {dimensions = array<i32: 0>} : vector<2048x1xi32>
    %lt3A = vector.broadcast %get3A_79 : i32 to vector<2048x1xi32>
    %lt3A_81 = arith.cmpi slt, %iota3A_80, %lt3A : vector<2048x1xi32>
    %get3A_82 = arith.constant 0 : index
    %get3A_83 = arith.constant 0 : index
    %get3A_84 = vector.load %arg5[%get3A_82, %get3A_83] : memref<1x512xf32, #tpu.memory_space<vmem>>, vector<1x512xf32>
    %broadcast_in_dim3A_85 = vector.shape_cast %lt3A_81 : vector<2048x1xi1> to vector<2048x1xi1>
    %broadcast_in_dim3A_86 = vector.broadcast %broadcast_in_dim3A_85 : vector<2048x1xi1> to vector<2048x512xi1>
    %broadcast_in_dim3A_87 = vector.shape_cast %get3A_84 : vector<1x512xf32> to vector<1x512xf32>
    %broadcast_in_dim3A_88 = vector.broadcast %broadcast_in_dim3A_87 : vector<1x512xf32> to vector<2048x512xf32>
    %select_n3A = arith.select %broadcast_in_dim3A_86, %add3A_76, %broadcast_in_dim3A_88 : vector<2048x512xi1>, vector<2048x512xf32>
    %swap3A = arith.constant 0 : index
    %swap3A_89 = arith.constant 0 : index
    %swap3A_90 = vector.load %arg8[%swap3A, %swap3A_89] : memref<2048x512xf32, #tpu.memory_space<vmem>>, vector<2048x512xf32>
    tpu.vector_store %arg8[%swap3A, %swap3A_89], %select_n3A {strides = array<i32>} : memref<2048x512xf32, #tpu.memory_space<vmem>>, vector<2048x512xf32>,
    return
  }
  func.func @transform_0(%arg0: i32) -> (i32, i32) {
    %c0_i32 = arith.constant 0 : i32
    %c0_i32_0 = arith.constant 0 : i32
    %c0_i32_1 = arith.constant 0 : i32
    return %c0_i32, %c0_i32_0 : i32, i32
  }
  func.func @transform_1(%arg0: i32) -> (i32, i32, i32) {
    %c0_i32 = arith.constant 0 : i32
    %c0_i32_0 = arith.constant 0 : i32
    %c0_i32_1 = arith.constant 0 : i32
    return %arg0, %c0_i32, %c0_i32_0 : i32, i32, i32
  }
  func.func @transform_2(%arg0: i32) -> (i32, i32, i32) {
    %c0_i32 = arith.constant 0 : i32
    %c0_i32_0 = arith.constant 0 : i32
    %c0_i32_1 = arith.constant 0 : i32
    return %arg0, %c0_i32, %c0_i32_0 : i32, i32, i32
  }
  func.func @transform_3(%arg0: i32) -> (i32, i32) {
    %c0_i32 = arith.constant 0 : i32
    %c0_i32_0 = arith.constant 0 : i32
    return %arg0, %c0_i32 : i32, i32
  }
  func.func @transform_4(%arg0: i32) -> (i32, i32) {
    %c0_i32 = arith.constant 0 : i32
    %c0_i32_0 = arith.constant 0 : i32
    %c0_i32_1 = arith.constant 0 : i32
    return %c0_i32, %c0_i32_0 : i32, i32
  }
  func.func @transform_5(%arg0: i32) -> (i32, i32) {
    %c0_i32 = arith.constant 0 : i32
    %c0_i32_0 = arith.constant 0 : i32
    %c0_i32_1 = arith.constant 0 : i32
    return %c0_i32, %c0_i32_0 : i32, i32
  }
  func.func @transform_6(%arg0: i32) -> (i32, i32) {
    %c0_i32 = arith.constant 0 : i32
    %c0_i32_0 = arith.constant 0 : i32
    %c0_i32_1 = arith.constant 0 : i32
    return %c0_i32, %c0_i32_0 : i32, i32
  }
  func.func @transform_7(%arg0: i32) -> (i32, i32) {
    %c0_i32 = arith.constant 0 : i32
    %c0_i32_0 = arith.constant 0 : i32
    return %arg0, %c0_i32 : i32, i32
  }
}

module attributes {stable_mosaic.version = 14 : i64} {
  func.func @_tc_params_body(%arg0: i32, %arg1: memref<512x768xf32, #tpu.memory_space<vmem>>, %arg2: memref<1x768xf32, #tpu.memory_space<vmem>>, %arg3: memref<1x512xf32, #tpu.memory_space<vmem>>, %arg4: memref<512x768xf32, #tpu.memory_space<vmem>>, %arg5: memref<3x512xf32, #tpu.memory_space<vmem>>, %arg6: memref<1x512x3xf32, #tpu.memory_space<vmem>>) attributes {dimension_semantics = [#tpu.dimension_semantics<arbitrary>], iteration_bounds = array<i64: 8>, scalar_prefetch = 0 : i64, scratch_operands = 0 : i64, tpu.core_type = #tpu.core_type<tc>, window_params = [{transform_indices = @transform_0, window_bounds = array<i64: 512, 768>}, {pipeline_mode = #tpu.pipeline_mode<synchronous>, transform_indices = @transform_1, window_bounds = array<i64: 1, 768>}, {pipeline_mode = #tpu.pipeline_mode<synchronous>, transform_indices = @transform_2, window_bounds = array<i64: 1, 512>}, {pipeline_mode = #tpu.pipeline_mode<synchronous>, transform_indices = @transform_3, window_bounds = array<i64: 512, 768>}, {pipeline_mode = #tpu.pipeline_mode<synchronous>, transform_indices = @transform_4, window_bounds = array<i64: 3, 512>}, {transform_indices = @transform_5, window_bounds = array<i64: 1, 512, 3>}]} {
    %get3A = arith.constant 0 : index
    %get3A_0 = arith.constant 0 : index
    %get3A_1 = vector.load %arg1[%get3A, %get3A_0] : memref<512x768xf32, #tpu.memory_space<vmem>>, vector<512x768xf32>
    %get3A_2 = arith.constant 0 : index
    %get3A_3 = arith.constant 0 : index
    %get3A_4 = vector.load %arg2[%get3A_2, %get3A_3] : memref<1x768xf32, #tpu.memory_space<vmem>>, vector<1x768xf32>
    %get3A_5 = vector.shape_cast %get3A_4 : vector<1x768xf32> to vector<768xf32>
    %mul3A = arith.mulf %get3A_1, %get3A_1 : vector<512x768xf32>
    %reduce_sum3A = arith.constant dense<0.000000e+00> : vector<512xf32>
    %reduce_sum3A_6 = vector.multi_reduction <add>, %mul3A, %reduce_sum3A [1] : vector<512x768xf32> to vector<512xf32>
    %broadcast_in_dim3A = vector.shape_cast %reduce_sum3A_6 : vector<512xf32> to vector<512x1xf32>
    %div3A = arith.constant 7.680000e+02 : f32
    %div3A_7 = vector.broadcast %div3A : f32 to vector<512x1xf32>
    %div3A_8 = arith.divf %broadcast_in_dim3A, %div3A_7 : vector<512x1xf32>
    %add3A = arith.constant 9.99999997E-7 : f32
    %add3A_9 = vector.broadcast %add3A : f32 to vector<512x1xf32>
    %add3A_10 = arith.addf %div3A_8, %add3A_9 : vector<512x1xf32>
    %rsqrt3A = math.rsqrt %add3A_10 : vector<512x1xf32>
    %mul3A_11 = vector.broadcast %rsqrt3A : vector<512x1xf32> to vector<512x768xf32>
    %mul3A_12 = arith.mulf %get3A_1, %mul3A_11 : vector<512x768xf32>
    %broadcast_in_dim3A_13 = vector.shape_cast %get3A_5 : vector<768xf32> to vector<1x768xf32>
    %mul3A_14 = vector.broadcast %broadcast_in_dim3A_13 : vector<1x768xf32> to vector<512x768xf32>
    %mul3A_15 = arith.mulf %mul3A_14, %mul3A_12 : vector<512x768xf32>
    %get3A_16 = arith.constant 0 : index
    %get3A_17 = arith.constant 0 : index
    %get3A_18 = vector.load %arg4[%get3A_16, %get3A_17] : memref<512x768xf32, #tpu.memory_space<vmem>>, vector<512x768xf32>
    %dot_general3A = arith.constant dense<0.000000e+00> : vector<512x512xf32>
    %dot_general3A_19 = tpu.matmul %mul3A_15, %get3A_18, %dot_general3A {dimension_numbers = #tpu.dot_dimension_numbers<[1], [1], [0], [0], [0, 0, 1, 0], [], []>, transpose_lhs_hint = false} : vector<512x768xf32>, vector<512x768xf32>, vector<512x512xf32> -> vector<512x512xf32>
    %get3A_20 = arith.constant 0 : index
    %get3A_21 = arith.constant 0 : index
    %get3A_22 = vector.load %arg3[%get3A_20, %get3A_21] : memref<1x512xf32, #tpu.memory_space<vmem>>, vector<1x512xf32>
    %get3A_23 = vector.shape_cast %get3A_22 : vector<1x512xf32> to vector<512xf32>
    %mul3A_24 = arith.mulf %dot_general3A_19, %dot_general3A_19 : vector<512x512xf32>
    %reduce_sum3A_25 = arith.constant dense<0.000000e+00> : vector<512xf32>
    %reduce_sum3A_26 = vector.multi_reduction <add>, %mul3A_24, %reduce_sum3A_25 [1] : vector<512x512xf32> to vector<512xf32>
    %broadcast_in_dim3A_27 = vector.shape_cast %reduce_sum3A_26 : vector<512xf32> to vector<512x1xf32>
    %div3A_28 = arith.constant 5.120000e+02 : f32
    %div3A_29 = vector.broadcast %div3A_28 : f32 to vector<512x1xf32>
    %div3A_30 = arith.divf %broadcast_in_dim3A_27, %div3A_29 : vector<512x1xf32>
    %add3A_31 = arith.constant 9.99999997E-7 : f32
    %add3A_32 = vector.broadcast %add3A_31 : f32 to vector<512x1xf32>
    %add3A_33 = arith.addf %div3A_30, %add3A_32 : vector<512x1xf32>
    %rsqrt3A_34 = math.rsqrt %add3A_33 : vector<512x1xf32>
    %mul3A_35 = vector.broadcast %rsqrt3A_34 : vector<512x1xf32> to vector<512x512xf32>
    %mul3A_36 = arith.mulf %dot_general3A_19, %mul3A_35 : vector<512x512xf32>
    %broadcast_in_dim3A_37 = vector.shape_cast %get3A_23 : vector<512xf32> to vector<1x512xf32>
    %mul3A_38 = vector.broadcast %broadcast_in_dim3A_37 : vector<1x512xf32> to vector<512x512xf32>
    %mul3A_39 = arith.mulf %mul3A_38, %mul3A_36 : vector<512x512xf32>
    %neg3A = arith.constant 0.000000e+00 : f32
    %neg3A_40 = vector.broadcast %neg3A : f32 to vector<512x512xf32>
    %neg3A_41 = arith.subf %neg3A_40, %mul3A_39 : vector<512x512xf32>
    %exp3A = math.exp %neg3A_41 : vector<512x512xf32>
    %add3A_42 = arith.constant 1.000000e+00 : f32
    %add3A_43 = vector.broadcast %add3A_42 : f32 to vector<512x512xf32>
    %add3A_44 = arith.addf %add3A_43, %exp3A : vector<512x512xf32>
    %div3A_45 = arith.constant 1.000000e+00 : f32
    %div3A_46 = vector.broadcast %div3A_45 : f32 to vector<512x512xf32>
    %div3A_47 = arith.divf %div3A_46, %add3A_44 : vector<512x512xf32>
    %mul3A_48 = arith.mulf %mul3A_39, %div3A_47 : vector<512x512xf32>
    %get3A_49 = arith.constant 0 : index
    %get3A_50 = arith.constant 0 : index
    %get3A_51 = vector.load %arg5[%get3A_49, %get3A_50] : memref<3x512xf32, #tpu.memory_space<vmem>>, vector<3x512xf32>
    %dot_general3A_52 = arith.constant dense<0.000000e+00> : vector<512x3xf32>
    %dot_general3A_53 = tpu.matmul %mul3A_48, %get3A_51, %dot_general3A_52 {dimension_numbers = #tpu.dot_dimension_numbers<[1], [1], [0], [0], [0, 0, 1, 0], [], []>, transpose_lhs_hint = false} : vector<512x512xf32>, vector<3x512xf32>, vector<512x3xf32> -> vector<512x3xf32>
    %swap3A = arith.constant 0 : index
    %swap3A_54 = arith.constant 0 : index
    %swap3A_55 = arith.constant 0 : index
    %swap3A_56 = vector.load %arg6[%swap3A, %swap3A_54, %swap3A_55] : memref<1x512x3xf32, #tpu.memory_space<vmem>>, vector<1x512x3xf32>
    %swap3A_57 = vector.shape_cast %swap3A_56 : vector<1x512x3xf32> to vector<512x3xf32>
    %swap3A_58 = vector.shape_cast %dot_general3A_53 : vector<512x3xf32> to vector<1x512x3xf32>
    tpu.vector_store %arg6[%swap3A, %swap3A_54, %swap3A_55], %swap3A_58 {strides = array<i32>} : memref<1x512x3xf32, #tpu.memory_space<vmem>>, vector<1x512x3xf32>,
    return
  }
  func.func @transform_0(%arg0: i32) -> (i32, i32) {
    %c0_i32 = arith.constant 0 : i32
    %c0_i32_0 = arith.constant 0 : i32
    return %arg0, %c0_i32 : i32, i32
  }
  func.func @transform_1(%arg0: i32) -> (i32, i32) {
    %c0_i32 = arith.constant 0 : i32
    %c0_i32_0 = arith.constant 0 : i32
    %c0_i32_1 = arith.constant 0 : i32
    return %c0_i32, %c0_i32_0 : i32, i32
  }
  func.func @transform_2(%arg0: i32) -> (i32, i32) {
    %c0_i32 = arith.constant 0 : i32
    %c0_i32_0 = arith.constant 0 : i32
    %c0_i32_1 = arith.constant 0 : i32
    return %c0_i32, %c0_i32_0 : i32, i32
  }
  func.func @transform_3(%arg0: i32) -> (i32, i32) {
    %c0_i32 = arith.constant 0 : i32
    %c0_i32_0 = arith.constant 0 : i32
    %c0_i32_1 = arith.constant 0 : i32
    return %c0_i32, %c0_i32_0 : i32, i32
  }
  func.func @transform_4(%arg0: i32) -> (i32, i32) {
    %c0_i32 = arith.constant 0 : i32
    %c0_i32_0 = arith.constant 0 : i32
    %c0_i32_1 = arith.constant 0 : i32
    return %c0_i32, %c0_i32_0 : i32, i32
  }
  func.func @transform_5(%arg0: i32) -> (i32, i32, i32) {
    %c0_i32 = arith.constant 0 : i32
    %c0_i32_0 = arith.constant 0 : i32
    %c0_i32_1 = arith.constant 0 : i32
    return %arg0, %c0_i32, %c0_i32_0 : i32, i32, i32
  }
}

</mosaic_0001>

<sc_bundles>
// kernel: kernel.10.cloned.1.call-start
scs
__scs_entry_jumppad:
0x0: {  	(pc) =	sbr.rel $0x88, $3  }
0x1: {  	(tag) =	ssettag $0x0;
	lr =	simm.s32 $0x1  }
0x2: {  	[smem:$0x3F96] =	sst lr;
	_ =	strace $0xD0000000  }
0x3: {  	_ = 	snop  }
0x4: {  	_ = 	snop  }
0x5: {  	_ = 	snop  }
0x6: {  	_ = 	snop  }
0x7: {  	_ = 	snop  }
__scs_overlays_trampoline_lowered:
0x8: {  	[smem:$0x3FA5] =	sst s0  }
0x9: {  	[smem:$0x3FA6] =	sst s1  }
0xa: {  	[smem:$0x3FA7] =	sst s2  }
0xb: {  	[smem:$0x3FA8] =	sst s3  }
0xc: {  	[smem:$0x3FA9] =	sst s4  }
0xd: {  	[smem:$0x3FAA] =	sst s5  }
0xe: {  	[smem:$0x3FAB] =	sst s6  }
0xf: {  	[smem:$0x3FAC] =	sst s7  }
0x10: {  	[smem:$0x3FAD] =	sst s8  }
0x11: {  	[smem:$0x3FAE] =	sst s9;
	s0 =	simm.s32 @!p0 $0x0  }
0x12: {  	s1 =	sld [smem:$0x3F94];
	s0 =	simm.s32 @p0 $0x1  }
0x13: {  	[smem:$0x3FAF] =	sst s0;
	s0 =	simm.s32 @!p1 $0x0  }
0x14: {  	s2 =	sld [smem:$0x3F93];
	s0 =	simm.s32 @p1 $0x1  }
0x15: {  	[smem:$0x3FB0] =	sst s0;
	s0 =	simm.s32 @!p2 $0x0  }
0x16: {  	s3 =	sld [smem:$0x3FDB];
	s0 =	simm.s32 @p2 $0x1  }
0x17: {  	s4 =	simm.s32 $0x1BF5;
	[smem:$0x3FB2] =	sst s0  }
0x18: {  	s0 =	sld [smem:$0x3F95];
	_ =	swait.ge [sflag:s4], $0x0  }
0x19: {  	s7 =	sld [smem:$0x3F96]  }
0x1a: {  	s8 =	sadd.s32 $0xFFFFE003, lr  }
0x1b: {  	s9 =	sadd.s32 $0xFFFFFEF7, lr;
	s5 =	simm.s32 $0xFFFFFFFF;
	p2 =	slt.u32 s8, $0xFFFFF086  }
0x1c: {  	p1 =	slt.u32 s9, $0xF7A;
	s5 =	simm.s32 @!p2 $0x0  }
0x1d: {  	s5 =	simm.s32 @p1 $0x1;
	p0 =	seq.s32 s7, s2  }
0x1e: {  	s7 =	smul.u32 @!p0 $0xF7A, s2;
	p2 =	seq.s32 @!p0 s5, $0x0  }
0x1f: {  	s9 =	smul.u32 $0xF7A, s1;
	s8 =	simm.s32 @!p0 $0x1BF5;
	p2 =	por !p2, p0  }
0x20: {  	[sflag:s8] =	ssyncset.s32 @!p0 $0xFFFFF086;
	s6 =	sadd.s32 @!p0 s3, s7;
	s7 =	simm.s32 @!p0 $0x108  }
0x21: {  	s3 =	sadd.s32 s3, s9;
	s6 =	sadd.s32 @!p0 $0x88, s6;
	s7 =	simm.s32 @p2 $0x1082  }
0x22: {  	[simem:s7], [sflag:s8] =	dma.local @!p0 [hbm:s6], $0xF7A  }
0x23: {  	s9 =	sor.u32 $0xD0000000, s2;
	s6 =	simm.s32 $0x108;
	_ =	swait.ge @!p0 [sflag:s8], $0x0  }
0x24: {  	s3 =	sadd.s32 $0x88, s3;
	s6 =	simm.s32 @!p1 $0x1082;
	[sflag:s4] =	ssyncset.s32 $0xFFFFF086  }
0x25: {  	[simem:s6], [sflag:s4] =	dma.local [hbm:s3], $0xF7A  }
0x26: {  	[smem:$0x3F96] =	sst s1;
	(tag) =	ssettag s2;
	_ =	strace s9  }
0x27: {  	s1 =	sld [smem:$0x3FA6]  }
0x28: {  	s2 =	sld [smem:$0x3FA7]  }
0x29: {  	s4 =	sld [smem:$0x3FA9]  }
0x2a: {  	p0 =	seq.s32 s5, $0x0;
	s5 =	sld [smem:$0x3FAA]  }
0x2b: {  	s6 =	sld [smem:$0x3FAB]  }
0x2c: {  	s7 =	sld [smem:$0x3FAC]  }
0x2d: {  	s3 =	simm.s32 $0x108;
	s8 =	sld [smem:$0x3FAD]  }
0x2e: {  	s3 =	simm.s32 @!p0 $0x1082;
	s9 =	sld [smem:$0x3FAE]  }
0x2f: {  	lr =	sadd.s32 s0, s3;
	s0 =	sld [smem:$0x3FA5]  }
0x30: {  	s3 =	sld [smem:$0x3FA8]  }
0x31: {  	[smem:$0x3FB1] =	sst s10  }
0x32: {  	s10 =	sld [smem:$0x3FAF];
	_ =	sdelay $0x3  }
0x33: {  	p0 =	seq.s32 s10, $0x1;
	s10 =	sld [smem:$0x3FB1];
	_ =	sdelay $0x3  }
0x34: {  	[smem:$0x3FB1] =	sst s10  }
0x35: {  	s10 =	sld [smem:$0x3FB0];
	_ =	sdelay $0x3  }
0x36: {  	p1 =	seq.s32 s10, $0x1;
	s10 =	sld [smem:$0x3FB1];
	_ =	sdelay $0x3  }
0x37: {  	[smem:$0x3FB1] =	sst s10  }
0x38: {  	s10 =	sld [smem:$0x3FB2]  }
0x39: {  	_ = 	snop;
	(pc) =	sbr.ind lr, $3  }
0x3a: {  	_ = 	snop  }
0x3b: {  	_ = 	snop  }
0x3c: {  	p2 =	seq.s32 s10, $0x1;
	s10 =	sld [smem:$0x3FB1]  }
0x3d: {  	_ =	shalt  }
0x3e: {  	_ =	shalt  }
0x3f: {  	_ =	shalt  }
0x40: {  	_ =	shalt  }
0x41: {  	_ =	shalt  }
0x42: {  	_ =	shalt  }
0x43: {  	_ =	shalt  }
0x44: {  	_ =	shalt  }
0x45: {  	_ =	shalt  }
0x46: {  	_ =	shalt  }
0x47: {  	_ =	shalt  }
0x48: {  	_ =	shalt  }
0x49: {  	_ =	shalt  }
0x4a: {  	_ =	shalt  }
0x4b: {  	_ =	shalt  }
0x4c: {  	_ =	shalt  }
0x4d: {  	_ =	shalt  }
0x4e: {  	_ =	shalt  }
0x4f: {  	_ =	shalt  }
0x50: {  	_ =	shalt  }
0x51: {  	_ =	shalt  }
0x52: {  	_ =	shalt  }
0x53: {  	_ =	shalt  }
0x54: {  	_ =	shalt  }
0x55: {  	_ =	shalt  }
0x56: {  	_ =	shalt  }
0x57: {  	_ =	shalt  }
0x58: {  	_ =	shalt  }
0x59: {  	_ =	shalt  }
0x5a: {  	_ =	shalt  }
0x5b: {  	_ =	shalt  }
0x5c: {  	_ =	shalt  }
0x5d: {  	_ =	shalt  }
0x5e: {  	_ =	shalt  }
0x5f: {  	_ =	shalt  }
0x60: {  	_ =	shalt  }
0x61: {  	_ =	shalt  }
0x62: {  	_ =	shalt  }
0x63: {  	_ =	shalt  }
0x64: {  	_ =	shalt  }
0x65: {  	_ =	shalt  }
0x66: {  	_ =	shalt  }
0x67: {  	_ =	shalt  }
0x68: {  	_ =	shalt  }
0x69: {  	_ =	shalt  }
0x6a: {  	_ =	shalt  }
0x6b: {  	_ =	shalt  }
0x6c: {  	_ =	shalt  }
0x6d: {  	_ =	shalt  }
0x6e: {  	_ =	shalt  }
0x6f: {  	_ =	shalt  }
0x70: {  	_ =	shalt  }
0x71: {  	_ =	shalt  }
0x72: {  	_ =	shalt  }
0x73: {  	_ =	shalt  }
0x74: {  	_ =	shalt  }
0x75: {  	_ =	shalt  }
0x76: {  	_ =	shalt  }
0x77: {  	_ =	shalt  }
0x78: {  	_ =	shalt  }
0x79: {  	_ =	shalt  }
0x7a: {  	_ =	shalt  }
0x7b: {  	_ =	shalt  }
0x7c: {  	_ =	shalt  }
0x7d: {  	_ =	shalt  }
0x7e: {  	_ =	shalt  }
0x7f: {  	_ =	shalt  }
0x80: {  	_ =	shalt  }
0x81: {  	_ =	shalt  }
0x82: {  	_ =	shalt  }
0x83: {  	_ =	shalt  }
0x84: {  	_ =	shalt  }
0x85: {  	_ =	shalt  }
0x86: {  	_ =	shalt  }
0x87: {  	_ =	shalt  }
.Lfunc_end0:
.L_simem_size_0:
called_computation.1_lowered:
.L_overlay_start_0:
0x88: {  	s2 =	sld [smem:$0x3FD9]  }
0x89: {  	s3 =	sld [smem:$0x3FFE];
	_ =	sdelay $0x1  }
0x8a: {  	s1 =	srdreg.scid  }
0x8b: {  	s0 =	sand.u32 $0x1, s1  }
0x8c: {  	s17 =	sshll.u32 s0, $0xA;
	s2 =	sadd.s32 s3, s2  }
0x8d: {  	s2 =	sadd.s32 s2, s17  }
0x8e: {  	[smem:$0x3FBD] =	sst s2  }
0x8f: {  	_ = 	snop  }
0x90: {  	s18 =	sld [smem:$0x3FD0];
	(tm) =	ssettm $0x1  }
0x91: {  	s19 =	sld [smem:$0x3FFB];
	_ =	sdelay $0x3  }
0x92: {  	_ =	strace s19  }
0x93: {  	s2 =	sld [smem:$0x3FFC];
	_ =	sdelay $0x3  }
0x94: {  	_ =	strace s2  }
0x95: {  	s2 =	sld [smem:$0x3FFD];
	_ =	sdelay $0x3  }
0x96: {  	_ =	strace s2  }
0x97: {  	_ =	strace $0x8FFFFFFF  }
0x98: {  	s20 =	sld [smem:$0x3FDB];
	_ =	sdelay $0x1  }
0x99: {  	s4 =	simm.s32 $_scs_section_size  }
0x9a: {  	s5 =	simm.s32 $_size__tile_overlayer_lowered;
	s6 =	simm.s32 $_tile_overlayer_lowered  }
0x9b: {  	s7 =	simm.s32 $0x1BFF;
	s21 =	sshll.u32 s6, $0x1;
	s4 =	sadd.s32 s4, s20  }
0x9c: {  	s22 =	simm.s32 $0x0;
	s5 =	sshll.u32 s5, $0x1;
	s6 =	sadd.s32 s21, s4  }
0x9d: {  	[timem:s22], [sflag:s7] =	dma.local [hbm:s6], s5  }
0x9e: {  	_ =	swait.ge [sflag:s7], s5  }
0x9f: {  	s5 =	ssub.s32 $0x0, s5;
	[sflag:s7] =	ssyncset.done $0x0  }
0xa0: {  	[sflag:s7] =	ssyncadd.s32 s5;
	_ =	sdelay $0x1  }
0xa1: {  	s23 =	simm.s32 $0x1B8B  }
0xa2: {  	_ =	swait.ge [sflag:s23], $0x1  }
0xa3: {  	[sflag:s23] =	ssyncset.done $0x0  }
0xa4: {  	[sflag:s23] =	ssyncadd.s32 $0xFFFFFFFF  }
0xa5: {  	s5 =	sld [smem:$0x0]  }
0xa6: {  	s6 =	sand.u32 $0xFFFFFFFE, s1  }
0xa7: {  	p0 =	sne.s32 s1, s6  }
0xa8: {  	s6 =	sshll.u32 @p0 s6, $0xE  }
0xa9: {  	s6 =	sadd.s32 @p0 $0x11B8D, s6;
	s7 =	sshll.u32 @p0 s5, $0x11  }
0xaa: {  	s6 =	sor.u32 @p0 s7, s6  }
0xab: {  	[sflag:s6] =	ssyncadd.remote.s32 @p0 $0x1;
	_ =	sdelay $0x1  }
0xac: {  	s6 =	simm.s32 @p0 $0x1B8D  }
0xad: {  	_ =	swait.eq @p0 [sflag:s6], $0x1  }
0xae: {  	[sflag:s6] =	ssyncadd.s32 @p0 $0xFFFFFFFF  }
0xaf: {  	s7 =	sshll.u32 @!p0 s1, $0xE  }
0xb0: {  	s7 =	sor.u32 @!p0 $0x4000, s7;
	s6 =	simm.s32 @!p0 $0x1B8D  }
0xb1: {  	s5 =	sshll.u32 @!p0 s5, $0x11;
	s7 =	sadd.s32 @!p0 $0x11B8D, s7;
	_ =	swait.eq @!p0 [sflag:s6], $0x1  }
0xb2: {  	s5 =	sor.u32 @!p0 s5, s7;
	[sflag:s6] =	ssyncadd.s32 @!p0 $0xFFFFFFFF  }
0xb3: {  	s25 =	simm.s32 $0x1B8E;
	s24 =	sld [smem:$0x3FFE];
	[sflag:s5] =	ssyncadd.remote.s32 @!p0 $0x1  }
0xb4: {  	s26 =	simm.s32 $execute0_lowered;
	[smem:$0x3FD2] =	sst s25  }
0xb5: {  	s6 =	sshll.u32 s26, $0x1;
	_ =	strace $0x80000049;
	[dreg:$0x1] =	wrdreg $0xFFFFFFFF  }
0xb6: {  	s28 =	simm.s32 $_size_execute0_lowered;
	s4 =	sadd.s32 s4, s6;
	[dreg:$0x0] =	wrdreg $0x0  }
0xb7: {  	s6 =	sshll.u32 s28, $0x1;
	[dreg:$0x2] =	wrdreg s4  }
0xb8: {  	[dreg:$0x3] =	wrdreg s6  }
0xb9: {  	[dreg:$0x4] =	wrdreg $0xC0  }
0xba: {  	_ =	task [dreg:s22], $0x5FFFF  }
0xbb: {  	[dreg:$0x1] =	wrdreg $0xFFFFFFFF  }
0xbc: {  	[dreg:$0x0] =	wrdreg $0x60  }
0xbd: {  	[dreg:$0x2] =	wrdreg s24  }
0xbe: {  	[dreg:$0x3] =	wrdreg s18  }
0xbf: {  	[dreg:$0x4] =	wrdreg $0x129000  }
0xc0: {  	[dreg:$0x5] =	wrdreg $0xA  }
0xc1: {  	_ =	task.clear_ibuf [dreg:s22], $0x6FFFF;
	_ =	strace $0x90000049  }
0xc2: {  	s29 =	simm.s32 $0xA;
	_ =	strace $0x8000004B  }
0xc3: {  	_ =	swait.ge [sflag:s29], $0x1  }
0xc4: {  	[sflag:s29] =	ssyncadd.s32 $0xFFFFFFFF  }
0xc5: {  	_ =	strace $0x9000004B  }
0xc6: {  	_ =	sfence  }
0xc7: {  	s30 =	sld [smem:$0x0];
	_ =	sdelay $0x2  }
0xc8: {  	s31 =	sshll.u32 s1, $0xD;
	s1 =	sshrl.u32 s1, $0x2  }
0xc9: {  	s4 =	sand.u32 $0x4000, s31;
	s1 =	sadd.s32 s1, s30  }
0xca: {  	s0 =	sor.u32 s4, s0;
	s1 =	sshll.u32 s1, $0x11  }
0xcb: {  	s0 =	sor.u32 s1, s0  }
0xcc: {  	s0 =	sadd.s32 $0x8F2B, s0  }
0xcd: {  	[sflag:s0] =	ssyncadd.remote.s32 $0x1  }
0xce: {  	_ =	sfence.sel $0xFFFF  }
0xcf: {  	[dreg:$0x0] =	wrdreg $0xFFFFFFFF;
	(pc) =	sbr.abs _section_cstart, $3  }
0xd0: {  	[dreg:$0x1] =	wrdreg $0xFFFFFFFF  }
0xd1: {  	_ =	task.clear_ibuf [dreg:s22], $0x2FFFF;
	_ =	strace $0x9FFFFFFF  }
0xd2: {  	(tm) =	ssettm $0x7FFFFFFF  }
0xd3: {  	_ =	shalt  }
tec
execute0_lowered:
.L_overlay_start_1:
0x0: {  	(tag) =	ssettag $0x1  }
0x1: {  	s0 =	rddreg [dreg:$0x0]  }
0x2: {  	s1 =	rddreg [dreg:$0x1]  }
0x3: {  	s2 =	rddreg [dreg:$0x2]  }
0x4: {  	s3 =	srdreg.scid;
	s12 =	stileid.u32;
	s14 =	simm.s32 $0x4900  }
0x5: {  	s15 =	simm.s32 $0x5100;
	s28 =	simm.s32 $0x6100;
	s30 =	simm.s32 $0x7900  }
0x6: {  	s31 =	simm.s32 $0x8100;
	s13 =	simm.s32 $0x8900;
	s29 =	simm.s32 $0xC100  }
0x7: {  	s5 =	sand.u32 $0x1, s3;
	s3 =	simm.s32 $0x0;
	s6 =	sshll.u32 s12, $0x9  }
0x8: {  	s11 =	sshrl.u32 s12, $0x2;
	s21 =	smul.u32 $0x4040, s12;
	p0 =	sgt.u32 s12, $0x3  }
0x9: {  	s4 =	sshll.u32 s5, $0xB;
	[smem:$0x7FF] =	sst s3;
	s8 =	sshll.u32 s5, $0x2  }
0xa: {  	s5 =	ssub.s32 $0x2, s5;
	s16 =	smul.u32 $0x4040, s11;
	s4 =	sadd.s32 s6, s4  }
0xb: {  	_ =	strace $0x8000004A;
	s9 =	sadd.s32 s12, s8;
	s10 =	sshrl.u32 s5, $0x1  }
0xc: {  	s6 =	sand.u32 $0x600, s6;
	s8 =	sor.u32 s11, s8;
	s11 =	simm.s32 $0x3900  }
0xd: {  	s12 =	simm.s32 $0x4100;
	s7 =	sadd.s32 s4, s0;
	s4 =	sadd.s32 $0x62E00, s0  }
0xe: {  	s9 =	sshll.u32 s9, $0x8;
	s5 =	ssub.s32 s5, s10;
	s8 =	sshll.u32 s8, $0x10  }
0xf: {  	s18 =	sshll.u32 s6, $0x5;
	s0 =	sadd.s32 s9, s0;
	s17 =	sadd.s32 $0x73000, s7  }
0x10: {  	s9 =	sshrl.u32 s16, $0x2;
	s7 =	sadd.s32 $0x74000, s7;
	s8 =	sor.u32 s18, s8  }
0x11: {  	s18 =	simm.s32 $0x3;
	s16 =	simm.s32 $0x5900;
	[dreg:$0x4] =	wrdreg s17  }
0x12: {  	[dreg:$0x5] =	wrdreg s7;
	s19 =	sadd.s32 s9, s2;
	s20 =	sadd.s32 s1, s8  }
0x13: {  	s1 =	sshrl.u32 s21, $0x2;
	s0 =	sadd.s32 $0x75000, s0;
	s17 =	smax.u32 s5, $0x1  }
0x14: {  	s7 =	simm.s32 $0x6900;
	s8 =	simm.s32 $0x7100;
	[dreg:$0x7] =	wrdreg s20  }
0x15: {  	s21 =	simm.s32 $0x9900;
	s24 =	sadd.s32 $0x1000, s20;
	[dreg:$0xf] =	wrdreg s0  }
0x16: {  	s6 =	sadd.s32 s6, s19;
	s25 =	sadd.s32 $0x2000, s20;
	[dreg:$0xa] =	wrdreg s24  }
0x17: {  	s26 =	sadd.s32 $0x3000, s20;
	s1 =	sadd.s32 s1, s2;
	[dreg:$0x6] =	wrdreg s6  }
0x18: {  	s20 =	simm.s32 $0x80;
	s19 =	simm.s32 $0x2;
	[dreg:$0xc] =	wrdreg s25  }
.Ltmp0:
0x19: {  	s22 =	sadd.s32 $0x80, s6;
	[dreg:$0xd] =	wrdreg s26;
	(pc) =	sbr.rel .LBB2_1-.Ltmp0, $4  }
0x1a: {  	s23 =	sadd.s32 $0x100, s6;
	s6 =	sadd.s32 $0x180, s6;
	[dreg:$0xe] =	wrdreg s1  }
0x1b: {  	v2 =	vlaneseq.u32;
	s24 =	simm.s32 $0x2080;
	s1 =	simm.s32 $0xA100;
	[dreg:$0x8] =	wrdreg s22  }
0x1c: {  	vm0 =	vmmov $0xffff;
	v1 =	vshrl.u32 v2, $0x3;
	s25 =	simm.s32 $0xB100;
	s26 =	simm.s32 $0xB900;
	[dreg:$0x9] =	wrdreg s23  }
0x1d: {  	v0 =	vand.u32 $0x7, v2;
	v2 =	vor.u32 $0x8, v2;
	v1 =	vmul.u32 $0x8, v1;
	[dreg:$0xb] =	wrdreg s6;
	s22 =	simm.s32 $0x1;
	s23 =	simm.s32 $0x9100  }
.LBB2_3:
0x1e: {  	[bflag:$0x0] =	sbarrier.arrive $0xFFFF  }
0x1f: {  	s6 =	simm.s32 $0x2000;
	s5 =	rddreg [dreg:$0x6]  }
0x20: {  	[tilespmem:s6], [sflag:$0x3] =	stream.linear.gather [spmem:s5], $0x80, $0x38;
	[tilespmem:$0x12D08] =	vst v63  }
0x21: {  	_ =	swait.ge [sflag:s18], $0x80  }
0x22: {  	[sflag:s18] =	ssyncset.done $0x0  }
0x23: {  	[sflag:s18] =	ssyncadd.s32 $0xFFFFFF80  }
0x24: {  	v3 =	vld [tilespmem:$0x2000];
	_ =	sdelay $0x1  }
0x25: {  	v4 =	vld [tilespmem:$0x2010]  }
0x26: {  	v5 =	vld [tilespmem:$0x2020]  }
0x27: {  	v7 =	vld [tilespmem:$0x2040]  }
0x28: {  	v6 =	vld [tilespmem:$0x2030];
	v3 =	vand.u32 $0xFFF, v3  }
0x29: {  	v3 =	vmin.u32 v3, $0x800  }
0x2a: {  	v8 =	vld [tilespmem:$0x2050];
	v4 =	vand.u32 $0xFFF, v4;
	v9 =	vshll.u32 v3, $0x1  }
0x2b: {  	v10 =	vld [tilespmem:$0x2060];
	v5 =	vand.u32 $0xFFF, v5;
	v11 =	vand.u32 $0x7, v3;
	v9 =	vand.u32 $0x1FF0, v9  }
0x2c: {  	v30 =	vld [tilespmem:$0x2070];
	v31 =	vand.u32 $0xFFF, v7;
	[tilespmem:$0x2000] =	vst v3;
	v3 =	vmin.u32 v4, $0x800;
	v9 =	vor.u32 v11, v9  }
0x2d: {  	v29 =	vmin.u32 v5, $0x800;
	[tilespmem:$0x2010] =	vst v3;
	v3 =	vand.u32 $0xFFF, v6;
	v32 =	vperm.xlane v9, v0  }
0x2e: {  	v33 =	vmin.u32 v31, $0x800;
	[tilespmem:$0x2020] =	vst v29;
	v3 =	vmin.u32 v3, $0x800  }
0x2f: {  	[tilespmem:$0x2030] =	vst v3;
	v3 =	vand.u32 $0xFFF, v8;
	v35 =	vperm.xlane v9, v2;
	v34 =	vadd.s32 v1, v32  }
0x30: {  	v36 =	vand.u32 $0xFFF, v10;
	[tilespmem:$0x2040] =	vst v33;
	v3 =	vmin.u32 v3, $0x800  }
0x31: {  	v37 =	vand.u32 $0xFFF, v30;
	[tilespmem:$0x2050] =	vst v3;
	v3 =	vmin.u32 v36, $0x800;
	v38 =	vadd.s32 v1, v35  }
0x32: {  	[tilespmem:$0x2060] =	vst v3;
	v3 =	vmin.u32 v37, $0x800  }
0x33: {  	s0 =	simm.s32 $0x2100;
	[tilespmem:$0x2070] =	vst v3  }
0x34: {  	[tilespmem:s0], [sflag:$0x1] =	stream.indirect_vreg.gather [hbm4b:s4+s3], $0x80, v34, vm0, $0xb8;
	[tilespmem:$0x12D08] =	vst v63  }
0x35: {  	s9 =	simm.s32 $0x2900  }
0x36: {  	[tilespmem:s9], [sflag:$0x1] =	stream.indirect_vreg.gather [hbm4b:s4+s3], $0x80, v38, vm0, $0xb8;
	[tilespmem:$0x12D08] =	vst v63  }
0x37: {  	v3 =	vld [tilespmem:$0x2010];
	_ =	sdelay $0x4  }
0x38: {  	v39 =	vshll.u32 v3, $0x1  }
0x39: {  	v3 =	vand.u32 $0x7, v3;
	v4 =	vand.u32 $0xFFFFFFF0, v39  }
0x3a: {  	v3 =	vor.u32 v3, v4  }
0x3b: {  	v4 =	vperm.xlane v3, v0;
	_ =	sdelay $0x1  }
0x3c: {  	v3 =	vperm.xlane v3, v2;
	v4 =	vadd.s32 v1, v4;
	_ =	sdelay $0x1  }
0x3d: {  	v3 =	vadd.s32 v1, v3;
	_ =	sdelay $0x1  }
0x3e: {  	s10 =	simm.s32 $0x3100  }
0x3f: {  	[tilespmem:s10], [sflag:$0x1] =	stream.indirect_vreg.gather [hbm4b:s4+s3], $0x80, v4, vm0, $0xb8;
	[tilespmem:$0x12D08] =	vst v63  }
0x40: {  	_ = 	snop  }
0x41: {  	[tilespmem:s11], [sflag:$0x1] =	stream.indirect_vreg.gather [hbm4b:s4+s3], $0x80, v3, vm0, $0xb8;
	[tilespmem:$0x12D08] =	vst v63  }
0x42: {  	v3 =	vld [tilespmem:$0x2020];
	_ =	sdelay $0x4  }
0x43: {  	v40 =	vshll.u32 v3, $0x1  }
0x44: {  	v3 =	vand.u32 $0x7, v3;
	v4 =	vand.u32 $0xFFFFFFF0, v40  }
0x45: {  	v3 =	vor.u32 v3, v4  }
0x46: {  	v4 =	vperm.xlane v3, v0;
	_ =	sdelay $0x1  }
0x47: {  	v3 =	vperm.xlane v3, v2;
	v4 =	vadd.s32 v1, v4;
	_ =	sdelay $0x1  }
0x48: {  	v3 =	vadd.s32 v1, v3;
	_ =	sdelay $0x2  }
0x49: {  	[tilespmem:s12], [sflag:$0x1] =	stream.indirect_vreg.gather [hbm4b:s4+s3], $0x80, v4, vm0, $0xb8;
	[tilespmem:$0x12D08] =	vst v63  }
0x4a: {  	_ = 	snop  }
0x4b: {  	[tilespmem:s14], [sflag:$0x1] =	stream.indirect_vreg.gather [hbm4b:s4+s3], $0x80, v3, vm0, $0xb8;
	[tilespmem:$0x12D08] =	vst v63  }
0x4c: {  	v3 =	vld [tilespmem:$0x2030];
	_ =	sdelay $0x4  }
0x4d: {  	v41 =	vshll.u32 v3, $0x1  }
0x4e: {  	v3 =	vand.u32 $0x7, v3;
	v4 =	vand.u32 $0xFFFFFFF0, v41  }
0x4f: {  	v3 =	vor.u32 v3, v4  }
0x50: {  	v4 =	vperm.xlane v3, v0;
	_ =	sdelay $0x1  }
0x51: {  	v3 =	vperm.xlane v3, v2;
	v4 =	vadd.s32 v1, v4;
	_ =	sdelay $0x1  }
0x52: {  	v3 =	vadd.s32 v1, v3;
	_ =	sdelay $0x2  }
0x53: {  	[tilespmem:s15], [sflag:$0x1] =	stream.indirect_vreg.gather [hbm4b:s4+s3], $0x80, v4, vm0, $0xb8;
	[tilespmem:$0x12D08] =	vst v63  }
0x54: {  	_ = 	snop  }
0x55: {  	[tilespmem:s16], [sflag:$0x1] =	stream.indirect_vreg.gather [hbm4b:s4+s3], $0x80, v3, vm0, $0xb8;
	[tilespmem:$0x12D08] =	vst v63  }
0x56: {  	v3 =	vld [tilespmem:$0x2040];
	_ =	sdelay $0x4  }
0x57: {  	v42 =	vshll.u32 v3, $0x1  }
0x58: {  	v3 =	vand.u32 $0x7, v3;
	v4 =	vand.u32 $0xFFFFFFF0, v42  }
0x59: {  	v3 =	vor.u32 v3, v4  }
0x5a: {  	v4 =	vperm.xlane v3, v0;
	_ =	sdelay $0x1  }
0x5b: {  	v3 =	vperm.xlane v3, v2;
	v4 =	vadd.s32 v1, v4;
	_ =	sdelay $0x1  }
0x5c: {  	v3 =	vadd.s32 v1, v3;
	_ =	sdelay $0x2  }
0x5d: {  	[tilespmem:s28], [sflag:$0x1] =	stream.indirect_vreg.gather [hbm4b:s4+s3], $0x80, v4, vm0, $0xb8;
	[tilespmem:$0x12D08] =	vst v63  }
0x5e: {  	_ = 	snop  }
0x5f: {  	[tilespmem:s7], [sflag:$0x1] =	stream.indirect_vreg.gather [hbm4b:s4+s3], $0x80, v3, vm0, $0xb8;
	[tilespmem:$0x12D08] =	vst v63  }
0x60: {  	v3 =	vld [tilespmem:$0x2050];
	_ =	sdelay $0x4  }
0x61: {  	v43 =	vshll.u32 v3, $0x1  }
0x62: {  	v3 =	vand.u32 $0x7, v3;
	v4 =	vand.u32 $0xFFFFFFF0, v43  }
0x63: {  	v3 =	vor.u32 v3, v4  }
0x64: {  	v4 =	vperm.xlane v3, v0;
	_ =	sdelay $0x1  }
0x65: {  	v3 =	vperm.xlane v3, v2;
	v4 =	vadd.s32 v1, v4;
	_ =	sdelay $0x1  }
0x66: {  	v3 =	vadd.s32 v1, v3;
	_ =	sdelay $0x2  }
0x67: {  	[tilespmem:s8], [sflag:$0x1] =	stream.indirect_vreg.gather [hbm4b:s4+s3], $0x80, v4, vm0, $0xb8;
	[tilespmem:$0x12D08] =	vst v63  }
0x68: {  	_ = 	snop  }
0x69: {  	[tilespmem:s30], [sflag:$0x1] =	stream.indirect_vreg.gather [hbm4b:s4+s3], $0x80, v3, vm0, $0xb8;
	[tilespmem:$0x12D08] =	vst v63  }
0x6a: {  	v3 =	vld [tilespmem:$0x2060];
	_ =	sdelay $0x4  }
0x6b: {  	v44 =	vshll.u32 v3, $0x1  }
0x6c: {  	v3 =	vand.u32 $0x7, v3;
	v4 =	vand.u32 $0xFFFFFFF0, v44  }
0x6d: {  	v3 =	vor.u32 v3, v4  }
0x6e: {  	v4 =	vperm.xlane v3, v0;
	_ =	sdelay $0x1  }
0x6f: {  	v3 =	vperm.xlane v3, v2;
	v4 =	vadd.s32 v1, v4;
	_ =	sdelay $0x1  }
0x70: {  	v3 =	vadd.s32 v1, v3;
	_ =	sdelay $0x2  }
0x71: {  	[tilespmem:s31], [sflag:$0x1] =	stream.indirect_vreg.gather [hbm4b:s4+s3], $0x80, v4, vm0, $0xb8;
	[tilespmem:$0x12D08] =	vst v63  }
0x72: {  	_ = 	snop  }
0x73: {  	[tilespmem:s13], [sflag:$0x1] =	stream.indirect_vreg.gather [hbm4b:s4+s3], $0x80, v3, vm0, $0xb8;
	[tilespmem:$0x12D08] =	vst v63  }
0x74: {  	v3 =	vld [tilespmem:$0x2070];
	_ =	sdelay $0x4  }
0x75: {  	v45 =	vshll.u32 v3, $0x1  }
0x76: {  	v3 =	vand.u32 $0x7, v3;
	v4 =	vand.u32 $0xFFFFFFF0, v45  }
0x77: {  	v3 =	vor.u32 v3, v4  }
0x78: {  	v4 =	vperm.xlane v3, v0;
	_ =	sdelay $0x1  }
0x79: {  	v3 =	vperm.xlane v3, v2;
	v4 =	vadd.s32 v1, v4;
	_ =	sdelay $0x1  }
0x7a: {  	v3 =	vadd.s32 v1, v3;
	_ =	sdelay $0x2  }
0x7b: {  	[tilespmem:s23], [sflag:$0x1] =	stream.indirect_vreg.gather [hbm4b:s4+s3], $0x80, v4, vm0, $0xb8;
	[tilespmem:$0x12D08] =	vst v63  }
0x7c: {  	_ = 	snop  }
0x7d: {  	[tilespmem:s21], [sflag:$0x1] =	stream.indirect_vreg.gather [hbm4b:s4+s3], $0x80, v3, vm0, $0xb8;
	[tilespmem:$0x12D08] =	vst v63  }
0x7e: {  	s0 =	rddreg [dreg:$0x8]  }
0x7f: {  	[tilespmem:s24], [sflag:$0x3] =	stream.linear.gather [spmem:s0], $0x80, $0x38;
	[tilespmem:$0x12D08] =	vst v63  }
0x80: {  	_ =	swait.ge [sflag:s18], $0x80  }
0x81: {  	[sflag:s18] =	ssyncset.done $0x0  }
0x82: {  	[sflag:s18] =	ssyncadd.s32 $0xFFFFFF80  }
0x83: {  	v3 =	vld [tilespmem:$0x2080];
	_ =	sdelay $0x1  }
0x84: {  	v46 =	vld [tilespmem:$0x2090]  }
0x85: {  	v47 =	vld [tilespmem:$0x20A0]  }
0x86: {  	v49 =	vld [tilespmem:$0x20C0]  }
0x87: {  	v48 =	vld [tilespmem:$0x20B0];
	v3 =	vand.u32 $0xFFF, v3  }
0x88: {  	v3 =	vmin.u32 v3, $0x800  }
0x89: {  	v50 =	vld [tilespmem:$0x20D0];
	v4 =	vand.u32 $0xFFF, v46;
	v51 =	vshll.u32 v3, $0x1  }
0x8a: {  	v52 =	vld [tilespmem:$0x20E0];
	v5 =	vand.u32 $0xFFF, v47;
	v53 =	vand.u32 $0x7, v3;
	v9 =	vand.u32 $0x1FF0, v51  }
0x8b: {  	v55 =	vld [tilespmem:$0x20F0];
	v56 =	vand.u32 $0xFFF, v49;
	[tilespmem:$0x2080] =	vst v3;
	v3 =	vmin.u32 v4, $0x800;
	v9 =	vor.u32 v53, v9  }
0x8c: {  	v54 =	vmin.u32 v5, $0x800;
	[tilespmem:$0x2090] =	vst v3;
	v3 =	vand.u32 $0xFFF, v48;
	v57 =	vperm.xlane v9, v0  }
0x8d: {  	v58 =	vmin.u32 v56, $0x800;
	[tilespmem:$0x20A0] =	vst v54;
	v3 =	vmin.u32 v3, $0x800  }
0x8e: {  	[tilespmem:$0x20B0] =	vst v3;
	v3 =	vand.u32 $0xFFF, v50;
	v60 =	vperm.xlane v9, v2;
	v59 =	vadd.s32 v1, v57  }
0x8f: {  	v61 =	vand.u32 $0xFFF, v52;
	[tilespmem:$0x20C0] =	vst v58;
	v3 =	vmin.u32 v3, $0x800  }
0x90: {  	v62 =	vand.u32 $0xFFF, v55;
	[tilespmem:$0x20D0] =	vst v3;
	v3 =	vmin.u32 v61, $0x800;
	v63 =	vadd.s32 v1, v60  }
0x91: {  	[tilespmem:$0x20E0] =	vst v3;
	v3 =	vmin.u32 v62, $0x800  }
0x92: {  	[tilespmem:$0x20F0] =	vst v3  }
0x93: {  	[tilespmem:s1], [sflag:$0x1] =	stream.indirect_vreg.gather [hbm4b:s4+s3], $0x80, v59, vm0, $0xb8;
	[tilespmem:$0x12D08] =	vst v63  }
0x94: {  	s5 =	simm.s32 $0xA900  }
0x95: {  	[tilespmem:s5], [sflag:$0x1] =	stream.indirect_vreg.gather [hbm4b:s4+s3], $0x80, v63, vm0, $0xb8;
	[tilespmem:$0x12D08] =	vst v63  }
0x96: {  	v3 =	vld [tilespmem:$0x2090];
	_ =	sdelay $0x4  }
0x97: {  	v8 =	vshll.u32 v3, $0x1  }
0x98: {  	v3 =	vand.u32 $0x7, v3;
	v4 =	vand.u32 $0xFFFFFFF0, v8  }
0x99: {  	v3 =	vor.u32 v3, v4  }
0x9a: {  	v4 =	vperm.xlane v3, v0;
	_ =	sdelay $0x1  }
0x9b: {  	v3 =	vperm.xlane v3, v2;
	v4 =	vadd.s32 v1, v4;
	_ =	sdelay $0x1  }
0x9c: {  	v3 =	vadd.s32 v1, v3;
	_ =	sdelay $0x2  }
0x9d: {  	[tilespmem:s25], [sflag:$0x1] =	stream.indirect_vreg.gather [hbm4b:s4+s3], $0x80, v4, vm0, $0xb8;
	[tilespmem:$0x12D08] =	vst v63  }
0x9e: {  	_ = 	snop  }
0x9f: {  	[tilespmem:s26], [sflag:$0x1] =	stream.indirect_vreg.gather [hbm4b:s4+s3], $0x80, v3, vm0, $0xb8;
	[tilespmem:$0x12D08] =	vst v63  }
0xa0: {  	v3 =	vld [tilespmem:$0x20A0];
	_ =	sdelay $0x4  }
0xa1: {  	v9 =	vshll.u32 v3, $0x1  }
0xa2: {  	v3 =	vand.u32 $0x7, v3;
	v4 =	vand.u32 $0xFFFFFFF0, v9  }
0xa3: {  	v3 =	vor.u32 v3, v4  }
0xa4: {  	v4 =	vperm.xlane v3, v0;
	_ =	sdelay $0x1  }
0xa5: {  	v3 =	vperm.xlane v3, v2;
	v4 =	vadd.s32 v1, v4;
	_ =	sdelay $0x1  }
0xa6: {  	v3 =	vadd.s32 v1, v3;
	_ =	sdelay $0x2  }
0xa7: {  	[tilespmem:s29], [sflag:$0x1] =	stream.indirect_vreg.gather [hbm4b:s4+s3], $0x80, v4, vm0, $0xb8;
	[tilespmem:$0x12D08] =	vst v63  }
0xa8: {  	s5 =	simm.s32 $0xC900  }
0xa9: {  	[tilespmem:s5], [sflag:$0x1] =	stream.indirect_vreg.gather [hbm4b:s4+s3], $0x80, v3, vm0, $0xb8;
	[tilespmem:$0x12D08] =	vst v63  }
0xaa: {  	v3 =	vld [tilespmem:$0x20B0];
	_ =	sdelay $0x4  }
0xab: {  	v10 =	vshll.u32 v3, $0x1  }
0xac: {  	v3 =	vand.u32 $0x7, v3;
	v4 =	vand.u32 $0xFFFFFFF0, v10  }
0xad: {  	v3 =	vor.u32 v3, v4  }
0xae: {  	v4 =	vperm.xlane v3, v0;
	_ =	sdelay $0x1  }
0xaf: {  	v3 =	vperm.xlane v3, v2;
	v4 =	vadd.s32 v1, v4;
	_ =	sdelay $0x1  }
0xb0: {  	v3 =	vadd.s32 v1, v3;
	_ =	sdelay $0x1  }
0xb1: {  	s5 =	simm.s32 $0xD100  }
0xb2: {  	[tilespmem:s5], [sflag:$0x1] =	stream.indirect_vreg.gather [hbm4b:s4+s3], $0x80, v4, vm0, $0xb8;
	[tilespmem:$0x12D08] =	vst v63  }
0xb3: {  	s5 =	simm.s32 $0xD900  }
0xb4: {  	[tilespmem:s5], [sflag:$0x1] =	stream.indirect_vreg.gather [hbm4b:s4+s3], $0x80, v3, vm0, $0xb8;
	[tilespmem:$0x12D08] =	vst v63  }
0xb5: {  	v3 =	vld [tilespmem:$0x20C0];
	_ =	sdelay $0x4  }
0xb6: {  	v11 =	vshll.u32 v3, $0x1  }
0xb7: {  	v3 =	vand.u32 $0x7, v3;
	v4 =	vand.u32 $0xFFFFFFF0, v11  }
0xb8: {  	v3 =	vor.u32 v3, v4  }
0xb9: {  	v4 =	vperm.xlane v3, v0;
	_ =	sdelay $0x1  }
0xba: {  	v3 =	vperm.xlane v3, v2;
	v4 =	vadd.s32 v1, v4;
	_ =	sdelay $0x1  }
0xbb: {  	v3 =	vadd.s32 v1, v3;
	_ =	sdelay $0x1  }
0xbc: {  	s5 =	simm.s32 $0xE100  }
0xbd: {  	[tilespmem:s5], [sflag:$0x1] =	stream.indirect_vreg.gather [hbm4b:s4+s3], $0x80, v4, vm0, $0xb8;
	[tilespmem:$0x12D08] =	vst v63  }
0xbe: {  	s5 =	simm.s32 $0xE900  }
0xbf: {  	[tilespmem:s5], [sflag:$0x1] =	stream.indirect_vreg.gather [hbm4b:s4+s3], $0x80, v3, vm0, $0xb8;
	[tilespmem:$0x12D08] =	vst v63  }
0xc0: {  	v3 =	vld [tilespmem:$0x20D0];
	_ =	sdelay $0x4  }
0xc1: {  	v12 =	vshll.u32 v3, $0x1  }
0xc2: {  	v3 =	vand.u32 $0x7, v3;
	v4 =	vand.u32 $0xFFFFFFF0, v12  }
0xc3: {  	v3 =	vor.u32 v3, v4  }
0xc4: {  	v4 =	vperm.xlane v3, v0;
	_ =	sdelay $0x1  }
0xc5: {  	v3 =	vperm.xlane v3, v2;
	v4 =	vadd.s32 v1, v4;
	_ =	sdelay $0x1  }
0xc6: {  	v3 =	vadd.s32 v1, v3;
	_ =	sdelay $0x1  }
0xc7: {  	s5 =	simm.s32 $0xF100  }
0xc8: {  	[tilespmem:s5], [sflag:$0x1] =	stream.indirect_vreg.gather [hbm4b:s4+s3], $0x80, v4, vm0, $0xb8;
	[tilespmem:$0x12D08] =	vst v63  }
0xc9: {  	s5 =	simm.s32 $0xF900  }
0xca: {  	[tilespmem:s5], [sflag:$0x1] =	stream.indirect_vreg.gather [hbm4b:s4+s3], $0x80, v3, vm0, $0xb8;
	[tilespmem:$0x12D08] =	vst v63  }
0xcb: {  	v3 =	vld [tilespmem:$0x20E0];
	_ =	sdelay $0x4  }
0xcc: {  	v13 =	vshll.u32 v3, $0x1  }
0xcd: {  	v3 =	vand.u32 $0x7, v3;
	v4 =	vand.u32 $0xFFFFFFF0, v13  }
0xce: {  	v3 =	vor.u32 v3, v4  }
0xcf: {  	v4 =	vperm.xlane v3, v0;
	_ =	sdelay $0x1  }
0xd0: {  	v3 =	vperm.xlane v3, v2;
	v4 =	vadd.s32 v1, v4;
	_ =	sdelay $0x1  }
0xd1: {  	v3 =	vadd.s32 v1, v3;
	_ =	sdelay $0x1  }
0xd2: {  	s5 =	simm.s32 $0x10100  }
0xd3: {  	[tilespmem:s5], [sflag:$0x1] =	stream.indirect_vreg.gather [hbm4b:s4+s3], $0x80, v4, vm0, $0xb8;
	[tilespmem:$0x12D08] =	vst v63  }
0xd4: {  	s5 =	simm.s32 $0x10900  }
0xd5: {  	[tilespmem:s5], [sflag:$0x1] =	stream.indirect_vreg.gather [hbm4b:s4+s3], $0x80, v3, vm0, $0xb8;
	[tilespmem:$0x12D08] =	vst v63  }
0xd6: {  	v3 =	vld [tilespmem:$0x20F0];
	_ =	sdelay $0x4  }
0xd7: {  	v14 =	vshll.u32 v3, $0x1  }
0xd8: {  	v3 =	vand.u32 $0x7, v3;
	v4 =	vand.u32 $0xFFFFFFF0, v14  }
0xd9: {  	v3 =	vor.u32 v3, v4  }
0xda: {  	v4 =	vperm.xlane v3, v0;
	_ =	sdelay $0x1  }
0xdb: {  	v3 =	vperm.xlane v3, v2;
	v4 =	vadd.s32 v1, v4;
	_ =	sdelay $0x1  }
0xdc: {  	v3 =	vadd.s32 v1, v3;
	_ =	sdelay $0x1  }
0xdd: {  	s5 =	simm.s32 $0x11100  }
0xde: {  	[tilespmem:s5], [sflag:$0x1] =	stream.indirect_vreg.gather [hbm4b:s4+s3], $0x80, v4, vm0, $0xb8;
	[tilespmem:$0x12D08] =	vst v63  }
0xdf: {  	s5 =	simm.s32 $0x11900  }
0xe0: {  	[tilespmem:s5], [sflag:$0x1] =	stream.indirect_vreg.gather [hbm4b:s4+s3], $0x80, v3, vm0, $0xb8;
	[tilespmem:$0x12D08] =	vst v63  }
0xe1: {  	_ =	swait.ge [sflag:s22], $0x8000  }
0xe2: {  	[sflag:s22] =	ssyncset.done $0x0  }
0xe3: {  	s0 =	simm.s32 $0x2100;
	s5 =	rddreg [dreg:$0x7];
	[sflag:s22] =	ssyncadd.s32 $0xFFFF8000  }
0xe4: {  	[hbm4b:s5+s3] =	stream.linear.scatter [tilespmem:s0], [sflag:$0x2], $0x8000, $0x38;
	[tilespmem:$0x12D08] =	vst v63  }
0xe5: {  	_ =	swait.ge [sflag:s19], $0x8000  }
0xe6: {  	[sflag:s19] =	ssyncset.done $0x0  }
0xe7: {  	s5 =	rddreg [dreg:$0x9];
	[sflag:s19] =	ssyncadd.s32 $0xFFFF8000  }
0xe8: {  	[tilespmem:s6], [sflag:$0x3] =	stream.linear.gather [spmem:s5], $0x80, $0x38;
	[tilespmem:$0x12D08] =	vst v63  }
0xe9: {  	_ =	swait.ge [sflag:s18], $0x80  }
0xea: {  	[sflag:s18] =	ssyncset.done $0x0  }
0xeb: {  	[sflag:s18] =	ssyncadd.s32 $0xFFFFFF80  }
0xec: {  	v3 =	vld [tilespmem:$0x2000];
	_ =	sdelay $0x1  }
0xed: {  	v15 =	vld [tilespmem:$0x2010]  }
0xee: {  	v16 =	vld [tilespmem:$0x2020]  }
0xef: {  	v18 =	vld [tilespmem:$0x2040]  }
0xf0: {  	v17 =	vld [tilespmem:$0x2030];
	v3 =	vand.u32 $0xFFF, v3  }
0xf1: {  	v3 =	vmin.u32 v3, $0x800  }
0xf2: {  	v19 =	vld [tilespmem:$0x2050];
	v4 =	vand.u32 $0xFFF, v15;
	v20 =	vshll.u32 v3, $0x1  }
0xf3: {  	v21 =	vld [tilespmem:$0x2060];
	v5 =	vand.u32 $0xFFF, v16;
	v22 =	vand.u32 $0x7, v3;
	v9 =	vand.u32 $0x1FF0, v20  }
0xf4: {  	v24 =	vld [tilespmem:$0x2070];
	v25 =	vand.u32 $0xFFF, v18;
	[tilespmem:$0x2000] =	vst v3;
	v3 =	vmin.u32 v4, $0x800;
	v9 =	vor.u32 v22, v9  }
0xf5: {  	v23 =	vmin.u32 v5, $0x800;
	[tilespmem:$0x2010] =	vst v3;
	v3 =	vand.u32 $0xFFF, v17;
	v26 =	vperm.xlane v9, v0  }
0xf6: {  	v27 =	vmin.u32 v25, $0x800;
	[tilespmem:$0x2020] =	vst v23;
	v3 =	vmin.u32 v3, $0x800  }
0xf7: {  	[tilespmem:$0x2030] =	vst v3;
	v3 =	vand.u32 $0xFFF, v19;
	v29 =	vperm.xlane v9, v2;
	v28 =	vadd.s32 v1, v26  }
0xf8: {  	v30 =	vand.u32 $0xFFF, v21;
	[tilespmem:$0x2040] =	vst v27;
	v3 =	vmin.u32 v3, $0x800  }
0xf9: {  	v31 =	vand.u32 $0xFFF, v24;
	[tilespmem:$0x2050] =	vst v3;
	v3 =	vmin.u32 v30, $0x800;
	v32 =	vadd.s32 v1, v29  }
0xfa: {  	[tilespmem:$0x2060] =	vst v3;
	v3 =	vmin.u32 v31, $0x800  }
0xfb: {  	[tilespmem:$0x2070] =	vst v3  }
0xfc: {  	[tilespmem:s0], [sflag:$0x1] =	stream.indirect_vreg.gather [hbm4b:s4+s3], $0x80, v28, vm0, $0xb8;
	[tilespmem:$0x12D08] =	vst v63  }
0xfd: {  	_ = 	snop  }
0xfe: {  	[tilespmem:s9], [sflag:$0x1] =	stream.indirect_vreg.gather [hbm4b:s4+s3], $0x80, v32, vm0, $0xb8;
	[tilespmem:$0x12D08] =	vst v63  }
0xff: {  	v3 =	vld [tilespmem:$0x2010];
	_ =	sdelay $0x4  }
0x100: {  	v33 =	vshll.u32 v3, $0x1  }
0x101: {  	v3 =	vand.u32 $0x7, v3;
	v4 =	vand.u32 $0xFFFFFFF0, v33  }
0x102: {  	v3 =	vor.u32 v3, v4  }
0x103: {  	v4 =	vperm.xlane v3, v0;
	_ =	sdelay $0x1  }
0x104: {  	v3 =	vperm.xlane v3, v2;
	v4 =	vadd.s32 v1, v4;
	_ =	sdelay $0x1  }
0x105: {  	v3 =	vadd.s32 v1, v3;
	_ =	sdelay $0x2  }
0x106: {  	[tilespmem:s10], [sflag:$0x1] =	stream.indirect_vreg.gather [hbm4b:s4+s3], $0x80, v4, vm0, $0xb8;
	[tilespmem:$0x12D08] =	vst v63  }
0x107: {  	_ = 	snop  }
0x108: {  	[tilespmem:s11], [sflag:$0x1] =	stream.indirect_vreg.gather [hbm4b:s4+s3], $0x80, v3, vm0, $0xb8;
	[tilespmem:$0x12D08] =	vst v63  }
0x109: {  	v3 =	vld [tilespmem:$0x2020];
	_ =	sdelay $0x4  }
0x10a: {  	v34 =	vshll.u32 v3, $0x1  }
0x10b: {  	v3 =	vand.u32 $0x7, v3;
	v4 =	vand.u32 $0xFFFFFFF0, v34  }
0x10c: {  	v3 =	vor.u32 v3, v4  }
0x10d: {  	v4 =	vperm.xlane v3, v0;
	_ =	sdelay $0x1  }
0x10e: {  	v3 =	vperm.xlane v3, v2;
	v4 =	vadd.s32 v1, v4;
	_ =	sdelay $0x1  }
0x10f: {  	v3 =	vadd.s32 v1, v3;
	_ =	sdelay $0x2  }
0x110: {  	[tilespmem:s12], [sflag:$0x1] =	stream.indirect_vreg.gather [hbm4b:s4+s3], $0x80, v4, vm0, $0xb8;
	[tilespmem:$0x12D08] =	vst v63  }
0x111: {  	_ = 	snop  }
0x112: {  	[tilespmem:s14], [sflag:$0x1] =	stream.indirect_vreg.gather [hbm4b:s4+s3], $0x80, v3, vm0, $0xb8;
	[tilespmem:$0x12D08] =	vst v63  }
0x113: {  	v3 =	vld [tilespmem:$0x2030];
	_ =	sdelay $0x4  }
0x114: {  	v35 =	vshll.u32 v3, $0x1  }
0x115: {  	v3 =	vand.u32 $0x7, v3;
	v4 =	vand.u32 $0xFFFFFFF0, v35  }
0x116: {  	v3 =	vor.u32 v3, v4  }
0x117: {  	v4 =	vperm.xlane v3, v0;
	_ =	sdelay $0x1  }
0x118: {  	v3 =	vperm.xlane v3, v2;
	v4 =	vadd.s32 v1, v4;
	_ =	sdelay $0x1  }
0x119: {  	v3 =	vadd.s32 v1, v3;
	_ =	sdelay $0x2  }
0x11a: {  	[tilespmem:s15], [sflag:$0x1] =	stream.indirect_vreg.gather [hbm4b:s4+s3], $0x80, v4, vm0, $0xb8;
	[tilespmem:$0x12D08] =	vst v63  }
0x11b: {  	_ = 	snop  }
0x11c: {  	[tilespmem:s16], [sflag:$0x1] =	stream.indirect_vreg.gather [hbm4b:s4+s3], $0x80, v3, vm0, $0xb8;
	[tilespmem:$0x12D08] =	vst v63  }
0x11d: {  	v3 =	vld [tilespmem:$0x2040];
	_ =	sdelay $0x4  }
0x11e: {  	v36 =	vshll.u32 v3, $0x1  }
0x11f: {  	v3 =	vand.u32 $0x7, v3;
	v4 =	vand.u32 $0xFFFFFFF0, v36  }
0x120: {  	v3 =	vor.u32 v3, v4  }
0x121: {  	v4 =	vperm.xlane v3, v0;
	_ =	sdelay $0x1  }
0x122: {  	v3 =	vperm.xlane v3, v2;
	v4 =	vadd.s32 v1, v4;
	_ =	sdelay $0x1  }
0x123: {  	v3 =	vadd.s32 v1, v3;
	_ =	sdelay $0x2  }
0x124: {  	[tilespmem:s28], [sflag:$0x1] =	stream.indirect_vreg.gather [hbm4b:s4+s3], $0x80, v4, vm0, $0xb8;
	[tilespmem:$0x12D08] =	vst v63  }
0x125: {  	_ = 	snop  }
0x126: {  	[tilespmem:s7], [sflag:$0x1] =	stream.indirect_vreg.gather [hbm4b:s4+s3], $0x80, v3, vm0, $0xb8;
	[tilespmem:$0x12D08] =	vst v63  }
0x127: {  	v3 =	vld [tilespmem:$0x2050];
	_ =	sdelay $0x4  }
0x128: {  	v37 =	vshll.u32 v3, $0x1  }
0x129: {  	v3 =	vand.u32 $0x7, v3;
	v4 =	vand.u32 $0xFFFFFFF0, v37  }
0x12a: {  	v3 =	vor.u32 v3, v4  }
0x12b: {  	v4 =	vperm.xlane v3, v0;
	_ =	sdelay $0x1  }
0x12c: {  	v3 =	vperm.xlane v3, v2;
	v4 =	vadd.s32 v1, v4;
	_ =	sdelay $0x1  }
0x12d: {  	v3 =	vadd.s32 v1, v3;
	_ =	sdelay $0x2  }
0x12e: {  	[tilespmem:s8], [sflag:$0x1] =	stream.indirect_vreg.gather [hbm4b:s4+s3], $0x80, v4, vm0, $0xb8;
	[tilespmem:$0x12D08] =	vst v63  }
0x12f: {  	_ = 	snop  }
0x130: {  	[tilespmem:s30], [sflag:$0x1] =	stream.indirect_vreg.gather [hbm4b:s4+s3], $0x80, v3, vm0, $0xb8;
	[tilespmem:$0x12D08] =	vst v63  }
0x131: {  	v3 =	vld [tilespmem:$0x2060];
	_ =	sdelay $0x4  }
0x132: {  	v38 =	vshll.u32 v3, $0x1  }
0x133: {  	v3 =	vand.u32 $0x7, v3;
	v4 =	vand.u32 $0xFFFFFFF0, v38  }
0x134: {  	v3 =	vor.u32 v3, v4  }
0x135: {  	v4 =	vperm.xlane v3, v0;
	_ =	sdelay $0x1  }
0x136: {  	v3 =	vperm.xlane v3, v2;
	v4 =	vadd.s32 v1, v4;
	_ =	sdelay $0x1  }
0x137: {  	v3 =	vadd.s32 v1, v3;
	_ =	sdelay $0x2  }
0x138: {  	[tilespmem:s31], [sflag:$0x1] =	stream.indirect_vreg.gather [hbm4b:s4+s3], $0x80, v4, vm0, $0xb8;
	[tilespmem:$0x12D08] =	vst v63  }
0x139: {  	_ = 	snop  }
0x13a: {  	[tilespmem:s13], [sflag:$0x1] =	stream.indirect_vreg.gather [hbm4b:s4+s3], $0x80, v3, vm0, $0xb8;
	[tilespmem:$0x12D08] =	vst v63  }
0x13b: {  	v3 =	vld [tilespmem:$0x2070];
	_ =	sdelay $0x4  }
0x13c: {  	v39 =	vshll.u32 v3, $0x1  }
0x13d: {  	v3 =	vand.u32 $0x7, v3;
	v4 =	vand.u32 $0xFFFFFFF0, v39  }
0x13e: {  	v3 =	vor.u32 v3, v4  }
0x13f: {  	v4 =	vperm.xlane v3, v0;
	_ =	sdelay $0x1  }
0x140: {  	v3 =	vperm.xlane v3, v2;
	v4 =	vadd.s32 v1, v4;
	_ =	sdelay $0x1  }
0x141: {  	v3 =	vadd.s32 v1, v3;
	_ =	sdelay $0x2  }
0x142: {  	[tilespmem:s23], [sflag:$0x1] =	stream.indirect_vreg.gather [hbm4b:s4+s3], $0x80, v4, vm0, $0xb8;
	[tilespmem:$0x12D08] =	vst v63  }
0x143: {  	_ = 	snop  }
0x144: {  	[tilespmem:s21], [sflag:$0x1] =	stream.indirect_vreg.gather [hbm4b:s4+s3], $0x80, v3, vm0, $0xb8;
	[tilespmem:$0x12D08] =	vst v63  }
0x145: {  	_ =	swait.ge [sflag:s22], $0x8000  }
0x146: {  	[sflag:s22] =	ssyncset.done $0x0  }
0x147: {  	s10 =	rddreg [dreg:$0xa];
	[sflag:s22] =	ssyncadd.s32 $0xFFFF8000  }
0x148: {  	[hbm4b:s10+s3] =	stream.linear.scatter [tilespmem:s1], [sflag:$0x2], $0x8000, $0x38;
	[tilespmem:$0x12D08] =	vst v63  }
0x149: {  	_ =	swait.ge [sflag:s19], $0x8000  }
0x14a: {  	[sflag:s19] =	ssyncset.done $0x0  }
0x14b: {  	s0 =	rddreg [dreg:$0xb];
	[sflag:s19] =	ssyncadd.s32 $0xFFFF8000  }
0x14c: {  	[tilespmem:s24], [sflag:$0x3] =	stream.linear.gather [spmem:s0], $0x80, $0x38;
	[tilespmem:$0x12D08] =	vst v63  }
0x14d: {  	_ =	swait.ge [sflag:s18], $0x80  }
0x14e: {  	[sflag:s18] =	ssyncset.done $0x0  }
0x14f: {  	[sflag:s18] =	ssyncadd.s32 $0xFFFFFF80  }
0x150: {  	v3 =	vld [tilespmem:$0x2080];
	_ =	sdelay $0x1  }
0x151: {  	v40 =	vld [tilespmem:$0x2090]  }
0x152: {  	v41 =	vld [tilespmem:$0x20A0]  }
0x153: {  	v43 =	vld [tilespmem:$0x20C0]  }
0x154: {  	v42 =	vld [tilespmem:$0x20B0];
	v3 =	vand.u32 $0xFFF, v3  }
0x155: {  	v3 =	vmin.u32 v3, $0x800  }
0x156: {  	v44 =	vld [tilespmem:$0x20D0];
	v4 =	vand.u32 $0xFFF, v40;
	v45 =	vshll.u32 v3, $0x1  }
0x157: {  	v46 =	vld [tilespmem:$0x20E0];
	v5 =	vand.u32 $0xFFF, v41;
	v47 =	vand.u32 $0x7, v3;
	v9 =	vand.u32 $0x1FF0, v45  }
0x158: {  	v50 =	vld [tilespmem:$0x20F0];
	v51 =	vand.u32 $0xFFF, v43;
	[tilespmem:$0x2080] =	vst v3;
	v3 =	vmin.u32 v4, $0x800;
	v49 =	vor.u32 v47, v9  }
0x159: {  	v48 =	vmin.u32 v5, $0x800;
	[tilespmem:$0x2090] =	vst v3;
	v3 =	vand.u32 $0xFFF, v42;
	v52 =	vperm.xlane v49, v0  }
0x15a: {  	v53 =	vmin.u32 v51, $0x800;
	[tilespmem:$0x20A0] =	vst v48;
	v3 =	vmin.u32 v3, $0x800  }
0x15b: {  	[tilespmem:$0x20B0] =	vst v3;
	v3 =	vand.u32 $0xFFF, v44;
	v5 =	vperm.xlane v49, v2;
	v54 =	vadd.s32 v1, v52  }
0x15c: {  	v55 =	vand.u32 $0xFFF, v46;
	[tilespmem:$0x20C0] =	vst v53;
	v3 =	vmin.u32 v3, $0x800  }
0x15d: {  	v56 =	vand.u32 $0xFFF, v50;
	[tilespmem:$0x20D0] =	vst v3;
	v3 =	vmin.u32 v55, $0x800;
	v5 =	vadd.s32 v1, v5  }
0x15e: {  	[tilespmem:$0x20E0] =	vst v3;
	v3 =	vmin.u32 v56, $0x800  }
0x15f: {  	[tilespmem:$0x20F0] =	vst v3  }
0x160: {  	[tilespmem:s1], [sflag:$0x1] =	stream.indirect_vreg.gather [hbm4b:s4+s3], $0x80, v54, vm0, $0xb8;
	[tilespmem:$0x12D08] =	vst v63  }
0x161: {  	s9 =	simm.s32 $0xA900  }
0x162: {  	[tilespmem:s9], [sflag:$0x1] =	stream.indirect_vreg.gather [hbm4b:s4+s3], $0x80, v5, vm0, $0xb8;
	[tilespmem:$0x12D08] =	vst v63  }
0x163: {  	v3 =	vld [tilespmem:$0x2090];
	_ =	sdelay $0x4  }
0x164: {  	v57 =	vshll.u32 v3, $0x1  }
0x165: {  	v3 =	vand.u32 $0x7, v3;
	v4 =	vand.u32 $0xFFFFFFF0, v57  }
0x166: {  	v3 =	vor.u32 v3, v4  }
0x167: {  	v4 =	vperm.xlane v3, v0;
	_ =	sdelay $0x1  }
0x168: {  	v3 =	vperm.xlane v3, v2;
	v4 =	vadd.s32 v1, v4;
	_ =	sdelay $0x1  }
0x169: {  	v3 =	vadd.s32 v1, v3;
	_ =	sdelay $0x2  }
0x16a: {  	[tilespmem:s25], [sflag:$0x1] =	stream.indirect_vreg.gather [hbm4b:s4+s3], $0x80, v4, vm0, $0xb8;
	[tilespmem:$0x12D08] =	vst v63  }
0x16b: {  	_ = 	snop  }
0x16c: {  	[tilespmem:s26], [sflag:$0x1] =	stream.indirect_vreg.gather [hbm4b:s4+s3], $0x80, v3, vm0, $0xb8;
	[tilespmem:$0x12D08] =	vst v63  }
0x16d: {  	v3 =	vld [tilespmem:$0x20A0];
	_ =	sdelay $0x4  }
0x16e: {  	v58 =	vshll.u32 v3, $0x1  }
0x16f: {  	v3 =	vand.u32 $0x7, v3;
	v4 =	vand.u32 $0xFFFFFFF0, v58  }
0x170: {  	v3 =	vor.u32 v3, v4  }
0x171: {  	v4 =	vperm.xlane v3, v0;
	_ =	sdelay $0x1  }
0x172: {  	v3 =	vperm.xlane v3, v2;
	v4 =	vadd.s32 v1, v4;
	_ =	sdelay $0x1  }
0x173: {  	v3 =	vadd.s32 v1, v3;
	_ =	sdelay $0x2  }
0x174: {  	[tilespmem:s29], [sflag:$0x1] =	stream.indirect_vreg.gather [hbm4b:s4+s3], $0x80, v4, vm0, $0xb8;
	[tilespmem:$0x12D08] =	vst v63  }
0x175: {  	s10 =	simm.s32 $0xC900  }
0x176: {  	[tilespmem:s10], [sflag:$0x1] =	stream.indirect_vreg.gather [hbm4b:s4+s3], $0x80, v3, vm0, $0xb8;
	[tilespmem:$0x12D08] =	vst v63  }
0x177: {  	v3 =	vld [tilespmem:$0x20B0];
	_ =	sdelay $0x4  }
0x178: {  	v59 =	vshll.u32 v3, $0x1  }
0x179: {  	v3 =	vand.u32 $0x7, v3;
	v4 =	vand.u32 $0xFFFFFFF0, v59  }
0x17a: {  	v3 =	vor.u32 v3, v4  }
0x17b: {  	v4 =	vperm.xlane v3, v0;
	_ =	sdelay $0x1  }
0x17c: {  	v3 =	vperm.xlane v3, v2;
	v4 =	vadd.s32 v1, v4;
	_ =	sdelay $0x1  }
0x17d: {  	v3 =	vadd.s32 v1, v3;
	_ =	sdelay $0x1  }
0x17e: {  	s5 =	simm.s32 $0xD100  }
0x17f: {  	[tilespmem:s5], [sflag:$0x1] =	stream.indirect_vreg.gather [hbm4b:s4+s3], $0x80, v4, vm0, $0xb8;
	[tilespmem:$0x12D08] =	vst v63  }
0x180: {  	s9 =	simm.s32 $0xD900  }
0x181: {  	[tilespmem:s9], [sflag:$0x1] =	stream.indirect_vreg.gather [hbm4b:s4+s3], $0x80, v3, vm0, $0xb8;
	[tilespmem:$0x12D08] =	vst v63  }
0x182: {  	v3 =	vld [tilespmem:$0x20C0];
	_ =	sdelay $0x4  }
0x183: {  	v60 =	vshll.u32 v3, $0x1  }
0x184: {  	v3 =	vand.u32 $0x7, v3;
	v4 =	vand.u32 $0xFFFFFFF0, v60  }
0x185: {  	v3 =	vor.u32 v3, v4  }
0x186: {  	v4 =	vperm.xlane v3, v0;
	_ =	sdelay $0x1  }
0x187: {  	v3 =	vperm.xlane v3, v2;
	v4 =	vadd.s32 v1, v4;
	_ =	sdelay $0x1  }
0x188: {  	v3 =	vadd.s32 v1, v3;
	_ =	sdelay $0x1  }
0x189: {  	s10 =	simm.s32 $0xE100  }
0x18a: {  	[tilespmem:s10], [sflag:$0x1] =	stream.indirect_vreg.gather [hbm4b:s4+s3], $0x80, v4, vm0, $0xb8;
	[tilespmem:$0x12D08] =	vst v63  }
0x18b: {  	s5 =	simm.s32 $0xE900  }
0x18c: {  	[tilespmem:s5], [sflag:$0x1] =	stream.indirect_vreg.gather [hbm4b:s4+s3], $0x80, v3, vm0, $0xb8;
	[tilespmem:$0x12D08] =	vst v63  }
0x18d: {  	v3 =	vld [tilespmem:$0x20D0];
	_ =	sdelay $0x4  }
0x18e: {  	v61 =	vshll.u32 v3, $0x1  }
0x18f: {  	v3 =	vand.u32 $0x7, v3;
	v4 =	vand.u32 $0xFFFFFFF0, v61  }
0x190: {  	v3 =	vor.u32 v3, v4  }
0x191: {  	v4 =	vperm.xlane v3, v0;
	_ =	sdelay $0x1  }
0x192: {  	v3 =	vperm.xlane v3, v2;
	v4 =	vadd.s32 v1, v4;
	_ =	sdelay $0x1  }
0x193: {  	v3 =	vadd.s32 v1, v3;
	_ =	sdelay $0x1  }
0x194: {  	s9 =	simm.s32 $0xF100  }
0x195: {  	[tilespmem:s9], [sflag:$0x1] =	stream.indirect_vreg.gather [hbm4b:s4+s3], $0x80, v4, vm0, $0xb8;
	[tilespmem:$0x12D08] =	vst v63  }
0x196: {  	s10 =	simm.s32 $0xF900  }
0x197: {  	[tilespmem:s10], [sflag:$0x1] =	stream.indirect_vreg.gather [hbm4b:s4+s3], $0x80, v3, vm0, $0xb8;
	[tilespmem:$0x12D08] =	vst v63  }
0x198: {  	v3 =	vld [tilespmem:$0x20E0];
	_ =	sdelay $0x4  }
0x199: {  	v62 =	vshll.u32 v3, $0x1  }
0x19a: {  	v3 =	vand.u32 $0x7, v3;
	v4 =	vand.u32 $0xFFFFFFF0, v62  }
0x19b: {  	v3 =	vor.u32 v3, v4  }
0x19c: {  	v4 =	vperm.xlane v3, v0;
	_ =	sdelay $0x1  }
0x19d: {  	v3 =	vperm.xlane v3, v2;
	v4 =	vadd.s32 v1, v4;
	_ =	sdelay $0x1  }
0x19e: {  	v3 =	vadd.s32 v1, v3;
	_ =	sdelay $0x1  }
0x19f: {  	s5 =	simm.s32 $0x10100  }
0x1a0: {  	[tilespmem:s5], [sflag:$0x1] =	stream.indirect_vreg.gather [hbm4b:s4+s3], $0x80, v4, vm0, $0xb8;
	[tilespmem:$0x12D08] =	vst v63  }
0x1a1: {  	s9 =	simm.s32 $0x10900  }
0x1a2: {  	[tilespmem:s9], [sflag:$0x1] =	stream.indirect_vreg.gather [hbm4b:s4+s3], $0x80, v3, vm0, $0xb8;
	[tilespmem:$0x12D08] =	vst v63  }
0x1a3: {  	v3 =	vld [tilespmem:$0x20F0];
	_ =	sdelay $0x4  }
0x1a4: {  	v63 =	vshll.u32 v3, $0x1  }
0x1a5: {  	v3 =	vand.u32 $0x7, v3;
	v4 =	vand.u32 $0xFFFFFFF0, v63  }
0x1a6: {  	v3 =	vor.u32 v3, v4  }
0x1a7: {  	v4 =	vperm.xlane v3, v0;
	_ =	sdelay $0x1  }
0x1a8: {  	v3 =	vperm.xlane v3, v2;
	v4 =	vadd.s32 v1, v4;
	_ =	sdelay $0x1  }
0x1a9: {  	v3 =	vadd.s32 v1, v3;
	_ =	sdelay $0x1  }
0x1aa: {  	s10 =	simm.s32 $0x11100  }
0x1ab: {  	[tilespmem:s10], [sflag:$0x1] =	stream.indirect_vreg.gather [hbm4b:s4+s3], $0x80, v4, vm0, $0xb8;
	[tilespmem:$0x12D08] =	vst v63  }
0x1ac: {  	s5 =	simm.s32 $0x11900  }
0x1ad: {  	[tilespmem:s5], [sflag:$0x1] =	stream.indirect_vreg.gather [hbm4b:s4+s3], $0x80, v3, vm0, $0xb8;
	[tilespmem:$0x12D08] =	vst v63  }
0x1ae: {  	_ =	swait.ge [sflag:s22], $0x8000  }
0x1af: {  	[sflag:s22] =	ssyncset.done $0x0  }
0x1b0: {  	s6 =	simm.s32 $0x2100;
	s9 =	rddreg [dreg:$0xc];
	[sflag:s22] =	ssyncadd.s32 $0xFFFF8000  }
0x1b1: {  	[hbm4b:s9+s3] =	stream.linear.scatter [tilespmem:s6], [sflag:$0x2], $0x8000, $0x38;
	[tilespmem:$0x12D08] =	vst v63  }
0x1b2: {  	_ =	swait.ge [sflag:s22], $0x8000  }
0x1b3: {  	[sflag:s22] =	ssyncset.done $0x0  }
0x1b4: {  	s10 =	rddreg [dreg:$0xd];
	[sflag:s22] =	ssyncadd.s32 $0xFFFF8000  }
0x1b5: {  	[hbm4b:s10+s3] =	stream.linear.scatter [tilespmem:s1], [sflag:$0x2], $0x8000, $0x38;
	[tilespmem:$0x12D08] =	vst v63  }
0x1b6: {  	_ =	swait.ge [sflag:s19], $0x8000  }
0x1b7: {  	[sflag:s19] =	ssyncset.done $0x0  }
0x1b8: {  	[sflag:s19] =	ssyncadd.s32 $0xFFFF8000  }
0x1b9: {  	_ =	swait.ge [sflag:s19], $0x8000  }
0x1ba: {  	[sflag:s19] =	ssyncset.done $0x0  }
0x1bb: {  	s5 =	simm.s32 @!p0 $0x12100;
	s6 =	rddreg [dreg:$0xe];
	[sflag:s19] =	ssyncadd.s32 $0xFFFF8000  }
0x1bc: {  	[tilespmem:s5], [sflag:$0x3] =	stream.linear.gather @!p0 [spmem:s6], $0x800, $0x38;
	[tilespmem:$0x12D08] =	vst v63  }
0x1bd: {  	s6 =	simm.s32 @!p0 $0x3  }
0x1be: {  	s17 =	sadd.s32 $0xFFFFFFFF, s17;
	_ =	swait.ge @!p0 [sflag:s6], $0x800  }
0x1bf: {  	p1 =	sne.s32 s17, $0x0;
	s9 =	simm.s32 @!p0 $0x0;
	[sflag:s6] =	ssyncset.done @!p0 $0x0  }
.Ltmp1:
0x1c0: {  	s10 =	rddreg [dreg:$0xf];
	[sflag:s6] =	ssyncadd.s32 @!p0 $0xFFFFF800;
	(pc) =	sbr.rel @!p1 .LBB2_4-.Ltmp1, $4  }
0x1c1: {  	[hbm4b:s10+s9] =	stream.linear.scatter @!p0 [tilespmem:s5], [sflag:$0x3], $0x800, $0x38;
	[tilespmem:$0x12D08] =	vst v63  }
0x1c2: {  	_ =	swait.ge @!p0 [sflag:s6], $0x800  }
0x1c3: {  	[sflag:s6] =	ssyncset.done @!p0 $0x0  }
0x1c4: {  	[sflag:s6] =	ssyncadd.s32 @!p0 $0xFFFFF800  }
.LBB2_1:
.Ltmp2:
0x1c5: {  	(pc) =	sbr.rel @p0 .LBB2_3-.Ltmp2, $1  }
0x1c6: {  	_ =	sdelay $0x3  }
0x1c7: {  	s5 =	rddreg [dreg:$0x4]  }
0x1c8: {  	[tilespmem:s3], [sflag:$0x3] =	stream.linear.gather [hbm4b:s5+s3], $0x1000, $0x38;
	[tilespmem:$0x12D08] =	vst v63  }
0x1c9: {  	_ =	swait.ge [sflag:s18], $0x1000  }
0x1ca: {  	[sflag:s18] =	ssyncset.done $0x0  }
0x1cb: {  	s6 =	simm.s32 $0x1000;
	s0 =	rddreg [dreg:$0x5];
	[sflag:s18] =	ssyncadd.s32 $0xFFFFF000  }
0x1cc: {  	[tilespmem:s6], [sflag:$0x3] =	stream.linear.gather [hbm4b:s0+s3], $0x1000, $0x38;
	[tilespmem:$0x12D08] =	vst v63  }
0x1cd: {  	_ =	swait.ge [sflag:s18], $0x1000  }
0x1ce: {  	[sflag:s18] =	ssyncset.done $0x0  }
0x1cf: {  	[sflag:s18] =	ssyncadd.s32 $0xFFFFF000  }
0x1d0: {  	[spmem:s2] =	stream.indirect.scatter [tilespmem:s3], [sflag:$0x1], $0x1, s6, s20, $0xb8;
	[tilespmem:$0x12D08] =	vst v63  }
0x1d1: {  	s9 =	simm.s32 $0x1080  }
0x1d2: {  	[spmem:s2] =	stream.indirect.scatter [tilespmem:s20], [sflag:$0x1], $0x1, s9, s20, $0xb8;
	[tilespmem:$0x12D08] =	vst v63  }
0x1d3: {  	s10 =	simm.s32 $0x1100;
	s0 =	simm.s32 $0x100  }
0x1d4: {  	[spmem:s2] =	stream.indirect.scatter [tilespmem:s0], [sflag:$0x1], $0x1, s10, s20, $0xb8;
	[tilespmem:$0x12D08] =	vst v63  }
0x1d5: {  	s6 =	simm.s32 $0x1180;
	s9 =	simm.s32 $0x180  }
0x1d6: {  	[spmem:s2] =	stream.indirect.scatter [tilespmem:s9], [sflag:$0x1], $0x1, s6, s20, $0xb8;
	[tilespmem:$0x12D08] =	vst v63  }
0x1d7: {  	s10 =	simm.s32 $0x1200;
	s0 =	simm.s32 $0x200  }
0x1d8: {  	[spmem:s2] =	stream.indirect.scatter [tilespmem:s0], [sflag:$0x1], $0x1, s10, s20, $0xb8;
	[tilespmem:$0x12D08] =	vst v63  }
0x1d9: {  	s6 =	simm.s32 $0x1280;
	s9 =	simm.s32 $0x280  }
0x1da: {  	[spmem:s2] =	stream.indirect.scatter [tilespmem:s9], [sflag:$0x1], $0x1, s6, s20, $0xb8;
	[tilespmem:$0x12D08] =	vst v63  }
0x1db: {  	s10 =	simm.s32 $0x1300;
	s0 =	simm.s32 $0x300  }
0x1dc: {  	[spmem:s2] =	stream.indirect.scatter [tilespmem:s0], [sflag:$0x1], $0x1, s10, s20, $0xb8;
	[tilespmem:$0x12D08] =	vst v63  }
0x1dd: {  	s6 =	simm.s32 $0x1380;
	s9 =	simm.s32 $0x380  }
0x1de: {  	[spmem:s2] =	stream.indirect.scatter [tilespmem:s9], [sflag:$0x1], $0x1, s6, s20, $0xb8;
	[tilespmem:$0x12D08] =	vst v63  }
0x1df: {  	_ =	swait.ge [sflag:s22], $0x80  }
0x1e0: {  	[sflag:s22] =	ssyncset.done $0x0  }
0x1e1: {  	[sflag:s22] =	ssyncadd.s32 $0xFFFFFF80  }
0x1e2: {  	_ =	swait.ge [sflag:s22], $0x80  }
0x1e3: {  	[sflag:s22] =	ssyncset.done $0x0  }
0x1e4: {  	[sflag:s22] =	ssyncadd.s32 $0xFFFFFF80  }
0x1e5: {  	_ =	swait.ge [sflag:s22], $0x80  }
0x1e6: {  	[sflag:s22] =	ssyncset.done $0x0  }
0x1e7: {  	[sflag:s22] =	ssyncadd.s32 $0xFFFFFF80  }
0x1e8: {  	_ =	swait.ge [sflag:s22], $0x80  }
0x1e9: {  	[sflag:s22] =	ssyncset.done $0x0  }
0x1ea: {  	[sflag:s22] =	ssyncadd.s32 $0xFFFFFF80  }
0x1eb: {  	_ =	swait.ge [sflag:s22], $0x80  }
0x1ec: {  	[sflag:s22] =	ssyncset.done $0x0  }
0x1ed: {  	[sflag:s22] =	ssyncadd.s32 $0xFFFFFF80  }
0x1ee: {  	_ =	swait.ge [sflag:s22], $0x80  }
0x1ef: {  	[sflag:s22] =	ssyncset.done $0x0  }
0x1f0: {  	[sflag:s22] =	ssyncadd.s32 $0xFFFFFF80  }
0x1f1: {  	_ =	swait.ge [sflag:s22], $0x80  }
0x1f2: {  	[sflag:s22] =	ssyncset.done $0x0  }
0x1f3: {  	[sflag:s22] =	ssyncadd.s32 $0xFFFFFF80  }
0x1f4: {  	_ =	swait.ge [sflag:s22], $0x80  }
0x1f5: {  	[sflag:s22] =	ssyncset.done $0x0  }
0x1f6: {  	s10 =	simm.s32 $0x1400;
	s0 =	simm.s32 $0x400;
	[sflag:s22] =	ssyncadd.s32 $0xFFFFFF80  }
0x1f7: {  	[spmem:s2] =	stream.indirect.scatter [tilespmem:s0], [sflag:$0x1], $0x1, s10, s20, $0xb8;
	[tilespmem:$0x12D08] =	vst v63  }
0x1f8: {  	s6 =	simm.s32 $0x1480;
	s9 =	simm.s32 $0x480  }
0x1f9: {  	[spmem:s2] =	stream.indirect.scatter [tilespmem:s9], [sflag:$0x1], $0x1, s6, s20, $0xb8;
	[tilespmem:$0x12D08] =	vst v63  }
0x1fa: {  	s10 =	simm.s32 $0x1500;
	s0 =	simm.s32 $0x500  }
0x1fb: {  	[spmem:s2] =	stream.indirect.scatter [tilespmem:s0], [sflag:$0x1], $0x1, s10, s20, $0xb8;
	[tilespmem:$0x12D08] =	vst v63  }
0x1fc: {  	s6 =	simm.s32 $0x1580;
	s9 =	simm.s32 $0x580  }
0x1fd: {  	[spmem:s2] =	stream.indirect.scatter [tilespmem:s9], [sflag:$0x1], $0x1, s6, s20, $0xb8;
	[tilespmem:$0x12D08] =	vst v63  }
0x1fe: {  	s10 =	simm.s32 $0x1600;
	s0 =	simm.s32 $0x600  }
0x1ff: {  	[spmem:s2] =	stream.indirect.scatter [tilespmem:s0], [sflag:$0x1], $0x1, s10, s20, $0xb8;
	[tilespmem:$0x12D08] =	vst v63  }
0x200: {  	s6 =	simm.s32 $0x1680;
	s9 =	simm.s32 $0x680  }
0x201: {  	[spmem:s2] =	stream.indirect.scatter [tilespmem:s9], [sflag:$0x1], $0x1, s6, s20, $0xb8;
	[tilespmem:$0x12D08] =	vst v63  }
0x202: {  	s10 =	simm.s32 $0x1700;
	s0 =	simm.s32 $0x700  }
0x203: {  	[spmem:s2] =	stream.indirect.scatter [tilespmem:s0], [sflag:$0x1], $0x1, s10, s20, $0xb8;
	[tilespmem:$0x12D08] =	vst v63  }
0x204: {  	s6 =	simm.s32 $0x1780;
	s9 =	simm.s32 $0x780  }
0x205: {  	[spmem:s2] =	stream.indirect.scatter [tilespmem:s9], [sflag:$0x1], $0x1, s6, s20, $0xb8;
	[tilespmem:$0x12D08] =	vst v63  }
0x206: {  	_ =	swait.ge [sflag:s22], $0x80  }
0x207: {  	[sflag:s22] =	ssyncset.done $0x0  }
0x208: {  	[sflag:s22] =	ssyncadd.s32 $0xFFFFFF80  }
0x209: {  	_ =	swait.ge [sflag:s22], $0x80  }
0x20a: {  	[sflag:s22] =	ssyncset.done $0x0  }
0x20b: {  	[sflag:s22] =	ssyncadd.s32 $0xFFFFFF80  }
0x20c: {  	_ =	swait.ge [sflag:s22], $0x80  }
0x20d: {  	[sflag:s22] =	ssyncset.done $0x0  }
0x20e: {  	[sflag:s22] =	ssyncadd.s32 $0xFFFFFF80  }
0x20f: {  	_ =	swait.ge [sflag:s22], $0x80  }
0x210: {  	[sflag:s22] =	ssyncset.done $0x0  }
0x211: {  	[sflag:s22] =	ssyncadd.s32 $0xFFFFFF80  }
0x212: {  	_ =	swait.ge [sflag:s22], $0x80  }
0x213: {  	[sflag:s22] =	ssyncset.done $0x0  }
0x214: {  	[sflag:s22] =	ssyncadd.s32 $0xFFFFFF80  }
0x215: {  	_ =	swait.ge [sflag:s22], $0x80  }
0x216: {  	[sflag:s22] =	ssyncset.done $0x0  }
0x217: {  	[sflag:s22] =	ssyncadd.s32 $0xFFFFFF80  }
0x218: {  	_ =	swait.ge [sflag:s22], $0x80  }
0x219: {  	[sflag:s22] =	ssyncset.done $0x0  }
0x21a: {  	[sflag:s22] =	ssyncadd.s32 $0xFFFFFF80  }
0x21b: {  	_ =	swait.ge [sflag:s22], $0x80  }
0x21c: {  	[sflag:s22] =	ssyncset.done $0x0  }
0x21d: {  	s10 =	simm.s32 $0x1800;
	s0 =	simm.s32 $0x800;
	[sflag:s22] =	ssyncadd.s32 $0xFFFFFF80  }
0x21e: {  	[spmem:s2] =	stream.indirect.scatter [tilespmem:s0], [sflag:$0x1], $0x1, s10, s20, $0xb8;
	[tilespmem:$0x12D08] =	vst v63  }
0x21f: {  	s6 =	simm.s32 $0x1880;
	s9 =	simm.s32 $0x880  }
0x220: {  	[spmem:s2] =	stream.indirect.scatter [tilespmem:s9], [sflag:$0x1], $0x1, s6, s20, $0xb8;
	[tilespmem:$0x12D08] =	vst v63  }
0x221: {  	s10 =	simm.s32 $0x1900;
	s0 =	simm.s32 $0x900  }
0x222: {  	[spmem:s2] =	stream.indirect.scatter [tilespmem:s0], [sflag:$0x1], $0x1, s10, s20, $0xb8;
	[tilespmem:$0x12D08] =	vst v63  }
0x223: {  	s6 =	simm.s32 $0x1980;
	s9 =	simm.s32 $0x980  }
0x224: {  	[spmem:s2] =	stream.indirect.scatter [tilespmem:s9], [sflag:$0x1], $0x1, s6, s20, $0xb8;
	[tilespmem:$0x12D08] =	vst v63  }
0x225: {  	s10 =	simm.s32 $0x1A00;
	s0 =	simm.s32 $0xA00  }
0x226: {  	[spmem:s2] =	stream.indirect.scatter [tilespmem:s0], [sflag:$0x1], $0x1, s10, s20, $0xb8;
	[tilespmem:$0x12D08] =	vst v63  }
0x227: {  	s6 =	simm.s32 $0x1A80;
	s9 =	simm.s32 $0xA80  }
0x228: {  	[spmem:s2] =	stream.indirect.scatter [tilespmem:s9], [sflag:$0x1], $0x1, s6, s20, $0xb8;
	[tilespmem:$0x12D08] =	vst v63  }
0x229: {  	s10 =	simm.s32 $0x1B00;
	s0 =	simm.s32 $0xB00  }
0x22a: {  	[spmem:s2] =	stream.indirect.scatter [tilespmem:s0], [sflag:$0x1], $0x1, s10, s20, $0xb8;
	[tilespmem:$0x12D08] =	vst v63  }
0x22b: {  	s6 =	simm.s32 $0x1B80;
	s9 =	simm.s32 $0xB80  }
0x22c: {  	[spmem:s2] =	stream.indirect.scatter [tilespmem:s9], [sflag:$0x1], $0x1, s6, s20, $0xb8;
	[tilespmem:$0x12D08] =	vst v63  }
0x22d: {  	_ =	swait.ge [sflag:s22], $0x80  }
0x22e: {  	[sflag:s22] =	ssyncset.done $0x0  }
0x22f: {  	[sflag:s22] =	ssyncadd.s32 $0xFFFFFF80  }
0x230: {  	_ =	swait.ge [sflag:s22], $0x80  }
0x231: {  	[sflag:s22] =	ssyncset.done $0x0  }
0x232: {  	[sflag:s22] =	ssyncadd.s32 $0xFFFFFF80  }
0x233: {  	_ =	swait.ge [sflag:s22], $0x80  }
0x234: {  	[sflag:s22] =	ssyncset.done $0x0  }
0x235: {  	[sflag:s22] =	ssyncadd.s32 $0xFFFFFF80  }
0x236: {  	_ =	swait.ge [sflag:s22], $0x80  }
0x237: {  	[sflag:s22] =	ssyncset.done $0x0  }
0x238: {  	[sflag:s22] =	ssyncadd.s32 $0xFFFFFF80  }
0x239: {  	_ =	swait.ge [sflag:s22], $0x80  }
0x23a: {  	[sflag:s22] =	ssyncset.done $0x0  }
0x23b: {  	[sflag:s22] =	ssyncadd.s32 $0xFFFFFF80  }
0x23c: {  	_ =	swait.ge [sflag:s22], $0x80  }
0x23d: {  	[sflag:s22] =	ssyncset.done $0x0  }
0x23e: {  	[sflag:s22] =	ssyncadd.s32 $0xFFFFFF80  }
0x23f: {  	_ =	swait.ge [sflag:s22], $0x80  }
0x240: {  	[sflag:s22] =	ssyncset.done $0x0  }
0x241: {  	[sflag:s22] =	ssyncadd.s32 $0xFFFFFF80  }
0x242: {  	_ =	swait.ge [sflag:s22], $0x80  }
0x243: {  	[sflag:s22] =	ssyncset.done $0x0  }
0x244: {  	s10 =	simm.s32 $0x1C00;
	s0 =	simm.s32 $0xC00;
	[sflag:s22] =	ssyncadd.s32 $0xFFFFFF80  }
0x245: {  	[spmem:s2] =	stream.indirect.scatter [tilespmem:s0], [sflag:$0x1], $0x1, s10, s20, $0xb8;
	[tilespmem:$0x12D08] =	vst v63  }
0x246: {  	s6 =	simm.s32 $0x1C80;
	s9 =	simm.s32 $0xC80  }
0x247: {  	[spmem:s2] =	stream.indirect.scatter [tilespmem:s9], [sflag:$0x1], $0x1, s6, s20, $0xb8;
	[tilespmem:$0x12D08] =	vst v63  }
0x248: {  	s10 =	simm.s32 $0x1D00;
	s0 =	simm.s32 $0xD00  }
0x249: {  	[spmem:s2] =	stream.indirect.scatter [tilespmem:s0], [sflag:$0x1], $0x1, s10, s20, $0xb8;
	[tilespmem:$0x12D08] =	vst v63  }
0x24a: {  	s6 =	simm.s32 $0x1D80;
	s9 =	simm.s32 $0xD80  }
0x24b: {  	[spmem:s2] =	stream.indirect.scatter [tilespmem:s9], [sflag:$0x1], $0x1, s6, s20, $0xb8;
	[tilespmem:$0x12D08] =	vst v63  }
0x24c: {  	s10 =	simm.s32 $0x1E00;
	s0 =	simm.s32 $0xE00  }
0x24d: {  	[spmem:s2] =	stream.indirect.scatter [tilespmem:s0], [sflag:$0x1], $0x1, s10, s20, $0xb8;
	[tilespmem:$0x12D08] =	vst v63  }
0x24e: {  	s6 =	simm.s32 $0x1E80;
	s9 =	simm.s32 $0xE80  }
0x24f: {  	[spmem:s2] =	stream.indirect.scatter [tilespmem:s9], [sflag:$0x1], $0x1, s6, s20, $0xb8;
	[tilespmem:$0x12D08] =	vst v63  }
0x250: {  	s10 =	simm.s32 $0x1F00;
	s0 =	simm.s32 $0xF00  }
0x251: {  	[spmem:s2] =	stream.indirect.scatter [tilespmem:s0], [sflag:$0x1], $0x1, s10, s20, $0xb8;
	[tilespmem:$0x12D08] =	vst v63  }
0x252: {  	s9 =	simm.s32 $0x1F80;
	s10 =	simm.s32 $0xF80  }
0x253: {  	[spmem:s2] =	stream.indirect.scatter [tilespmem:s10], [sflag:$0x1], $0x1, s9, s20, $0xb8;
	[tilespmem:$0x12D08] =	vst v63  }
0x254: {  	_ =	swait.ge [sflag:s22], $0x80  }
0x255: {  	[sflag:s22] =	ssyncset.done $0x0  }
0x256: {  	[sflag:s22] =	ssyncadd.s32 $0xFFFFFF80  }
0x257: {  	_ =	swait.ge [sflag:s22], $0x80  }
0x258: {  	[sflag:s22] =	ssyncset.done $0x0  }
0x259: {  	[sflag:s22] =	ssyncadd.s32 $0xFFFFFF80  }
0x25a: {  	_ =	swait.ge [sflag:s22], $0x80  }
0x25b: {  	[sflag:s22] =	ssyncset.done $0x0  }
0x25c: {  	[sflag:s22] =	ssyncadd.s32 $0xFFFFFF80  }
0x25d: {  	_ =	swait.ge [sflag:s22], $0x80  }
0x25e: {  	[sflag:s22] =	ssyncset.done $0x0  }
0x25f: {  	[sflag:s22] =	ssyncadd.s32 $0xFFFFFF80  }
0x260: {  	_ =	swait.ge [sflag:s22], $0x80  }
0x261: {  	[sflag:s22] =	ssyncset.done $0x0  }
0x262: {  	[sflag:s22] =	ssyncadd.s32 $0xFFFFFF80  }
0x263: {  	_ =	swait.ge [sflag:s22], $0x80  }
0x264: {  	[sflag:s22] =	ssyncset.done $0x0  }
0x265: {  	[sflag:s22] =	ssyncadd.s32 $0xFFFFFF80  }
0x266: {  	_ =	swait.ge [sflag:s22], $0x80  }
.Ltmp3:
0x267: {  	[sflag:s22] =	ssyncset.done $0x0;
	(pc) =	sbr.rel .LBB2_3-.Ltmp3, $4  }
0x268: {  	[sflag:s22] =	ssyncadd.s32 $0xFFFFFF80  }
0x269: {  	_ =	swait.ge [sflag:s22], $0x80  }
0x26a: {  	[sflag:s22] =	ssyncset.done $0x0  }
0x26b: {  	[sflag:s22] =	ssyncadd.s32 $0xFFFFFF80  }
.LBB2_4:
0x26c: {  	_ =	sfence.sel $0x180000  }
0x26d: {  	[bflag:$0x0] =	sbarrier.arrive $0xFFFF  }
0x26e: {  	_ =	strace $0x9000004A  }
0x26f: {  	s0 =	stileid.u32;
	[bflag:$0x2] =	sbarrier.arrive $0xFFFF  }
0x270: {  	p0 =	sne.s32 s0, $0x0;
	s0 =	rddreg [dreg:$0x3]  }
0x271: {  	s0 =	sadd.s32 @!p0 $0x100000, s0  }
0x272: {  	[sflag:s0] =	ssyncadd.tile.s32 @!p0 $0x1;
	_ =	shalt  }
.Lfunc_end2:
_tile_overlayer_lowered:
.L_overlay_start_2:
0x273: {  	(tag) =	ssettag $0x2  }
0x274: {  	s0 =	rddreg [dreg:$0x0];
	s2 =	stileid.u32  }
0x275: {  	s1 =	rddreg [dreg:$0x1];
	p0 =	sne.s32 s2, $0x0  }
0x276: {  	s3 =	rddreg [dreg:$0x2];
	[bflag:$0x3] =	sbarrier.arrive $0xFFFF;
	s2 =	simm.s32 @!p0 $0x1C03  }
0x277: {  	[timem:s3], [sflag:s2] =	dma.local @!p0 [hbm:s0], s1  }
0x278: {  	s0 =	simm.s32 @!p0 $0x3  }
0x279: {  	_ =	swait.ge @!p0 [sflag:s0], s1  }
0x27a: {  	s1 =	ssub.s32 @!p0 $0x0, s1;
	[sflag:s0] =	ssyncset.done @!p0 $0x0  }
0x27b: {  	[sflag:s0] =	ssyncadd.s32 @!p0 s1  }
0x27c: {  	[bflag:$0x3] =	sbarrier.arrive $0xFFFF  }
0x27d: {  	_ =	shalt  }

// kernel: kernel.7.cloned.1.call-start
scs
__scs_entry_jumppad:
0x0: {  	(pc) =	sbr.rel $0x88, $3  }
0x1: {  	(tag) =	ssettag $0x0;
	lr =	simm.s32 $0x1  }
0x2: {  	[smem:$0x3F96] =	sst lr;
	_ =	strace $0xD0000000  }
0x3: {  	_ = 	snop  }
0x4: {  	_ = 	snop  }
0x5: {  	_ = 	snop  }
0x6: {  	_ = 	snop  }
0x7: {  	_ = 	snop  }
__scs_overlays_trampoline_lowered:
0x8: {  	[smem:$0x3FA5] =	sst s0  }
0x9: {  	[smem:$0x3FA6] =	sst s1  }
0xa: {  	[smem:$0x3FA7] =	sst s2  }
0xb: {  	[smem:$0x3FA8] =	sst s3  }
0xc: {  	[smem:$0x3FA9] =	sst s4  }
0xd: {  	[smem:$0x3FAA] =	sst s5  }
0xe: {  	[smem:$0x3FAB] =	sst s6  }
0xf: {  	[smem:$0x3FAC] =	sst s7  }
0x10: {  	[smem:$0x3FAD] =	sst s8  }
0x11: {  	[smem:$0x3FAE] =	sst s9;
	s0 =	simm.s32 @!p0 $0x0  }
0x12: {  	s1 =	sld [smem:$0x3F94];
	s0 =	simm.s32 @p0 $0x1  }
0x13: {  	[smem:$0x3FAF] =	sst s0;
	s0 =	simm.s32 @!p1 $0x0  }
0x14: {  	s2 =	sld [smem:$0x3F93];
	s0 =	simm.s32 @p1 $0x1  }
0x15: {  	[smem:$0x3FB0] =	sst s0;
	s0 =	simm.s32 @!p2 $0x0  }
0x16: {  	s3 =	sld [smem:$0x3FDB];
	s0 =	simm.s32 @p2 $0x1  }
0x17: {  	s4 =	simm.s32 $0x1BF5;
	[smem:$0x3FB2] =	sst s0  }
0x18: {  	s0 =	sld [smem:$0x3F95];
	_ =	swait.ge [sflag:s4], $0x0  }
0x19: {  	s7 =	sld [smem:$0x3F96]  }
0x1a: {  	s8 =	sadd.s32 $0xFFFFE003, lr  }
0x1b: {  	s9 =	sadd.s32 $0xFFFFFEF7, lr;
	s5 =	simm.s32 $0xFFFFFFFF;
	p2 =	slt.u32 s8, $0xFFFFF086  }
0x1c: {  	p1 =	slt.u32 s9, $0xF7A;
	s5 =	simm.s32 @!p2 $0x0  }
0x1d: {  	s5 =	simm.s32 @p1 $0x1;
	p0 =	seq.s32 s7, s2  }
0x1e: {  	s7 =	smul.u32 @!p0 $0xF7A, s2;
	p2 =	seq.s32 @!p0 s5, $0x0  }
0x1f: {  	s9 =	smul.u32 $0xF7A, s1;
	s8 =	simm.s32 @!p0 $0x1BF5;
	p2 =	por !p2, p0  }
0x20: {  	[sflag:s8] =	ssyncset.s32 @!p0 $0xFFFFF086;
	s6 =	sadd.s32 @!p0 s3, s7;
	s7 =	simm.s32 @!p0 $0x108  }
0x21: {  	s3 =	sadd.s32 s3, s9;
	s6 =	sadd.s32 @!p0 $0x88, s6;
	s7 =	simm.s32 @p2 $0x1082  }
0x22: {  	[simem:s7], [sflag:s8] =	dma.local @!p0 [hbm:s6], $0xF7A  }
0x23: {  	s9 =	sor.u32 $0xD0000000, s2;
	s6 =	simm.s32 $0x108;
	_ =	swait.ge @!p0 [sflag:s8], $0x0  }
0x24: {  	s3 =	sadd.s32 $0x88, s3;
	s6 =	simm.s32 @!p1 $0x1082;
	[sflag:s4] =	ssyncset.s32 $0xFFFFF086  }
0x25: {  	[simem:s6], [sflag:s4] =	dma.local [hbm:s3], $0xF7A  }
0x26: {  	[smem:$0x3F96] =	sst s1;
	(tag) =	ssettag s2;
	_ =	strace s9  }
0x27: {  	s1 =	sld [smem:$0x3FA6]  }
0x28: {  	s2 =	sld [smem:$0x3FA7]  }
0x29: {  	s4 =	sld [smem:$0x3FA9]  }
0x2a: {  	p0 =	seq.s32 s5, $0x0;
	s5 =	sld [smem:$0x3FAA]  }
0x2b: {  	s6 =	sld [smem:$0x3FAB]  }
0x2c: {  	s7 =	sld [smem:$0x3FAC]  }
0x2d: {  	s3 =	simm.s32 $0x108;
	s8 =	sld [smem:$0x3FAD]  }
0x2e: {  	s3 =	simm.s32 @!p0 $0x1082;
	s9 =	sld [smem:$0x3FAE]  }
0x2f: {  	lr =	sadd.s32 s0, s3;
	s0 =	sld [smem:$0x3FA5]  }
0x30: {  	s3 =	sld [smem:$0x3FA8]  }
0x31: {  	[smem:$0x3FB1] =	sst s10  }
0x32: {  	s10 =	sld [smem:$0x3FAF];
	_ =	sdelay $0x3  }
0x33: {  	p0 =	seq.s32 s10, $0x1;
	s10 =	sld [smem:$0x3FB1];
	_ =	sdelay $0x3  }
0x34: {  	[smem:$0x3FB1] =	sst s10  }
0x35: {  	s10 =	sld [smem:$0x3FB0];
	_ =	sdelay $0x3  }
0x36: {  	p1 =	seq.s32 s10, $0x1;
	s10 =	sld [smem:$0x3FB1];
	_ =	sdelay $0x3  }
0x37: {  	[smem:$0x3FB1] =	sst s10  }
0x38: {  	s10 =	sld [smem:$0x3FB2]  }
0x39: {  	_ = 	snop;
	(pc) =	sbr.ind lr, $3  }
0x3a: {  	_ = 	snop  }
0x3b: {  	_ = 	snop  }
0x3c: {  	p2 =	seq.s32 s10, $0x1;
	s10 =	sld [smem:$0x3FB1]  }
0x3d: {  	_ =	shalt  }
0x3e: {  	_ =	shalt  }
0x3f: {  	_ =	shalt  }
0x40: {  	_ =	shalt  }
0x41: {  	_ =	shalt  }
0x42: {  	_ =	shalt  }
0x43: {  	_ =	shalt  }
0x44: {  	_ =	shalt  }
0x45: {  	_ =	shalt  }
0x46: {  	_ =	shalt  }
0x47: {  	_ =	shalt  }
0x48: {  	_ =	shalt  }
0x49: {  	_ =	shalt  }
0x4a: {  	_ =	shalt  }
0x4b: {  	_ =	shalt  }
0x4c: {  	_ =	shalt  }
0x4d: {  	_ =	shalt  }
0x4e: {  	_ =	shalt  }
0x4f: {  	_ =	shalt  }
0x50: {  	_ =	shalt  }
0x51: {  	_ =	shalt  }
0x52: {  	_ =	shalt  }
0x53: {  	_ =	shalt  }
0x54: {  	_ =	shalt  }
0x55: {  	_ =	shalt  }
0x56: {  	_ =	shalt  }
0x57: {  	_ =	shalt  }
0x58: {  	_ =	shalt  }
0x59: {  	_ =	shalt  }
0x5a: {  	_ =	shalt  }
0x5b: {  	_ =	shalt  }
0x5c: {  	_ =	shalt  }
0x5d: {  	_ =	shalt  }
0x5e: {  	_ =	shalt  }
0x5f: {  	_ =	shalt  }
0x60: {  	_ =	shalt  }
0x61: {  	_ =	shalt  }
0x62: {  	_ =	shalt  }
0x63: {  	_ =	shalt  }
0x64: {  	_ =	shalt  }
0x65: {  	_ =	shalt  }
0x66: {  	_ =	shalt  }
0x67: {  	_ =	shalt  }
0x68: {  	_ =	shalt  }
0x69: {  	_ =	shalt  }
0x6a: {  	_ =	shalt  }
0x6b: {  	_ =	shalt  }
0x6c: {  	_ =	shalt  }
0x6d: {  	_ =	shalt  }
0x6e: {  	_ =	shalt  }
0x6f: {  	_ =	shalt  }
0x70: {  	_ =	shalt  }
0x71: {  	_ =	shalt  }
0x72: {  	_ =	shalt  }
0x73: {  	_ =	shalt  }
0x74: {  	_ =	shalt  }
0x75: {  	_ =	shalt  }
0x76: {  	_ =	shalt  }
0x77: {  	_ =	shalt  }
0x78: {  	_ =	shalt  }
0x79: {  	_ =	shalt  }
0x7a: {  	_ =	shalt  }
0x7b: {  	_ =	shalt  }
0x7c: {  	_ =	shalt  }
0x7d: {  	_ =	shalt  }
0x7e: {  	_ =	shalt  }
0x7f: {  	_ =	shalt  }
0x80: {  	_ =	shalt  }
0x81: {  	_ =	shalt  }
0x82: {  	_ =	shalt  }
0x83: {  	_ =	shalt  }
0x84: {  	_ =	shalt  }
0x85: {  	_ =	shalt  }
0x86: {  	_ =	shalt  }
0x87: {  	_ =	shalt  }
.Lfunc_end0:
.L_simem_size_0:
called_computation_lowered:
.L_overlay_start_0:
0x88: {  	s2 =	sld [smem:$0x3FD9]  }
0x89: {  	s3 =	sld [smem:$0x3FFE];
	_ =	sdelay $0x1  }
0x8a: {  	s1 =	srdreg.scid  }
0x8b: {  	s0 =	sand.u32 $0x1, s1  }
0x8c: {  	s17 =	sshll.u32 s0, $0xA;
	s2 =	sadd.s32 s3, s2  }
0x8d: {  	s2 =	sadd.s32 s2, s17  }
0x8e: {  	[smem:$0x3FBD] =	sst s2  }
0x8f: {  	_ = 	snop  }
0x90: {  	s2 =	sld [smem:$0x3FC5];
	(tm) =	ssettm $0x1  }
0x91: {  	s18 =	sld [smem:$0x3FFB];
	_ =	sdelay $0x3  }
0x92: {  	_ =	strace s18  }
0x93: {  	s3 =	sld [smem:$0x3FFC];
	_ =	sdelay $0x3  }
0x94: {  	_ =	strace s3  }
0x95: {  	s3 =	sld [smem:$0x3FFD];
	_ =	sdelay $0x3  }
0x96: {  	_ =	strace s3  }
0x97: {  	_ =	strace $0x8FFFFFFF  }
0x98: {  	s19 =	sld [smem:$0x3FDB];
	_ =	sdelay $0x1  }
0x99: {  	s4 =	simm.s32 $_scs_section_size  }
0x9a: {  	s5 =	simm.s32 $_size__tile_overlayer_lowered;
	s6 =	simm.s32 $_tile_overlayer_lowered  }
0x9b: {  	s22 =	simm.s32 $0x1BFF;
	s21 =	sshll.u32 s6, $0x1;
	s3 =	sadd.s32 s4, s19  }
0x9c: {  	s7 =	simm.s32 $0x0;
	s20 =	sshll.u32 s5, $0x1;
	s5 =	sadd.s32 s21, s3  }
0x9d: {  	[timem:s7], [sflag:s22] =	dma.local [hbm:s5], s20  }
0x9e: {  	_ =	swait.ge [sflag:s22], s20  }
0x9f: {  	s4 =	ssub.s32 $0x0, s20;
	[sflag:s22] =	ssyncset.done $0x0  }
0xa0: {  	[sflag:s22] =	ssyncadd.s32 s4;
	_ =	sdelay $0x1  }
0xa1: {  	s23 =	simm.s32 $0x1B8B  }
0xa2: {  	_ =	swait.ge [sflag:s23], $0x1  }
0xa3: {  	[sflag:s23] =	ssyncset.done $0x0  }
0xa4: {  	s25 =	simm.s32 $0x1B8E;
	s24 =	sld [smem:$0x3FFE];
	[sflag:s23] =	ssyncadd.s32 $0xFFFFFFFF  }
0xa5: {  	s26 =	simm.s32 $execute0_lowered;
	[smem:$0x3FD2] =	sst s25  }
0xa6: {  	s5 =	sshll.u32 s26, $0x1;
	_ =	strace $0x80000046;
	[dreg:$0x1] =	wrdreg $0xFFFFFFFF  }
0xa7: {  	s28 =	simm.s32 $_size_execute0_lowered;
	s3 =	sadd.s32 s3, s5;
	[dreg:$0x0] =	wrdreg $0x0  }
0xa8: {  	s5 =	sshll.u32 s28, $0x1;
	[dreg:$0x2] =	wrdreg s3  }
0xa9: {  	[dreg:$0x3] =	wrdreg s5  }
0xaa: {  	[dreg:$0x4] =	wrdreg $0xC0  }
0xab: {  	_ =	task [dreg:s7], $0x5FFFF  }
0xac: {  	[dreg:$0x1] =	wrdreg $0xFFFFFFFF  }
0xad: {  	[dreg:$0x0] =	wrdreg $0x60  }
0xae: {  	[dreg:$0x2] =	wrdreg s24  }
0xaf: {  	[dreg:$0x3] =	wrdreg s2  }
0xb0: {  	[dreg:$0x4] =	wrdreg $0x9  }
0xb1: {  	_ =	task.clear_ibuf [dreg:s7], $0x5FFFF;
	_ =	strace $0x90000046  }
0xb2: {  	s29 =	simm.s32 $0x9;
	_ =	strace $0x80000048  }
0xb3: {  	_ =	swait.ge [sflag:s29], $0x1  }
0xb4: {  	[sflag:s29] =	ssyncadd.s32 $0xFFFFFFFF  }
0xb5: {  	_ =	strace $0x90000048  }
0xb6: {  	_ =	sfence  }
0xb7: {  	s30 =	sld [smem:$0x0];
	_ =	sdelay $0x2  }
0xb8: {  	s31 =	sshll.u32 s1, $0xD;
	s1 =	sshrl.u32 s1, $0x2  }
0xb9: {  	s3 =	sand.u32 $0x4000, s31;
	s1 =	sadd.s32 s1, s30  }
0xba: {  	s0 =	sor.u32 s3, s0;
	s1 =	sshll.u32 s1, $0x11  }
0xbb: {  	s0 =	sor.u32 s1, s0  }
0xbc: {  	s0 =	sadd.s32 $0x8F2B, s0  }
0xbd: {  	[sflag:s0] =	ssyncadd.remote.s32 $0x1  }
0xbe: {  	_ =	sfence.sel $0xFFFF  }
0xbf: {  	[dreg:$0x0] =	wrdreg $0xFFFFFFFF;
	(pc) =	sbr.abs _section_cstart, $3  }
0xc0: {  	[dreg:$0x1] =	wrdreg $0xFFFFFFFF  }
0xc1: {  	_ =	task.clear_ibuf [dreg:s7], $0x2FFFF;
	_ =	strace $0x9FFFFFFF  }
0xc2: {  	(tm) =	ssettm $0x7FFFFFFF  }
0xc3: {  	_ =	shalt  }
tec
execute0_lowered:
.L_overlay_start_1:
0x0: {  	(tag) =	ssettag $0x1  }
0x1: {  	s0 =	rddreg [dreg:$0x0]  }
0x2: {  	s1 =	rddreg [dreg:$0x1];
	s3 =	simm.s32 $0x0  }
0x3: {  	s21 =	simm.s32 $0x900;
	[smem:$0x7FF] =	sst s3  }
0x4: {  	s22 =	simm.s32 $0x1100;
	_ =	strace $0x80000047;
	[dreg:$0x7] =	wrdreg s21  }
0x5: {  	s23 =	simm.s32 $0x1900;
	[dreg:$0x8] =	wrdreg s22  }
0x6: {  	s24 =	simm.s32 $0x2100;
	[dreg:$0x9] =	wrdreg s23  }
0x7: {  	s25 =	simm.s32 $0x2900;
	[dreg:$0xa] =	wrdreg s24  }
0x8: {  	s2 =	stileid.u32;
	s26 =	simm.s32 $0x3100;
	[dreg:$0xb] =	wrdreg s25  }
0x9: {  	s5 =	sshll.u32 s2, $0x5;
	s2 =	simm.s32 $0x3900;
	[dreg:$0xc] =	wrdreg s26  }
0xa: {  	s4 =	srdreg.scid;
	s9 =	simm.s32 $0x6100;
	[dreg:$0xd] =	wrdreg s2  }
0xb: {  	s10 =	simm.s32 $0x6900;
	s11 =	simm.s32 $0x7100;
	[dreg:$0x12] =	wrdreg s9  }
0xc: {  	s12 =	simm.s32 $0x7900;
	s13 =	simm.s32 $0x8100;
	[dreg:$0x13] =	wrdreg s10  }
0xd: {  	s14 =	simm.s32 $0x8900;
	s15 =	simm.s32 $0x9100;
	[dreg:$0x14] =	wrdreg s11  }
0xe: {  	s16 =	simm.s32 $0x9900;
	s17 =	simm.s32 $0xA100;
	[dreg:$0x15] =	wrdreg s12  }
0xf: {  	s28 =	simm.s32 $0x16900;
	s29 =	simm.s32 $0x17100;
	[dreg:$0x16] =	wrdreg s13  }
0x10: {  	s30 =	simm.s32 $0x17900;
	s31 =	simm.s32 $0x1;
	[dreg:$0x17] =	wrdreg s14  }
0x11: {  	s4 =	sand.u32 $0x1, s4;
	s7 =	sadd.s32 $0x2C00, s0;
	[dreg:$0x18] =	wrdreg s15  }
0x12: {  	s0 =	sadd.s32 $0x2E00, s0;
	s6 =	sshll.u32 s4, $0x4;
	[dreg:$0x19] =	wrdreg s16  }
0x13: {  	s4 =	ssub.s32 $0x2, s4;
	[dreg:$0x1a] =	wrdreg s17;
	s21 =	simm.s32 $0xB100  }
0x14: {  	s22 =	simm.s32 $0xB900;
	s23 =	simm.s32 $0x80;
	s24 =	simm.s32 $0xC900  }
0x15: {  	s25 =	simm.s32 $0xD100;
	s26 =	simm.s32 $0xD900;
	[dreg:$0x1c] =	wrdreg s21  }
0x16: {  	s9 =	simm.s32 $0xC100;
	s12 =	simm.s32 $0xF100;
	[dreg:$0x1d] =	wrdreg s22  }
0x17: {  	s13 =	simm.s32 $0xF900;
	s14 =	simm.s32 $0x10100;
	[dreg:$0x1e] =	wrdreg s23  }
0x18: {  	s15 =	simm.s32 $0x10900;
	s16 =	simm.s32 $0x11100;
	[dreg:$0x1f] =	wrdreg s24  }
0x19: {  	s17 =	simm.s32 $0x11900;
	s5 =	sor.u32 s6, s5;
	[smem:$0x7FC] =	sst s25  }
0x1a: {  	s18 =	sshrl.u32 s4, $0x1;
	[smem:$0x7FD] =	sst s26;
	s21 =	simm.s32 $0x13900  }
0x1b: {  	s22 =	simm.s32 $0x14100;
	s23 =	simm.s32 $0x14900;
	s24 =	simm.s32 $0x15100  }
0x1c: {  	s25 =	simm.s32 $0x15900;
	s6 =	sadd.s32 s7, s5;
	s8 =	sor.u32 $0x8, s5  }
0x1d: {  	s26 =	simm.s32 $0x16100;
	[dreg:$0x3] =	wrdreg s6;
	s19 =	sadd.s32 s7, s8  }
0x1e: {  	s5 =	smul.u32 $0x300, s5;
	s6 =	simm.s32 $0x4900;
	[dreg:$0x4] =	wrdreg s19  }
0x1f: {  	s20 =	smul.u32 $0x300, s8;
	s7 =	simm.s32 $0x5100;
	[dreg:$0xf] =	wrdreg s6  }
0x20: {  	s8 =	simm.s32 $0x5900;
	s5 =	sadd.s32 s0, s5;
	[dreg:$0x10] =	wrdreg s7  }
0x21: {  	[dreg:$0x11] =	wrdreg s8;
	s19 =	simm.s32 $0xA900;
	s7 =	simm.s32 $0x3  }
0x22: {  	s8 =	simm.s32 $0x100;
	[dreg:$0x5] =	wrdreg s5;
	s0 =	sadd.s32 s0, s20  }
0x23: {  	s5 =	simm.s32 $0x4100;
	s20 =	ssub.s32 s4, s18;
	[dreg:$0x1b] =	wrdreg s19  }
0x24: {  	v2 =	vlaneseq.u32;
	s4 =	sadd.s32 $0x100, s1;
	s18 =	simm.s32 $0x12100;
	[dreg:$0x6] =	wrdreg s0  }
0x25: {  	vm0 =	vmmov $0xffff;
	v1 =	vshrl.u32 v2, $0x3;
	s19 =	simm.s32 $0x12900;
	[dreg:$0xe] =	wrdreg s5;
	s5 =	sadd.s32 $0x200, s1  }
0x26: {  	v0 =	vand.u32 $0x7, v2;
	v2 =	vor.u32 $0x8, v2;
	v1 =	vmul.u32 $0x8, v1;
	s6 =	smax.u32 s20, $0x1;
	s20 =	simm.s32 $0x13100;
	s0 =	simm.s32 $0x2  }
.LBB2_1:
0x27: {  	s2 =	rddreg [dreg:$0x3]  }
0x28: {  	[tilespmem:s3], [sflag:$0x3] =	stream.linear.gather [hbm4b:s2+s3], $0x40, $0x38;
	[tilespmem:$0x18100] =	vst v63  }
0x29: {  	_ =	swait.ge [sflag:s7], $0x40  }
0x2a: {  	[sflag:s7] =	ssyncset.done $0x0  }
0x2b: {  	[sflag:s7] =	ssyncadd.s32 $0xFFFFFFC0  }
0x2c: {  	v3 =	vld [tilespmem:$0x0];
	_ =	sdelay $0x4  }
0x2d: {  	v4 =	vshrl.u32 v3, $0x3  }
0x2e: {  	v4 =	vmul.u32 $0x30, v4  }
0x2f: {  	v3 =	vand.u32 $0x7, v3  }
0x30: {  	v3 =	vor.u32 v3, v4  }
0x31: {  	v4 =	vperm.xlane v3, v0;
	_ =	sdelay $0x1  }
0x32: {  	v4 =	vadd.s32 v1, v4;
	_ =	sdelay $0x3  }
0x33: {  	v3 =	vperm.xlane v3, v2  }
0x34: {  	[tilespmem:s8], [sflag:$0x1] =	stream.indirect_vreg.gather [hbm4b:s1+s3], $0x80, v4, vm0, $0xb8;
	[tilespmem:$0x18100] =	vst v63  }
0x35: {  	s11 =	rddreg [dreg:$0x7];
	v3 =	vadd.s32 v1, v3  }
0x36: {  	[tilespmem:s11], [sflag:$0x1] =	stream.indirect_vreg.gather [hbm4b:s4+s3], $0x80, v4, vm0, $0xb8;
	[tilespmem:$0x18100] =	vst v63  }
0x37: {  	s10 =	rddreg [dreg:$0x8]  }
0x38: {  	[tilespmem:s10], [sflag:$0x1] =	stream.indirect_vreg.gather [hbm4b:s5+s3], $0x80, v4, vm0, $0xb8;
	[tilespmem:$0x18100] =	vst v63  }
0x39: {  	s11 =	rddreg [dreg:$0x9]  }
0x3a: {  	[tilespmem:s11], [sflag:$0x1] =	stream.indirect_vreg.gather [hbm4b:s1+s3], $0x80, v3, vm0, $0xb8;
	[tilespmem:$0x18100] =	vst v63  }
0x3b: {  	s10 =	rddreg [dreg:$0xa]  }
0x3c: {  	[tilespmem:s10], [sflag:$0x1] =	stream.indirect_vreg.gather [hbm4b:s4+s3], $0x80, v3, vm0, $0xb8;
	[tilespmem:$0x18100] =	vst v63  }
0x3d: {  	s11 =	rddreg [dreg:$0xb]  }
0x3e: {  	[tilespmem:s11], [sflag:$0x1] =	stream.indirect_vreg.gather [hbm4b:s5+s3], $0x80, v3, vm0, $0xb8;
	[tilespmem:$0x18100] =	vst v63  }
0x3f: {  	v3 =	vld [tilespmem:$0x10];
	_ =	sdelay $0x4  }
0x40: {  	v57 =	vshrl.u32 v3, $0x3  }
0x41: {  	v4 =	vmul.u32 $0x30, v57  }
0x42: {  	v3 =	vand.u32 $0x7, v3  }
0x43: {  	v3 =	vor.u32 v3, v4  }
0x44: {  	v4 =	vperm.xlane v3, v0;
	_ =	sdelay $0x1  }
0x45: {  	v4 =	vadd.s32 v1, v4;
	_ =	sdelay $0x3  }
0x46: {  	s10 =	rddreg [dreg:$0xc];
	v3 =	vperm.xlane v3, v2  }
0x47: {  	[tilespmem:s10], [sflag:$0x1] =	stream.indirect_vreg.gather [hbm4b:s1+s3], $0x80, v4, vm0, $0xb8;
	[tilespmem:$0x18100] =	vst v63  }
0x48: {  	s11 =	rddreg [dreg:$0xd];
	v3 =	vadd.s32 v1, v3  }
0x49: {  	[tilespmem:s11], [sflag:$0x1] =	stream.indirect_vreg.gather [hbm4b:s4+s3], $0x80, v4, vm0, $0xb8;
	[tilespmem:$0x18100] =	vst v63  }
0x4a: {  	s2 =	rddreg [dreg:$0xe]  }
0x4b: {  	[tilespmem:s2], [sflag:$0x1] =	stream.indirect_vreg.gather [hbm4b:s5+s3], $0x80, v4, vm0, $0xb8;
	[tilespmem:$0x18100] =	vst v63  }
0x4c: {  	s11 =	rddreg [dreg:$0xf]  }
0x4d: {  	[tilespmem:s11], [sflag:$0x1] =	stream.indirect_vreg.gather [hbm4b:s1+s3], $0x80, v3, vm0, $0xb8;
	[tilespmem:$0x18100] =	vst v63  }
0x4e: {  	s2 =	rddreg [dreg:$0x10]  }
0x4f: {  	[tilespmem:s2], [sflag:$0x1] =	stream.indirect_vreg.gather [hbm4b:s4+s3], $0x80, v3, vm0, $0xb8;
	[tilespmem:$0x18100] =	vst v63  }
0x50: {  	s11 =	rddreg [dreg:$0x11]  }
0x51: {  	[tilespmem:s11], [sflag:$0x1] =	stream.indirect_vreg.gather [hbm4b:s5+s3], $0x80, v3, vm0, $0xb8;
	[tilespmem:$0x18100] =	vst v63  }
0x52: {  	v3 =	vld [tilespmem:$0x20];
	_ =	sdelay $0x4  }
0x53: {  	v58 =	vshrl.u32 v3, $0x3  }
0x54: {  	v4 =	vmul.u32 $0x30, v58  }
0x55: {  	v3 =	vand.u32 $0x7, v3  }
0x56: {  	v3 =	vor.u32 v3, v4  }
0x57: {  	v4 =	vperm.xlane v3, v0;
	_ =	sdelay $0x1  }
0x58: {  	v4 =	vadd.s32 v1, v4;
	_ =	sdelay $0x3  }
0x59: {  	s10 =	rddreg [dreg:$0x12];
	v3 =	vperm.xlane v3, v2  }
0x5a: {  	[tilespmem:s10], [sflag:$0x1] =	stream.indirect_vreg.gather [hbm4b:s1+s3], $0x80, v4, vm0, $0xb8;
	[tilespmem:$0x18100] =	vst v63  }
0x5b: {  	s11 =	rddreg [dreg:$0x13];
	v3 =	vadd.s32 v1, v3  }
0x5c: {  	[tilespmem:s11], [sflag:$0x1] =	stream.indirect_vreg.gather [hbm4b:s4+s3], $0x80, v4, vm0, $0xb8;
	[tilespmem:$0x18100] =	vst v63  }
0x5d: {  	s2 =	rddreg [dreg:$0x14]  }
0x5e: {  	[tilespmem:s2], [sflag:$0x1] =	stream.indirect_vreg.gather [hbm4b:s5+s3], $0x80, v4, vm0, $0xb8;
	[tilespmem:$0x18100] =	vst v63  }
0x5f: {  	s11 =	rddreg [dreg:$0x15]  }
0x60: {  	[tilespmem:s11], [sflag:$0x1] =	stream.indirect_vreg.gather [hbm4b:s1+s3], $0x80, v3, vm0, $0xb8;
	[tilespmem:$0x18100] =	vst v63  }
0x61: {  	s2 =	rddreg [dreg:$0x16]  }
0x62: {  	[tilespmem:s2], [sflag:$0x1] =	stream.indirect_vreg.gather [hbm4b:s4+s3], $0x80, v3, vm0, $0xb8;
	[tilespmem:$0x18100] =	vst v63  }
0x63: {  	s11 =	rddreg [dreg:$0x17]  }
0x64: {  	[tilespmem:s11], [sflag:$0x1] =	stream.indirect_vreg.gather [hbm4b:s5+s3], $0x80, v3, vm0, $0xb8;
	[tilespmem:$0x18100] =	vst v63  }
0x65: {  	v3 =	vld [tilespmem:$0x30];
	_ =	sdelay $0x4  }
0x66: {  	v59 =	vshrl.u32 v3, $0x3  }
0x67: {  	v4 =	vmul.u32 $0x30, v59  }
0x68: {  	v3 =	vand.u32 $0x7, v3  }
0x69: {  	v3 =	vor.u32 v3, v4  }
0x6a: {  	v4 =	vperm.xlane v3, v0;
	_ =	sdelay $0x1  }
0x6b: {  	v4 =	vadd.s32 v1, v4;
	_ =	sdelay $0x2  }
0x6c: {  	s10 =	rddreg [dreg:$0x19]  }
0x6d: {  	s11 =	rddreg [dreg:$0x18];
	v3 =	vperm.xlane v3, v2  }
0x6e: {  	[tilespmem:s11], [sflag:$0x1] =	stream.indirect_vreg.gather [hbm4b:s1+s3], $0x80, v4, vm0, $0xb8;
	[tilespmem:$0x18100] =	vst v63  }
0x6f: {  	s2 =	rddreg [dreg:$0x1d];
	v3 =	vadd.s32 v1, v3  }
0x70: {  	[tilespmem:s10], [sflag:$0x1] =	stream.indirect_vreg.gather [hbm4b:s4+s3], $0x80, v4, vm0, $0xb8;
	[tilespmem:$0x18100] =	vst v63  }
0x71: {  	s11 =	rddreg [dreg:$0x1a]  }
0x72: {  	[tilespmem:s11], [sflag:$0x1] =	stream.indirect_vreg.gather [hbm4b:s5+s3], $0x80, v4, vm0, $0xb8;
	[tilespmem:$0x18100] =	vst v63  }
0x73: {  	s10 =	rddreg [dreg:$0x1b]  }
0x74: {  	[tilespmem:s10], [sflag:$0x1] =	stream.indirect_vreg.gather [hbm4b:s1+s3], $0x80, v3, vm0, $0xb8;
	[tilespmem:$0x18100] =	vst v63  }
0x75: {  	s11 =	rddreg [dreg:$0x1c]  }
0x76: {  	[tilespmem:s11], [sflag:$0x1] =	stream.indirect_vreg.gather [hbm4b:s4+s3], $0x80, v3, vm0, $0xb8;
	[tilespmem:$0x18100] =	vst v63  }
0x77: {  	s10 =	rddreg [dreg:$0x4]  }
0x78: {  	[tilespmem:s2], [sflag:$0x1] =	stream.indirect_vreg.gather [hbm4b:s5+s3], $0x80, v3, vm0, $0xb8;
	[tilespmem:$0x18100] =	vst v63  }
0x79: {  	s11 =	rddreg [dreg:$0x1e]  }
0x7a: {  	[tilespmem:s11], [sflag:$0x3] =	stream.linear.gather [hbm4b:s10+s3], $0x40, $0x38;
	[tilespmem:$0x18100] =	vst v63  }
0x7b: {  	_ =	swait.ge [sflag:s7], $0x40  }
0x7c: {  	[sflag:s7] =	ssyncset.done $0x0  }
0x7d: {  	[sflag:s7] =	ssyncadd.s32 $0xFFFFFFC0  }
0x7e: {  	v3 =	vld [tilespmem:$0x80];
	_ =	sdelay $0x4  }
0x7f: {  	v60 =	vshrl.u32 v3, $0x3  }
0x80: {  	v4 =	vmul.u32 $0x30, v60  }
0x81: {  	v3 =	vand.u32 $0x7, v3  }
0x82: {  	v3 =	vor.u32 v3, v4  }
0x83: {  	v4 =	vperm.xlane v3, v0;
	_ =	sdelay $0x1  }
0x84: {  	v4 =	vadd.s32 v1, v4;
	_ =	sdelay $0x3  }
0x85: {  	s11 =	rddreg [dreg:$0x1f];
	v3 =	vperm.xlane v3, v2  }
0x86: {  	[tilespmem:s9], [sflag:$0x1] =	stream.indirect_vreg.gather [hbm4b:s1+s3], $0x80, v4, vm0, $0xb8;
	[tilespmem:$0x18100] =	vst v63  }
0x87: {  	s10 =	sld [smem:$0x7FC];
	v3 =	vadd.s32 v1, v3  }
0x88: {  	[tilespmem:s11], [sflag:$0x1] =	stream.indirect_vreg.gather [hbm4b:s4+s3], $0x80, v4, vm0, $0xb8;
	[tilespmem:$0x18100] =	vst v63  }
0x89: {  	s11 =	sld [smem:$0x7FD]  }
0x8a: {  	[tilespmem:s10], [sflag:$0x1] =	stream.indirect_vreg.gather [hbm4b:s5+s3], $0x80, v4, vm0, $0xb8;
	[tilespmem:$0x18100] =	vst v63  }
0x8b: {  	_ = 	snop  }
0x8c: {  	[tilespmem:s11], [sflag:$0x1] =	stream.indirect_vreg.gather [hbm4b:s1+s3], $0x80, v3, vm0, $0xb8;
	[tilespmem:$0x18100] =	vst v63  }
0x8d: {  	s10 =	simm.s32 $0xE100  }
0x8e: {  	[tilespmem:s10], [sflag:$0x1] =	stream.indirect_vreg.gather [hbm4b:s4+s3], $0x80, v3, vm0, $0xb8;
	[tilespmem:$0x18100] =	vst v63  }
0x8f: {  	s11 =	simm.s32 $0xE900  }
0x90: {  	[tilespmem:s11], [sflag:$0x1] =	stream.indirect_vreg.gather [hbm4b:s5+s3], $0x80, v3, vm0, $0xb8;
	[tilespmem:$0x18100] =	vst v63  }
0x91: {  	v3 =	vld [tilespmem:$0x90];
	_ =	sdelay $0x4  }
0x92: {  	v61 =	vshrl.u32 v3, $0x3  }
0x93: {  	v4 =	vmul.u32 $0x30, v61  }
0x94: {  	v3 =	vand.u32 $0x7, v3  }
0x95: {  	v3 =	vor.u32 v3, v4  }
0x96: {  	v4 =	vperm.xlane v3, v0;
	_ =	sdelay $0x1  }
0x97: {  	v4 =	vadd.s32 v1, v4;
	_ =	sdelay $0x3  }
0x98: {  	v3 =	vperm.xlane v3, v2  }
0x99: {  	[tilespmem:s12], [sflag:$0x1] =	stream.indirect_vreg.gather [hbm4b:s1+s3], $0x80, v4, vm0, $0xb8;
	[tilespmem:$0x18100] =	vst v63  }
0x9a: {  	v3 =	vadd.s32 v1, v3  }
0x9b: {  	[tilespmem:s13], [sflag:$0x1] =	stream.indirect_vreg.gather [hbm4b:s4+s3], $0x80, v4, vm0, $0xb8;
	[tilespmem:$0x18100] =	vst v63  }
0x9c: {  	_ = 	snop  }
0x9d: {  	[tilespmem:s14], [sflag:$0x1] =	stream.indirect_vreg.gather [hbm4b:s5+s3], $0x80, v4, vm0, $0xb8;
	[tilespmem:$0x18100] =	vst v63  }
0x9e: {  	_ = 	snop  }
0x9f: {  	[tilespmem:s15], [sflag:$0x1] =	stream.indirect_vreg.gather [hbm4b:s1+s3], $0x80, v3, vm0, $0xb8;
	[tilespmem:$0x18100] =	vst v63  }
0xa0: {  	_ = 	snop  }
0xa1: {  	[tilespmem:s16], [sflag:$0x1] =	stream.indirect_vreg.gather [hbm4b:s4+s3], $0x80, v3, vm0, $0xb8;
	[tilespmem:$0x18100] =	vst v63  }
0xa2: {  	_ = 	snop  }
0xa3: {  	[tilespmem:s17], [sflag:$0x1] =	stream.indirect_vreg.gather [hbm4b:s5+s3], $0x80, v3, vm0, $0xb8;
	[tilespmem:$0x18100] =	vst v63  }
0xa4: {  	v3 =	vld [tilespmem:$0xA0];
	_ =	sdelay $0x4  }
0xa5: {  	v62 =	vshrl.u32 v3, $0x3  }
0xa6: {  	v4 =	vmul.u32 $0x30, v62  }
0xa7: {  	v3 =	vand.u32 $0x7, v3  }
0xa8: {  	v3 =	vor.u32 v3, v4  }
0xa9: {  	v4 =	vperm.xlane v3, v0;
	_ =	sdelay $0x1  }
0xaa: {  	v4 =	vadd.s32 v1, v4;
	_ =	sdelay $0x3  }
0xab: {  	v3 =	vperm.xlane v3, v2  }
0xac: {  	[tilespmem:s18], [sflag:$0x1] =	stream.indirect_vreg.gather [hbm4b:s1+s3], $0x80, v4, vm0, $0xb8;
	[tilespmem:$0x18100] =	vst v63  }
0xad: {  	v3 =	vadd.s32 v1, v3  }
0xae: {  	[tilespmem:s19], [sflag:$0x1] =	stream.indirect_vreg.gather [hbm4b:s4+s3], $0x80, v4, vm0, $0xb8;
	[tilespmem:$0x18100] =	vst v63  }
0xaf: {  	_ = 	snop  }
0xb0: {  	[tilespmem:s20], [sflag:$0x1] =	stream.indirect_vreg.gather [hbm4b:s5+s3], $0x80, v4, vm0, $0xb8;
	[tilespmem:$0x18100] =	vst v63  }
0xb1: {  	_ = 	snop  }
0xb2: {  	[tilespmem:s21], [sflag:$0x1] =	stream.indirect_vreg.gather [hbm4b:s1+s3], $0x80, v3, vm0, $0xb8;
	[tilespmem:$0x18100] =	vst v63  }
0xb3: {  	_ = 	snop  }
0xb4: {  	[tilespmem:s22], [sflag:$0x1] =	stream.indirect_vreg.gather [hbm4b:s4+s3], $0x80, v3, vm0, $0xb8;
	[tilespmem:$0x18100] =	vst v63  }
0xb5: {  	_ = 	snop  }
0xb6: {  	[tilespmem:s23], [sflag:$0x1] =	stream.indirect_vreg.gather [hbm4b:s5+s3], $0x80, v3, vm0, $0xb8;
	[tilespmem:$0x18100] =	vst v63  }
0xb7: {  	v3 =	vld [tilespmem:$0xB0];
	_ =	sdelay $0x4  }
0xb8: {  	v63 =	vshrl.u32 v3, $0x3  }
0xb9: {  	v4 =	vmul.u32 $0x30, v63  }
0xba: {  	v3 =	vand.u32 $0x7, v3  }
0xbb: {  	v3 =	vor.u32 v3, v4  }
0xbc: {  	v4 =	vperm.xlane v3, v0;
	_ =	sdelay $0x1  }
0xbd: {  	v4 =	vadd.s32 v1, v4;
	_ =	sdelay $0x3  }
0xbe: {  	v3 =	vperm.xlane v3, v2  }
0xbf: {  	[tilespmem:s24], [sflag:$0x1] =	stream.indirect_vreg.gather [hbm4b:s1+s3], $0x80, v4, vm0, $0xb8;
	[tilespmem:$0x18100] =	vst v63  }
0xc0: {  	v3 =	vadd.s32 v1, v3  }
0xc1: {  	[tilespmem:s25], [sflag:$0x1] =	stream.indirect_vreg.gather [hbm4b:s4+s3], $0x80, v4, vm0, $0xb8;
	[tilespmem:$0x18100] =	vst v63  }
0xc2: {  	_ = 	snop  }
0xc3: {  	[tilespmem:s26], [sflag:$0x1] =	stream.indirect_vreg.gather [hbm4b:s5+s3], $0x80, v4, vm0, $0xb8;
	[tilespmem:$0x18100] =	vst v63  }
0xc4: {  	_ = 	snop  }
0xc5: {  	[tilespmem:s28], [sflag:$0x1] =	stream.indirect_vreg.gather [hbm4b:s1+s3], $0x80, v3, vm0, $0xb8;
	[tilespmem:$0x18100] =	vst v63  }
0xc6: {  	_ = 	snop  }
0xc7: {  	[tilespmem:s29], [sflag:$0x1] =	stream.indirect_vreg.gather [hbm4b:s4+s3], $0x80, v3, vm0, $0xb8;
	[tilespmem:$0x18100] =	vst v63  }
0xc8: {  	_ = 	snop  }
0xc9: {  	[tilespmem:s30], [sflag:$0x1] =	stream.indirect_vreg.gather [hbm4b:s5+s3], $0x80, v3, vm0, $0xb8;
	[tilespmem:$0x18100] =	vst v63  }
0xca: {  	_ =	swait.ge [sflag:s31], $0xC000  }
0xcb: {  	[sflag:s31] =	ssyncset.done $0x0  }
0xcc: {  	s10 =	rddreg [dreg:$0x5];
	[sflag:s31] =	ssyncadd.s32 $0xFFFF4000  }
0xcd: {  	[hbm4b:s10+s3] =	stream.linear.scatter [tilespmem:s8], [sflag:$0x2], $0xC000, $0x38;
	[tilespmem:$0x18100] =	vst v63  }
0xce: {  	_ =	swait.ge [sflag:s31], $0xC000  }
0xcf: {  	[sflag:s31] =	ssyncset.done $0x0  }
0xd0: {  	s11 =	rddreg [dreg:$0x6];
	[sflag:s31] =	ssyncadd.s32 $0xFFFF4000  }
0xd1: {  	[hbm4b:s11+s3] =	stream.linear.scatter [tilespmem:s9], [sflag:$0x2], $0xC000, $0x38;
	[tilespmem:$0x18100] =	vst v63  }
0xd2: {  	p0 =	sne.s32 s6, $0x1;
	_ =	swait.ge [sflag:s0], $0xC000  }
.Ltmp0:
0xd3: {  	[sflag:s0] =	ssyncset.done $0x0;
	(pc) =	sbr.rel @p0 .LBB2_1-.Ltmp0, $4  }
0xd4: {  	[sflag:s0] =	ssyncadd.s32 $0xFFFF4000  }
0xd5: {  	_ =	swait.ge [sflag:s0], $0xC000  }
0xd6: {  	[sflag:s0] =	ssyncset.done $0x0  }
0xd7: {  	s6 =	sadd.s32 $0xFFFFFFFF, s6;
	[sflag:s0] =	ssyncadd.s32 $0xFFFF4000  }
0xd8: {  	_ =	sfence.sel $0x180000  }
0xd9: {  	[bflag:$0x0] =	sbarrier.arrive $0xFFFF  }
0xda: {  	_ =	strace $0x90000047  }
0xdb: {  	s0 =	stileid.u32;
	[bflag:$0x2] =	sbarrier.arrive $0xFFFF  }
0xdc: {  	p0 =	sne.s32 s0, $0x0;
	s0 =	rddreg [dreg:$0x2]  }
0xdd: {  	s0 =	sadd.s32 @!p0 $0x100000, s0  }
0xde: {  	[sflag:s0] =	ssyncadd.tile.s32 @!p0 $0x1;
	_ =	shalt  }
.Lfunc_end2:
_tile_overlayer_lowered:
.L_overlay_start_2:
0xdf: {  	(tag) =	ssettag $0x2  }
0xe0: {  	s0 =	rddreg [dreg:$0x0];
	s2 =	stileid.u32  }
0xe1: {  	s1 =	rddreg [dreg:$0x1];
	p0 =	sne.s32 s2, $0x0  }
0xe2: {  	s3 =	rddreg [dreg:$0x2];
	[bflag:$0x3] =	sbarrier.arrive $0xFFFF;
	s2 =	simm.s32 @!p0 $0x1C03  }
0xe3: {  	[timem:s3], [sflag:s2] =	dma.local @!p0 [hbm:s0], s1  }
0xe4: {  	s0 =	simm.s32 @!p0 $0x3  }
0xe5: {  	_ =	swait.ge @!p0 [sflag:s0], s1  }
0xe6: {  	s1 =	ssub.s32 @!p0 $0x0, s1;
	[sflag:s0] =	ssyncset.done @!p0 $0x0  }
0xe7: {  	[sflag:s0] =	ssyncadd.s32 @!p0 s1  }
0xe8: {  	[bflag:$0x3] =	sbarrier.arrive $0xFFFF  }
0xe9: {  	_ =	shalt  }

</sc_bundles>
